<compile_context>
chip_gen: v7x
topology: tpu7x:2x2x1
jax: 0.10.2.dev20260603
libtpu: 0.0.44.dev20260713+nightly
codegen_flags: <defaults>
</compile_context>

<pallas_src>
import functools

import jax
import jax.numpy as jnp
from jax import lax
from jax.experimental import pallas as pl
from jax.experimental.pallas import tpu as pltpu
from jax.experimental.pallas import tpu_sc as plsc

N = 320000
D = 128
B = 1024
NC, NS, L = 2, 16, 16
NW = NC * NS
SPW = B // NW
R = 256
PAD = 16
NQ = D // L
_NBLK = N // PAD
_BITS = 15
BIG = N + 1


def _cummin(v):
    return -plsc.cummax(-v)


def _sufmin(v):
    return lax.rev(_cummin(lax.rev(v, (0,))), (0,))


_ROUNDS = 5


def _lower_bound2(mem_hbm, sb1, sb2, sem1, sem2, t1, t2):
    iota = lax.iota(jnp.int32, L)

    def probe(c, sbuf, sem):
        lo, sz = c
        pos = lo + lax.div(sz * iota, L)
        rows = jnp.minimum(pos, _NBLK - 1) * PAD
        return pltpu.async_copy(mem_hbm.at[rows], sbuf, sem), pos

    def upd(c, target, sbuf, pos):
        lo, sz = c
        heads = jnp.where(pos >= _NBLK, jnp.int32(B), sbuf[:])
        cnt = jnp.sum(jnp.where(heads < target, jnp.int32(1), jnp.int32(0)))
        lo2 = jnp.where(cnt == 0, lo, lo + lax.div(sz * (cnt - 1), L) + 1)
        hi2 = jnp.where(cnt >= L, lo + sz,
                        jnp.where(cnt == 0, lo, lo + lax.div(sz * cnt, L)))
        return (lo2, hi2 - lo2)

    def body(_, c):
        c1, c2 = c
        d1, pos1 = probe(c1, sb1, sem1)
        d2, pos2 = probe(c2, sb2, sem2)
        d1.wait()
        d2.wait()
        return (upd(c1, t1, sb1, pos1), upd(c2, t2, sb2, pos2))

    init = (jnp.int32(0), jnp.int32(_NBLK))
    (kb1, _), (kb2, _) = lax.fori_loop(0, _ROUNDS, body, (init, init))
    base1 = jnp.maximum(kb1 - 1, 0) * PAD
    base2 = jnp.maximum(kb2 - 1, 0) * PAD
    d1 = pltpu.async_copy(mem_hbm.at[pl.ds(base1, PAD)], sb1, sem1)
    d2 = pltpu.async_copy(mem_hbm.at[pl.ds(base2, PAD)], sb2, sem2)
    d1.wait()
    d2.wait()
    cnt1 = jnp.sum(jnp.where(sb1[:] < t1, jnp.int32(1), jnp.int32(0)))
    cnt2 = jnp.sum(jnp.where(sb2[:] < t2, jnp.int32(1), jnp.int32(0)))
    return base1 + cnt1, base2 + cnt2


def _sc_body(atom_hbm, mem_hbm, out_hbm, fbuf, mbuf, sbuf, sbuf2, bnd, acc,
             sem_f, sem_m, sem_s, sem_s2):
    c = lax.axis_index("c")
    s = lax.axis_index("s")
    wid = s * NC + c
    seg0 = (wid * SPW).astype(jnp.int32)

    start, end = _lower_bound2(mem_hbm, sbuf, sbuf2, sem_s, sem_s2,
                               seg0, seg0 + SPW)

    zero = jnp.zeros((L,), jnp.float32)
    ninf = jnp.full((L,), -jnp.inf, jnp.float32)
    iota = lax.iota(jnp.int32, L)

    def init_seg(i, _):
        for j in range(NQ):
            acc[i, L * j:L * (j + 1)] = zero
            acc[i, D + L * j:D + L * (j + 1)] = ninf
        return 0

    lax.fori_loop(0, SPW, init_seg, 0)

    bnd[0:L] = jnp.full((L,), BIG, jnp.int32)
    bnd[L:2 * L] = jnp.full((L,), BIG, jnp.int32)
    bnd[2 * L:3 * L] = jnp.where(iota == 0, end, BIG)

    n = end - start
    nb = lax.div(n + (R - 1), R)

    def offsets(g):
        lo_g = start + g * R
        off = jnp.minimum(lo_g, N - R)
        moff = lax.div(off, PAD) * PAD - PAD
        moff = jnp.minimum(moff, N - (R + 2 * PAD))
        moff = pl.multiple_of(jnp.maximum(moff, 0), PAD)
        return lo_g, off, moff

    def issue(g, p):
        _, off, moff = offsets(g)
        pltpu.async_copy(atom_hbm.at[pl.ds(off, R), :], fbuf.at[p], sem_f.at[p])
        pltpu.async_copy(mem_hbm.at[pl.ds(moff, R + 2 * PAD)], mbuf.at[p],
                         sem_m.at[p])

    @pl.when(nb > 0)
    def _():
        issue(jnp.int32(0), jnp.int32(0))

    @pl.when(nb > 1)
    def _():
        issue(jnp.int32(1), jnp.int32(1))

    def block(g, carry):
        si, p, *vregs = carry
        lo_g, off, moff = offsets(g)
        hi_g = jnp.minimum(lo_g + R, end)
        pltpu.make_async_copy(
            mem_hbm.at[pl.ds(moff, R + 2 * PAD)], mbuf.at[p], sem_m.at[p]).wait()

        sh = off - moff
        a2 = lo_g - off
        b2 = hi_g - off

        def scan_tile(t, _):
            r0 = t * L
            mv = mbuf[p, pl.ds(sh + r0, L)]
            prev = mbuf[p, pl.ds(jnp.maximum(sh + r0 - 1, 0), L)]
            r_loc = r0 + iota
            mask = ((mv != prev) | (off + r_loc == start)) \
                & (r_loc >= a2) & (r_loc < b2)
            plsc.store_scatter(bnd, [mv - seg0], off + r_loc, mask=mask)
            return 0

        lax.fori_loop(0, R // L, scan_tile, 0)

        t2 = _sufmin(bnd[2 * L:3 * L])
        t1 = jnp.minimum(_sufmin(bnd[L:2 * L]), jnp.broadcast_to(t2[0], (L,)))
        t0 = jnp.minimum(_sufmin(bnd[0:L]), jnp.broadcast_to(t1[0], (L,)))
        bnd[0:L] = t0
        bnd[L:2 * L] = t1
        bnd[2 * L:3 * L] = t2

        w0 = jnp.where((t0 <= hi_g) & (iota >= 1), jnp.int32(1), jnp.int32(0))
        w1 = jnp.where(t1 <= hi_g, jnp.int32(1), jnp.int32(0))
        w2 = jnp.where((t2 <= hi_g) & (iota == 0), jnp.int32(1), jnp.int32(0))
        cnt = jnp.sum(w0 + w1 + w2)
        trips = cnt - si + jnp.where(hi_g < end, jnp.int32(1), jnp.int32(0))

        pltpu.make_async_copy(
            atom_hbm.at[pl.ds(off, R), :], fbuf.at[p], sem_f.at[p]).wait()

        @pl.when(g + 2 < nb)
        def _():
            p2 = jnp.where(p == 0, jnp.int32(2), p - 1)
            issue(g + 2, p2)

        def run(_, rc):
            si_r, pos_l, *vr = rc
            sv = vr[:NQ]
            mv_ = vr[NQ:]
            nxt = plsc.load_gather(
                bnd, [jnp.full((L,), si_r + 1, jnp.int32)])[0]
            re_l = jnp.minimum(nxt, hi_g) - off

            def row(r, rcv):
                svi = rcv[:NQ]
                mvi = rcv[NQ:]
                out = []
                for q in range(NQ):
                    f = fbuf[p, r, L * q:L * (q + 1)]
                    out.append(svi[q] + f)
                for q in range(NQ):
                    f = fbuf[p, r, L * q:L * (q + 1)]
                    out.append(jnp.maximum(mvi[q], f))
                return out

            vr2 = lax.fori_loop(pos_l, re_l, row, list(sv) + list(mv_))
            sv2 = vr2[:NQ]
            mv2 = vr2[NQ:]
            ended = nxt <= hi_g

            @pl.when(ended)
            def _():
                for q in range(NQ):
                    acc[si_r, L * q:L * (q + 1)] = sv2[q]
                    acc[si_r, D + L * q:D + L * (q + 1)] = mv2[q]

            si2 = jnp.where(ended, si_r + 1, si_r)
            sv3 = [jnp.where(ended, zero, x) for x in sv2]
            mv3 = [jnp.where(ended, ninf, x) for x in mv2]
            return [si2, re_l] + sv3 + mv3

        rc = lax.fori_loop(0, trips, run,
                           [si, a2] + list(vregs))
        p_next = jnp.where(p == 2, jnp.int32(0), p + 1)
        return [rc[0], p_next] + rc[2:]

    init_carry = [jnp.int32(0), jnp.int32(0)] + [zero] * NQ + [ninf] * NQ
    lax.fori_loop(0, nb, block, init_carry)

    pltpu.sync_copy(acc, out_hbm.at[pl.ds(seg0, SPW), :])


@jax.jit
def _graph_gather(atom_features, mem_padded):
    mesh = plsc.VectorSubcoreMesh(core_axis_name="c", subcore_axis_name="s")
    return pl.kernel(
        _sc_body,
        out_type=jax.ShapeDtypeStruct((B, 2 * D), jnp.float32),
        mesh=mesh,
        compiler_params=pltpu.CompilerParams(
            use_tc_tiling_on_sc=False, needs_layout_passes=False),
        scratch_types=[
            pltpu.VMEM((3, R, D), jnp.float32),
            pltpu.VMEM((3, R + 2 * PAD), jnp.int32),
            pltpu.VMEM((PAD,), jnp.int32),
            pltpu.VMEM((PAD,), jnp.int32),
            pltpu.VMEM((3 * L,), jnp.int32),
            pltpu.VMEM((SPW, 2 * D), jnp.float32),
            pltpu.SemaphoreType.DMA((3,)),
            pltpu.SemaphoreType.DMA((3,)),
            pltpu.SemaphoreType.DMA,
            pltpu.SemaphoreType.DMA,
        ],
    )(atom_features, mem_padded)


def kernel(atom_features, pair_features, membership):
    del pair_features
    return _graph_gather(atom_features, membership.astype(jnp.int32))

# --- scband reference (transcript-rebuilt; emitter-appended) ---
"""Pipeline reference for scband-graph-gather-29746943492201 (READ-ONLY COPY).

The authoritative reference and input builder live on the scoring server;
editing this copy changes nothing except your own understanding.
"""

import jax, jax.numpy as jnp
import numpy as np

BATCH_SIZE = 1024

def setup_inputs(seed: int = 0) -> dict:
    key = jax.random.key(seed)
    k1, k2, k3 = jax.random.split(key, 3)
    atom_features = jax.random.normal(k1, (320000, 128), dtype=jnp.float32)
    pair_features = jax.random.normal(k2, (320000, 16), dtype=jnp.float32)
    membership = jnp.sort(jax.random.randint(k3, (320000,), 0, BATCH_SIZE)).astype(jnp.int64)
    return {"atom_features": atom_features, "pair_features": pair_features, "membership": membership}

def reference(atom_features, pair_features, membership):
    # GraphGather.call: inputs[0]=atom_features, inputs[1]=pair_features (unused), inputs[2]=membership
    sparse_reps = jax.ops.segment_sum(atom_features, membership, num_segments=BATCH_SIZE)
    max_reps = jax.ops.segment_max(atom_features, membership, num_segments=BATCH_SIZE)
    mol_features = jnp.concatenate([sparse_reps, max_reps], axis=1)
    # activation_fn is None -> identity
    return mol_features

if __name__ == "__main__":
    import jax
    _d = setup_inputs()
    print(jax.jit(kernel)(*tuple(_d.values())))

</pallas_src>

<mosaic_0001>
#map = affine_map<(d0, d1) -> (0, 0)>
#map1 = affine_map<(d0, d1) -> (0)>
module attributes {stable_mosaic.version = 14 : i64} {
  func.func @_sc_body(%arg0: i32, %arg1: i32, %arg2: memref<320000x128xf32, #tpu.memory_space<hbm>>, %arg3: memref<320000xi32, #tpu.memory_space<hbm>>, %arg4: memref<1024x256xf32, #tpu.memory_space<hbm>>, %arg5: memref<3x256x128xf32, #tpu.memory_space<vmem>>, %arg6: memref<3x288xi32, #tpu.memory_space<vmem>>, %arg7: memref<16xi32, #tpu.memory_space<vmem>>, %arg8: memref<16xi32, #tpu.memory_space<vmem>>, %arg9: memref<48xi32, #tpu.memory_space<vmem>>, %arg10: memref<32x256xf32, #tpu.memory_space<vmem>>, %arg11: memref<3x!tpu.dma_semaphore, #tpu.memory_space<semaphore_mem>>, %arg12: memref<3x!tpu.dma_semaphore, #tpu.memory_space<semaphore_mem>>, %arg13: memref<!tpu.dma_semaphore, #tpu.memory_space<semaphore_mem>>, %arg14: memref<!tpu.dma_semaphore, #tpu.memory_space<semaphore_mem>>) attributes {dimension_semantics = [#tpu.dimension_semantics<core_parallel>, #tpu.dimension_semantics<subcore_parallel>], iteration_bounds = array<i64: 2, 16>, scalar_prefetch = 0 : i64, scratch_operands = 10 : i64, tpu.core_type = #tpu.core_type<sc_vector_subcore>, window_params = [{transform_indices = #map}, {transform_indices = #map1}, {transform_indices = #map}]} {
    %mul3A = arith.constant 2 : i32
    %mul3A_0 = arith.muli %arg1, %mul3A : i32
    %add3A = arith.addi %mul3A_0, %arg0 : i32
    %mul3A_1 = arith.constant 32 : i32
    %mul3A_2 = arith.muli %add3A, %mul3A_1 : i32
    %add3A_3 = arith.constant 32 : i32
    %add3A_4 = arith.addi %mul3A_2, %add3A_3 : i32
    %iota3A = tpu.iota {dimensions = array<i32: 0>} : vector<16xi32>
    %scan3A = arith.constant 0 : i32
    %scan3A_5 = arith.constant 20000 : i32
    %scan3A_6 = arith.constant 0 : i32
    %scan3A_7 = arith.constant 20000 : i32
    %scan3A_8 = arith.constant 0 : i32
    %scan3A_9 = arith.constant 5 : i32
    %scan3A_10 = arith.addi %scan3A_8, %scan3A_9 : i32
    %scan3A_11 = arith.constant 1 : i32
    %scan3A_12:4 = scf.for %scan3A_102 = %scan3A_8 to %scan3A_10 step %scan3A_11 iter_args(%scan3A_103 = %scan3A, %scan3A_104 = %scan3A_5, %scan3A_105 = %scan3A_6, %scan3A_106 = %scan3A_7) -> (i32, i32, i32, i32)  : i32 {
      %mul3A_107 = vector.broadcast %scan3A_104 : i32 to vector<16xi32>
      %mul3A_108 = arith.muli %mul3A_107, %iota3A : vector<16xi32>
      %div3A_109 = arith.constant 16 : i32
      %div3A_110 = vector.broadcast %div3A_109 : i32 to vector<16xi32>
      %div3A_111 = arith.divsi %mul3A_108, %div3A_110 : vector<16xi32>
      %add3A_112 = vector.broadcast %scan3A_103 : i32 to vector<16xi32>
      %add3A_113 = arith.addi %add3A_112, %div3A_111 : vector<16xi32>
      %min3A = arith.constant 19999 : i32
      %min3A_114 = vector.broadcast %min3A : i32 to vector<16xi32>
      %min3A_115 = arith.minsi %add3A_113, %min3A_114 : vector<16xi32>
      %mul3A_116 = arith.constant 16 : i32
      %mul3A_117 = vector.broadcast %mul3A_116 : i32 to vector<16xi32>
      %mul3A_118 = arith.muli %min3A_115, %mul3A_117 : vector<16xi32>
      %dma_start3A_119 = arith.constant 0 : i32
      %dma_start3A_120 = tpu.memref_slice %arg3[%dma_start3A_119] : memref<320000xi32, #tpu.memory_space<hbm>> -> memref<320000xi32, #tpu.memory_space<hbm>>
      tpu.enqueue_indirect_dma source(%dma_start3A_120 : memref<320000xi32, #tpu.memory_space<hbm>>) target(%arg7 : memref<16xi32, #tpu.memory_space<vmem>>) offsets(%mul3A_118 : vector<16xi32>) semaphore(%arg13 : memref<!tpu.dma_semaphore, #tpu.memory_space<semaphore_mem>>)
      %mul3A_121 = vector.broadcast %scan3A_106 : i32 to vector<16xi32>
      %mul3A_122 = arith.muli %mul3A_121, %iota3A : vector<16xi32>
      %div3A_123 = arith.constant 16 : i32
      %div3A_124 = vector.broadcast %div3A_123 : i32 to vector<16xi32>
      %div3A_125 = arith.divsi %mul3A_122, %div3A_124 : vector<16xi32>
      %add3A_126 = vector.broadcast %scan3A_105 : i32 to vector<16xi32>
      %add3A_127 = arith.addi %add3A_126, %div3A_125 : vector<16xi32>
      %min3A_128 = arith.constant 19999 : i32
      %min3A_129 = vector.broadcast %min3A_128 : i32 to vector<16xi32>
      %min3A_130 = arith.minsi %add3A_127, %min3A_129 : vector<16xi32>
      %mul3A_131 = arith.constant 16 : i32
      %mul3A_132 = vector.broadcast %mul3A_131 : i32 to vector<16xi32>
      %mul3A_133 = arith.muli %min3A_130, %mul3A_132 : vector<16xi32>
      %dma_start3A_134 = arith.constant 0 : i32
      %dma_start3A_135 = tpu.memref_slice %arg3[%dma_start3A_134] : memref<320000xi32, #tpu.memory_space<hbm>> -> memref<320000xi32, #tpu.memory_space<hbm>>
      tpu.enqueue_indirect_dma source(%dma_start3A_135 : memref<320000xi32, #tpu.memory_space<hbm>>) target(%arg8 : memref<16xi32, #tpu.memory_space<vmem>>) offsets(%mul3A_133 : vector<16xi32>) semaphore(%arg14 : memref<!tpu.dma_semaphore, #tpu.memory_space<semaphore_mem>>)
      %dma_wait3A_136 = arith.constant 0 : i32
      %dma_wait3A_137 = tpu.memref_slice %arg3[%dma_wait3A_136] : memref<320000xi32, #tpu.memory_space<hbm>> -> memref<320000xi32, #tpu.memory_space<hbm>>
      tpu.wait_indirect_dma semaphore(%arg13 : memref<!tpu.dma_semaphore, #tpu.memory_space<semaphore_mem>>) src(%dma_wait3A_137 : memref<320000xi32, #tpu.memory_space<hbm>>) dst(%arg7 : memref<16xi32, #tpu.memory_space<vmem>>)
      %dma_wait3A_138 = arith.constant 0 : i32
      %dma_wait3A_139 = tpu.memref_slice %arg3[%dma_wait3A_138] : memref<320000xi32, #tpu.memory_space<hbm>> -> memref<320000xi32, #tpu.memory_space<hbm>>
      tpu.wait_indirect_dma semaphore(%arg14 : memref<!tpu.dma_semaphore, #tpu.memory_space<semaphore_mem>>) src(%dma_wait3A_139 : memref<320000xi32, #tpu.memory_space<hbm>>) dst(%arg8 : memref<16xi32, #tpu.memory_space<vmem>>)
      %ge3A = arith.constant 20000 : i32
      %ge3A_140 = vector.broadcast %ge3A : i32 to vector<16xi32>
      %ge3A_141 = arith.cmpi sge, %add3A_113, %ge3A_140 : vector<16xi32>
      %get3A_142 = arith.constant 0 : index
      %get3A_143 = tpu.vector_load %arg7[%get3A_142] {strides = array<i32>} : memref<16xi32, #tpu.memory_space<vmem>>, vector<16xi32>,
      %jit3A_144 = arith.constant 1024 : i32
      %broadcast_in_dim3A_145 = vector.broadcast %jit3A_144 : i32 to vector<16xi32>
      %select_n3A_146 = arith.select %ge3A_141, %broadcast_in_dim3A_145, %get3A_143 : vector<16xi1>, vector<16xi32>
      %lt3A_147 = vector.broadcast %mul3A_2 : i32 to vector<16xi32>
      %lt3A_148 = arith.cmpi slt, %select_n3A_146, %lt3A_147 : vector<16xi32>
      %jit3A_149 = arith.constant 1 : i32
      %jit3A_150 = arith.constant 0 : i32
      %broadcast_in_dim3A_151 = vector.broadcast %jit3A_149 : i32 to vector<16xi32>
      %broadcast_in_dim3A_152 = vector.broadcast %jit3A_150 : i32 to vector<16xi32>
      %select_n3A_153 = arith.select %lt3A_148, %broadcast_in_dim3A_151, %broadcast_in_dim3A_152 : vector<16xi1>, vector<16xi32>
      %reduce_sum3A_154 = arith.constant true
      %reduce_sum3A_155 = vector.broadcast %reduce_sum3A_154 : i1 to vector<16xi1>
      %reduce_sum3A_156 = tpu.scan <sum>, %select_n3A_153 masked %reduce_sum3A_155 : vector<16xi32>, vector<16xi1> -> vector<16xi32>
      %reduce_sum3A_157 = vector.extract %reduce_sum3A_156[15] : i32 from vector<16xi32>
      %eq3A_158 = arith.constant 0 : i32
      %eq3A_159 = arith.cmpi eq, %reduce_sum3A_157, %eq3A_158 : i32
      %sub3A_160 = arith.constant 1 : i32
      %sub3A_161 = arith.subi %reduce_sum3A_157, %sub3A_160 : i32
      %mul3A_162 = arith.muli %scan3A_104, %sub3A_161 : i32
      %div3A_163 = arith.constant 16 : i32
      %div3A_164 = arith.divsi %mul3A_162, %div3A_163 : i32
      %add3A_165 = arith.addi %scan3A_103, %div3A_164 : i32
      %add3A_166 = arith.constant 1 : i32
      %add3A_167 = arith.addi %add3A_165, %add3A_166 : i32
      %select_n3A_168 = arith.select %eq3A_159, %scan3A_103, %add3A_167 : i32
      %ge3A_169 = arith.constant 16 : i32
      %ge3A_170 = arith.cmpi sge, %reduce_sum3A_157, %ge3A_169 : i32
      %add3A_171 = arith.addi %scan3A_103, %scan3A_104 : i32
      %eq3A_172 = arith.constant 0 : i32
      %eq3A_173 = arith.cmpi eq, %reduce_sum3A_157, %eq3A_172 : i32
      %mul3A_174 = arith.muli %scan3A_104, %reduce_sum3A_157 : i32
      %div3A_175 = arith.constant 16 : i32
      %div3A_176 = arith.divsi %mul3A_174, %div3A_175 : i32
      %add3A_177 = arith.addi %scan3A_103, %div3A_176 : i32
      %select_n3A_178 = arith.select %eq3A_173, %scan3A_103, %add3A_177 : i32
      %select_n3A_179 = arith.select %ge3A_170, %add3A_171, %select_n3A_178 : i32
      %sub3A_180 = arith.subi %select_n3A_179, %select_n3A_168 : i32
      %ge3A_181 = arith.constant 20000 : i32
      %ge3A_182 = vector.broadcast %ge3A_181 : i32 to vector<16xi32>
      %ge3A_183 = arith.cmpi sge, %add3A_127, %ge3A_182 : vector<16xi32>
      %get3A_184 = arith.constant 0 : index
      %get3A_185 = tpu.vector_load %arg8[%get3A_184] {strides = array<i32>} : memref<16xi32, #tpu.memory_space<vmem>>, vector<16xi32>,
      %jit3A_186 = arith.constant 1024 : i32
      %broadcast_in_dim3A_187 = vector.broadcast %jit3A_186 : i32 to vector<16xi32>
      %select_n3A_188 = arith.select %ge3A_183, %broadcast_in_dim3A_187, %get3A_185 : vector<16xi1>, vector<16xi32>
      %lt3A_189 = vector.broadcast %add3A_4 : i32 to vector<16xi32>
      %lt3A_190 = arith.cmpi slt, %select_n3A_188, %lt3A_189 : vector<16xi32>
      %jit3A_191 = arith.constant 1 : i32
      %jit3A_192 = arith.constant 0 : i32
      %broadcast_in_dim3A_193 = vector.broadcast %jit3A_191 : i32 to vector<16xi32>
      %broadcast_in_dim3A_194 = vector.broadcast %jit3A_192 : i32 to vector<16xi32>
      %select_n3A_195 = arith.select %lt3A_190, %broadcast_in_dim3A_193, %broadcast_in_dim3A_194 : vector<16xi1>, vector<16xi32>
      %reduce_sum3A_196 = arith.constant true
      %reduce_sum3A_197 = vector.broadcast %reduce_sum3A_196 : i1 to vector<16xi1>
      %reduce_sum3A_198 = tpu.scan <sum>, %select_n3A_195 masked %reduce_sum3A_197 : vector<16xi32>, vector<16xi1> -> vector<16xi32>
      %reduce_sum3A_199 = vector.extract %reduce_sum3A_198[15] : i32 from vector<16xi32>
      %eq3A_200 = arith.constant 0 : i32
      %eq3A_201 = arith.cmpi eq, %reduce_sum3A_199, %eq3A_200 : i32
      %sub3A_202 = arith.constant 1 : i32
      %sub3A_203 = arith.subi %reduce_sum3A_199, %sub3A_202 : i32
      %mul3A_204 = arith.muli %scan3A_106, %sub3A_203 : i32
      %div3A_205 = arith.constant 16 : i32
      %div3A_206 = arith.divsi %mul3A_204, %div3A_205 : i32
      %add3A_207 = arith.addi %scan3A_105, %div3A_206 : i32
      %add3A_208 = arith.constant 1 : i32
      %add3A_209 = arith.addi %add3A_207, %add3A_208 : i32
      %select_n3A_210 = arith.select %eq3A_201, %scan3A_105, %add3A_209 : i32
      %ge3A_211 = arith.constant 16 : i32
      %ge3A_212 = arith.cmpi sge, %reduce_sum3A_199, %ge3A_211 : i32
      %add3A_213 = arith.addi %scan3A_105, %scan3A_106 : i32
      %eq3A_214 = arith.constant 0 : i32
      %eq3A_215 = arith.cmpi eq, %reduce_sum3A_199, %eq3A_214 : i32
      %mul3A_216 = arith.muli %scan3A_106, %reduce_sum3A_199 : i32
      %div3A_217 = arith.constant 16 : i32
      %div3A_218 = arith.divsi %mul3A_216, %div3A_217 : i32
      %add3A_219 = arith.addi %scan3A_105, %div3A_218 : i32
      %select_n3A_220 = arith.select %eq3A_215, %scan3A_105, %add3A_219 : i32
      %select_n3A_221 = arith.select %ge3A_212, %add3A_213, %select_n3A_220 : i32
      %sub3A_222 = arith.subi %select_n3A_221, %select_n3A_210 : i32
      scf.yield %select_n3A_168, %sub3A_180, %select_n3A_210, %sub3A_222 : i32, i32, i32, i32
    }
    %scan3A_13 = arith.constant 5 : i32
    %sub3A = arith.constant 1 : i32
    %sub3A_14 = arith.subi %scan3A_12#0, %sub3A : i32
    %max3A = arith.constant 0 : i32
    %max3A_15 = arith.maxsi %sub3A_14, %max3A : i32
    %mul3A_16 = arith.constant 16 : i32
    %mul3A_17 = arith.muli %max3A_15, %mul3A_16 : i32
    %sub3A_18 = arith.constant 1 : i32
    %sub3A_19 = arith.subi %scan3A_12#2, %sub3A_18 : i32
    %max3A_20 = arith.constant 0 : i32
    %max3A_21 = arith.maxsi %sub3A_19, %max3A_20 : i32
    %mul3A_22 = arith.constant 16 : i32
    %mul3A_23 = arith.muli %max3A_21, %mul3A_22 : i32
    %dma_start3A = tpu.memref_slice %arg3[%mul3A_17] : memref<320000xi32, #tpu.memory_space<hbm>> -> memref<16xi32, #tpu.memory_space<hbm>>
    %dma_start3A_24 = tpu.memref_slice %arg3[%mul3A_17] : memref<320000xi32, #tpu.memory_space<hbm>> -> memref<16xi32, #tpu.memory_space<hbm>>
    tpu.enqueue_dma source(%dma_start3A_24 : memref<16xi32, #tpu.memory_space<hbm>>) target(%arg7 : memref<16xi32, #tpu.memory_space<vmem>>) target_semaphore(%arg13 : memref<!tpu.dma_semaphore, #tpu.memory_space<semaphore_mem>>)
    %dma_start3A_25 = tpu.memref_slice %arg3[%mul3A_23] : memref<320000xi32, #tpu.memory_space<hbm>> -> memref<16xi32, #tpu.memory_space<hbm>>
    %dma_start3A_26 = tpu.memref_slice %arg3[%mul3A_23] : memref<320000xi32, #tpu.memory_space<hbm>> -> memref<16xi32, #tpu.memory_space<hbm>>
    tpu.enqueue_dma source(%dma_start3A_26 : memref<16xi32, #tpu.memory_space<hbm>>) target(%arg8 : memref<16xi32, #tpu.memory_space<vmem>>) target_semaphore(%arg14 : memref<!tpu.dma_semaphore, #tpu.memory_space<semaphore_mem>>)
    %dma_wait3A = tpu.memref_slice %arg3[%mul3A_17] : memref<320000xi32, #tpu.memory_space<hbm>> -> memref<16xi32, #tpu.memory_space<hbm>>
    %dma_wait3A_27 = tpu.memref_slice %arg3[%mul3A_17] : memref<320000xi32, #tpu.memory_space<hbm>> -> memref<16xi32, #tpu.memory_space<hbm>>
    tpu.wait_dma2 semaphore(%arg13 : memref<!tpu.dma_semaphore, #tpu.memory_space<semaphore_mem>>) src(%dma_wait3A_27 : memref<16xi32, #tpu.memory_space<hbm>>) dst(%arg7 : memref<16xi32, #tpu.memory_space<vmem>>)
    %dma_wait3A_28 = tpu.memref_slice %arg3[%mul3A_23] : memref<320000xi32, #tpu.memory_space<hbm>> -> memref<16xi32, #tpu.memory_space<hbm>>
    %dma_wait3A_29 = tpu.memref_slice %arg3[%mul3A_23] : memref<320000xi32, #tpu.memory_space<hbm>> -> memref<16xi32, #tpu.memory_space<hbm>>
    tpu.wait_dma2 semaphore(%arg14 : memref<!tpu.dma_semaphore, #tpu.memory_space<semaphore_mem>>) src(%dma_wait3A_29 : memref<16xi32, #tpu.memory_space<hbm>>) dst(%arg8 : memref<16xi32, #tpu.memory_space<vmem>>)
    %get3A = arith.constant 0 : index
    %get3A_30 = tpu.vector_load %arg7[%get3A] {strides = array<i32>} : memref<16xi32, #tpu.memory_space<vmem>>, vector<16xi32>,
    %lt3A = vector.broadcast %mul3A_2 : i32 to vector<16xi32>
    %lt3A_31 = arith.cmpi slt, %get3A_30, %lt3A : vector<16xi32>
    %jit3A = arith.constant 1 : i32
    %jit3A_32 = arith.constant 0 : i32
    %broadcast_in_dim3A = vector.broadcast %jit3A : i32 to vector<16xi32>
    %broadcast_in_dim3A_33 = vector.broadcast %jit3A_32 : i32 to vector<16xi32>
    %select_n3A = arith.select %lt3A_31, %broadcast_in_dim3A, %broadcast_in_dim3A_33 : vector<16xi1>, vector<16xi32>
    %reduce_sum3A = arith.constant true
    %reduce_sum3A_34 = vector.broadcast %reduce_sum3A : i1 to vector<16xi1>
    %reduce_sum3A_35 = tpu.scan <sum>, %select_n3A masked %reduce_sum3A_34 : vector<16xi32>, vector<16xi1> -> vector<16xi32>
    %reduce_sum3A_36 = vector.extract %reduce_sum3A_35[15] : i32 from vector<16xi32>
    %get3A_37 = arith.constant 0 : index
    %get3A_38 = tpu.vector_load %arg8[%get3A_37] {strides = array<i32>} : memref<16xi32, #tpu.memory_space<vmem>>, vector<16xi32>,
    %lt3A_39 = vector.broadcast %add3A_4 : i32 to vector<16xi32>
    %lt3A_40 = arith.cmpi slt, %get3A_38, %lt3A_39 : vector<16xi32>
    %jit3A_41 = arith.constant 1 : i32
    %jit3A_42 = arith.constant 0 : i32
    %broadcast_in_dim3A_43 = vector.broadcast %jit3A_41 : i32 to vector<16xi32>
    %broadcast_in_dim3A_44 = vector.broadcast %jit3A_42 : i32 to vector<16xi32>
    %select_n3A_45 = arith.select %lt3A_40, %broadcast_in_dim3A_43, %broadcast_in_dim3A_44 : vector<16xi1>, vector<16xi32>
    %reduce_sum3A_46 = arith.constant true
    %reduce_sum3A_47 = vector.broadcast %reduce_sum3A_46 : i1 to vector<16xi1>
    %reduce_sum3A_48 = tpu.scan <sum>, %select_n3A_45 masked %reduce_sum3A_47 : vector<16xi32>, vector<16xi1> -> vector<16xi32>
    %reduce_sum3A_49 = vector.extract %reduce_sum3A_48[15] : i32 from vector<16xi32>
    %add3A_50 = arith.addi %mul3A_17, %reduce_sum3A_36 : i32
    %add3A_51 = arith.addi %mul3A_23, %reduce_sum3A_49 : i32
    %broadcast_in_dim3A_52 = arith.constant 0.000000e+00 : f32
    %broadcast_in_dim3A_53 = vector.broadcast %broadcast_in_dim3A_52 : f32 to vector<16xf32>
    %broadcast_in_dim3A_54 = arith.constant 0xFF800000 : f32
    %broadcast_in_dim3A_55 = vector.broadcast %broadcast_in_dim3A_54 : f32 to vector<16xf32>
    %iota3A_56 = tpu.iota {dimensions = array<i32: 0>} : vector<16xi32>
    %scan3A_57 = arith.constant 0 : i32
    %scan3A_58 = arith.constant 0 : i32
    %scan3A_59 = arith.constant 32 : i32
    %scan3A_60 = arith.addi %scan3A_58, %scan3A_59 : i32
    %scan3A_61 = arith.constant 1 : i32
    %scan3A_62 = scf.for %scan3A_102 = %scan3A_58 to %scan3A_60 step %scan3A_61 iter_args(%scan3A_103 = %scan3A_57) -> (i32)  : i32 {
      %swap3A_104 = arith.index_cast %scan3A_102 : i32 to index
      %swap3A_105 = arith.constant 0 : index
      %swap3A_106 = tpu.vector_load %arg10[%swap3A_104, %swap3A_105] {strides = array<i32>} : memref<32x256xf32, #tpu.memory_space<vmem>>, vector<16xf32>,
      tpu.vector_store %arg10[%swap3A_104, %swap3A_105], %broadcast_in_dim3A_53 {strides = array<i32>} : memref<32x256xf32, #tpu.memory_space<vmem>>, vector<16xf32>,
      %swap3A_107 = arith.index_cast %scan3A_102 : i32 to index
      %swap3A_108 = arith.constant 128 : index
      %swap3A_109 = tpu.vector_load %arg10[%swap3A_107, %swap3A_108] {strides = array<i32>} : memref<32x256xf32, #tpu.memory_space<vmem>>, vector<16xf32>,
      tpu.vector_store %arg10[%swap3A_107, %swap3A_108], %broadcast_in_dim3A_55 {strides = array<i32>} : memref<32x256xf32, #tpu.memory_space<vmem>>, vector<16xf32>,
      %swap3A_110 = arith.index_cast %scan3A_102 : i32 to index
      %swap3A_111 = arith.constant 16 : index
      %swap3A_112 = tpu.vector_load %arg10[%swap3A_110, %swap3A_111] {strides = array<i32>} : memref<32x256xf32, #tpu.memory_space<vmem>>, vector<16xf32>,
      tpu.vector_store %arg10[%swap3A_110, %swap3A_111], %broadcast_in_dim3A_53 {strides = array<i32>} : memref<32x256xf32, #tpu.memory_space<vmem>>, vector<16xf32>,
      %swap3A_113 = arith.index_cast %scan3A_102 : i32 to index
      %swap3A_114 = arith.constant 144 : index
      %swap3A_115 = tpu.vector_load %arg10[%swap3A_113, %swap3A_114] {strides = array<i32>} : memref<32x256xf32, #tpu.memory_space<vmem>>, vector<16xf32>,
      tpu.vector_store %arg10[%swap3A_113, %swap3A_114], %broadcast_in_dim3A_55 {strides = array<i32>} : memref<32x256xf32, #tpu.memory_space<vmem>>, vector<16xf32>,
      %swap3A_116 = arith.index_cast %scan3A_102 : i32 to index
      %swap3A_117 = arith.constant 32 : index
      %swap3A_118 = tpu.vector_load %arg10[%swap3A_116, %swap3A_117] {strides = array<i32>} : memref<32x256xf32, #tpu.memory_space<vmem>>, vector<16xf32>,
      tpu.vector_store %arg10[%swap3A_116, %swap3A_117], %broadcast_in_dim3A_53 {strides = array<i32>} : memref<32x256xf32, #tpu.memory_space<vmem>>, vector<16xf32>,
      %swap3A_119 = arith.index_cast %scan3A_102 : i32 to index
      %swap3A_120 = arith.constant 160 : index
      %swap3A_121 = tpu.vector_load %arg10[%swap3A_119, %swap3A_120] {strides = array<i32>} : memref<32x256xf32, #tpu.memory_space<vmem>>, vector<16xf32>,
      tpu.vector_store %arg10[%swap3A_119, %swap3A_120], %broadcast_in_dim3A_55 {strides = array<i32>} : memref<32x256xf32, #tpu.memory_space<vmem>>, vector<16xf32>,
      %swap3A_122 = arith.index_cast %scan3A_102 : i32 to index
      %swap3A_123 = arith.constant 48 : index
      %swap3A_124 = tpu.vector_load %arg10[%swap3A_122, %swap3A_123] {strides = array<i32>} : memref<32x256xf32, #tpu.memory_space<vmem>>, vector<16xf32>,
      tpu.vector_store %arg10[%swap3A_122, %swap3A_123], %broadcast_in_dim3A_53 {strides = array<i32>} : memref<32x256xf32, #tpu.memory_space<vmem>>, vector<16xf32>,
      %swap3A_125 = arith.index_cast %scan3A_102 : i32 to index
      %swap3A_126 = arith.constant 176 : index
      %swap3A_127 = tpu.vector_load %arg10[%swap3A_125, %swap3A_126] {strides = array<i32>} : memref<32x256xf32, #tpu.memory_space<vmem>>, vector<16xf32>,
      tpu.vector_store %arg10[%swap3A_125, %swap3A_126], %broadcast_in_dim3A_55 {strides = array<i32>} : memref<32x256xf32, #tpu.memory_space<vmem>>, vector<16xf32>,
      %swap3A_128 = arith.index_cast %scan3A_102 : i32 to index
      %swap3A_129 = arith.constant 64 : index
      %swap3A_130 = tpu.vector_load %arg10[%swap3A_128, %swap3A_129] {strides = array<i32>} : memref<32x256xf32, #tpu.memory_space<vmem>>, vector<16xf32>,
      tpu.vector_store %arg10[%swap3A_128, %swap3A_129], %broadcast_in_dim3A_53 {strides = array<i32>} : memref<32x256xf32, #tpu.memory_space<vmem>>, vector<16xf32>,
      %swap3A_131 = arith.index_cast %scan3A_102 : i32 to index
      %swap3A_132 = arith.constant 192 : index
      %swap3A_133 = tpu.vector_load %arg10[%swap3A_131, %swap3A_132] {strides = array<i32>} : memref<32x256xf32, #tpu.memory_space<vmem>>, vector<16xf32>,
      tpu.vector_store %arg10[%swap3A_131, %swap3A_132], %broadcast_in_dim3A_55 {strides = array<i32>} : memref<32x256xf32, #tpu.memory_space<vmem>>, vector<16xf32>,
      %swap3A_134 = arith.index_cast %scan3A_102 : i32 to index
      %swap3A_135 = arith.constant 80 : index
      %swap3A_136 = tpu.vector_load %arg10[%swap3A_134, %swap3A_135] {strides = array<i32>} : memref<32x256xf32, #tpu.memory_space<vmem>>, vector<16xf32>,
      tpu.vector_store %arg10[%swap3A_134, %swap3A_135], %broadcast_in_dim3A_53 {strides = array<i32>} : memref<32x256xf32, #tpu.memory_space<vmem>>, vector<16xf32>,
      %swap3A_137 = arith.index_cast %scan3A_102 : i32 to index
      %swap3A_138 = arith.constant 208 : index
      %swap3A_139 = tpu.vector_load %arg10[%swap3A_137, %swap3A_138] {strides = array<i32>} : memref<32x256xf32, #tpu.memory_space<vmem>>, vector<16xf32>,
      tpu.vector_store %arg10[%swap3A_137, %swap3A_138], %broadcast_in_dim3A_55 {strides = array<i32>} : memref<32x256xf32, #tpu.memory_space<vmem>>, vector<16xf32>,
      %swap3A_140 = arith.index_cast %scan3A_102 : i32 to index
      %swap3A_141 = arith.constant 96 : index
      %swap3A_142 = tpu.vector_load %arg10[%swap3A_140, %swap3A_141] {strides = array<i32>} : memref<32x256xf32, #tpu.memory_space<vmem>>, vector<16xf32>,
      tpu.vector_store %arg10[%swap3A_140, %swap3A_141], %broadcast_in_dim3A_53 {strides = array<i32>} : memref<32x256xf32, #tpu.memory_space<vmem>>, vector<16xf32>,
      %swap3A_143 = arith.index_cast %scan3A_102 : i32 to index
      %swap3A_144 = arith.constant 224 : index
      %swap3A_145 = tpu.vector_load %arg10[%swap3A_143, %swap3A_144] {strides = array<i32>} : memref<32x256xf32, #tpu.memory_space<vmem>>, vector<16xf32>,
      tpu.vector_store %arg10[%swap3A_143, %swap3A_144], %broadcast_in_dim3A_55 {strides = array<i32>} : memref<32x256xf32, #tpu.memory_space<vmem>>, vector<16xf32>,
      %swap3A_146 = arith.index_cast %scan3A_102 : i32 to index
      %swap3A_147 = arith.constant 112 : index
      %swap3A_148 = tpu.vector_load %arg10[%swap3A_146, %swap3A_147] {strides = array<i32>} : memref<32x256xf32, #tpu.memory_space<vmem>>, vector<16xf32>,
      tpu.vector_store %arg10[%swap3A_146, %swap3A_147], %broadcast_in_dim3A_53 {strides = array<i32>} : memref<32x256xf32, #tpu.memory_space<vmem>>, vector<16xf32>,
      %swap3A_149 = arith.index_cast %scan3A_102 : i32 to index
      %swap3A_150 = arith.constant 240 : index
      %swap3A_151 = tpu.vector_load %arg10[%swap3A_149, %swap3A_150] {strides = array<i32>} : memref<32x256xf32, #tpu.memory_space<vmem>>, vector<16xf32>,
      tpu.vector_store %arg10[%swap3A_149, %swap3A_150], %broadcast_in_dim3A_55 {strides = array<i32>} : memref<32x256xf32, #tpu.memory_space<vmem>>, vector<16xf32>,
      %scan3A_152 = arith.constant 0 : i32
      scf.yield %scan3A_152 : i32
    }
    %scan3A_63 = arith.constant 32 : i32
    %broadcast_in_dim3A_64 = arith.constant 320001 : i32
    %broadcast_in_dim3A_65 = vector.broadcast %broadcast_in_dim3A_64 : i32 to vector<16xi32>
    %swap3A = arith.constant 0 : index
    %swap3A_66 = tpu.vector_load %arg9[%swap3A] {strides = array<i32>} : memref<48xi32, #tpu.memory_space<vmem>>, vector<16xi32>,
    tpu.vector_store %arg9[%swap3A], %broadcast_in_dim3A_65 {strides = array<i32>} : memref<48xi32, #tpu.memory_space<vmem>>, vector<16xi32>,
    %broadcast_in_dim3A_67 = arith.constant 320001 : i32
    %broadcast_in_dim3A_68 = vector.broadcast %broadcast_in_dim3A_67 : i32 to vector<16xi32>
    %swap3A_69 = arith.constant 16 : index
    %swap3A_70 = tpu.vector_load %arg9[%swap3A_69] {strides = array<i32>} : memref<48xi32, #tpu.memory_space<vmem>>, vector<16xi32>,
    tpu.vector_store %arg9[%swap3A_69], %broadcast_in_dim3A_68 {strides = array<i32>} : memref<48xi32, #tpu.memory_space<vmem>>, vector<16xi32>,
    %eq3A = arith.constant 0 : i32
    %eq3A_71 = vector.broadcast %eq3A : i32 to vector<16xi32>
    %eq3A_72 = arith.cmpi eq, %iota3A_56, %eq3A_71 : vector<16xi32>
    %jit3A_73 = arith.constant 320001 : i32
    %broadcast_in_dim3A_74 = vector.broadcast %add3A_51 : i32 to vector<16xi32>
    %broadcast_in_dim3A_75 = vector.broadcast %jit3A_73 : i32 to vector<16xi32>
    %select_n3A_76 = arith.select %eq3A_72, %broadcast_in_dim3A_74, %broadcast_in_dim3A_75 : vector<16xi1>, vector<16xi32>
    %swap3A_77 = arith.constant 32 : index
    %swap3A_78 = tpu.vector_load %arg9[%swap3A_77] {strides = array<i32>} : memref<48xi32, #tpu.memory_space<vmem>>, vector<16xi32>,
    tpu.vector_store %arg9[%swap3A_77], %select_n3A_76 {strides = array<i32>} : memref<48xi32, #tpu.memory_space<vmem>>, vector<16xi32>,
    %sub3A_79 = arith.subi %add3A_51, %add3A_50 : i32
    %add3A_80 = arith.constant 255 : i32
    %add3A_81 = arith.addi %sub3A_79, %add3A_80 : i32
    %div3A = arith.constant 256 : i32
    %div3A_82 = arith.divsi %add3A_81, %div3A : i32
    %gt3A = arith.constant 0 : i32
    %gt3A_83 = arith.cmpi sgt, %div3A_82, %gt3A : i32
    %convert_element_type3A = arith.extui %gt3A_83 : i1 to i32
    %cond3A = arith.constant 0 : i32
    %cond3A_84 = arith.cmpi ne, %convert_element_type3A, %cond3A : i32
    scf.if %cond3A_84 {
      %mul3A_102 = arith.constant 0 : i32
      %mul3A_103 = arith.constant 256 : i32
      %mul3A_104 = arith.muli %mul3A_102, %mul3A_103 : i32
      %add3A_105 = arith.addi %add3A_50, %mul3A_104 : i32
      %min3A = arith.constant 319744 : i32
      %min3A_106 = arith.minsi %add3A_105, %min3A : i32
      %div3A_107 = arith.constant 16 : i32
      %div3A_108 = arith.divsi %min3A_106, %div3A_107 : i32
      %mul3A_109 = arith.constant 16 : i32
      %mul3A_110 = arith.muli %div3A_108, %mul3A_109 : i32
      %sub3A_111 = arith.constant 16 : i32
      %sub3A_112 = arith.subi %mul3A_110, %sub3A_111 : i32
      %min3A_113 = arith.constant 319712 : i32
      %min3A_114 = arith.minsi %sub3A_112, %min3A_113 : i32
      %max3A_115 = arith.constant 0 : i32
      %max3A_116 = arith.maxsi %min3A_114, %max3A_115 : i32
      %multiple_of3A = tpu.assume_multiple %max3A_116, 16 : i32
      %dma_start3A_117 = arith.constant 0 : i32
      %dma_start3A_118 = arith.constant 0 : i32
      %dma_start3A_119 = arith.constant 0 : i32
      %dma_start3A_120 = arith.constant 0 : i32
      %dma_start3A_121 = tpu.memref_slice %arg5[%dma_start3A_117, %dma_start3A_119, %dma_start3A_120] : memref<3x256x128xf32, #tpu.memory_space<vmem>> -> memref<1x256x128xf32, #tpu.memory_space<vmem>>
      %dma_start3A_122 = tpu.memref_squeeze %dma_start3A_121 : memref<1x256x128xf32, #tpu.memory_space<vmem>> -> memref<256x128xf32, #tpu.memory_space<vmem>>
      %dma_start3A_123 = arith.constant 0 : i32
      %dma_start3A_124 = tpu.memref_slice %arg2[%min3A_106, %dma_start3A_123] : memref<320000x128xf32, #tpu.memory_space<hbm>> -> memref<256x128xf32, #tpu.memory_space<hbm>>
      %dma_start3A_125 = tpu.memref_slice %arg11[%dma_start3A_118] : memref<3x!tpu.dma_semaphore, #tpu.memory_space<semaphore_mem>> -> memref<1x!tpu.dma_semaphore, #tpu.memory_space<semaphore_mem>>
      %dma_start3A_126 = tpu.memref_squeeze %dma_start3A_125 : memref<1x!tpu.dma_semaphore, #tpu.memory_space<semaphore_mem>> -> memref<!tpu.dma_semaphore, #tpu.memory_space<semaphore_mem>>
      %dma_start3A_127 = arith.constant 0 : i32
      %dma_start3A_128 = arith.constant 0 : i32
      %dma_start3A_129 = tpu.memref_slice %arg5[%dma_start3A_117, %dma_start3A_127, %dma_start3A_128] : memref<3x256x128xf32, #tpu.memory_space<vmem>> -> memref<1x256x128xf32, #tpu.memory_space<vmem>>
      %dma_start3A_130 = tpu.memref_squeeze %dma_start3A_129 : memref<1x256x128xf32, #tpu.memory_space<vmem>> -> memref<256x128xf32, #tpu.memory_space<vmem>>
      %dma_start3A_131 = arith.constant 0 : i32
      %dma_start3A_132 = tpu.memref_slice %arg2[%min3A_106, %dma_start3A_131] : memref<320000x128xf32, #tpu.memory_space<hbm>> -> memref<256x128xf32, #tpu.memory_space<hbm>>
      tpu.enqueue_dma source(%dma_start3A_132 : memref<256x128xf32, #tpu.memory_space<hbm>>) target(%dma_start3A_130 : memref<256x128xf32, #tpu.memory_space<vmem>>) target_semaphore(%dma_start3A_126 : memref<!tpu.dma_semaphore, #tpu.memory_space<semaphore_mem>>)
      %dma_start3A_133 = arith.constant 0 : i32
      %dma_start3A_134 = arith.constant 0 : i32
      %dma_start3A_135 = arith.constant 0 : i32
      %dma_start3A_136 = tpu.memref_slice %arg6[%dma_start3A_133, %dma_start3A_135] : memref<3x288xi32, #tpu.memory_space<vmem>> -> memref<1x288xi32, #tpu.memory_space<vmem>>
      %dma_start3A_137 = tpu.memref_squeeze %dma_start3A_136 : memref<1x288xi32, #tpu.memory_space<vmem>> -> memref<288xi32, #tpu.memory_space<vmem>>
      %dma_start3A_138 = tpu.memref_slice %arg3[%multiple_of3A] : memref<320000xi32, #tpu.memory_space<hbm>> -> memref<288xi32, #tpu.memory_space<hbm>>
      %dma_start3A_139 = tpu.memref_slice %arg12[%dma_start3A_134] : memref<3x!tpu.dma_semaphore, #tpu.memory_space<semaphore_mem>> -> memref<1x!tpu.dma_semaphore, #tpu.memory_space<semaphore_mem>>
      %dma_start3A_140 = tpu.memref_squeeze %dma_start3A_139 : memref<1x!tpu.dma_semaphore, #tpu.memory_space<semaphore_mem>> -> memref<!tpu.dma_semaphore, #tpu.memory_space<semaphore_mem>>
      %dma_start3A_141 = arith.constant 0 : i32
      %dma_start3A_142 = tpu.memref_slice %arg6[%dma_start3A_133, %dma_start3A_141] : memref<3x288xi32, #tpu.memory_space<vmem>> -> memref<1x288xi32, #tpu.memory_space<vmem>>
      %dma_start3A_143 = tpu.memref_squeeze %dma_start3A_142 : memref<1x288xi32, #tpu.memory_space<vmem>> -> memref<288xi32, #tpu.memory_space<vmem>>
      %dma_start3A_144 = tpu.memref_slice %arg3[%multiple_of3A] : memref<320000xi32, #tpu.memory_space<hbm>> -> memref<288xi32, #tpu.memory_space<hbm>>
      tpu.enqueue_dma source(%dma_start3A_144 : memref<288xi32, #tpu.memory_space<hbm>>) target(%dma_start3A_143 : memref<288xi32, #tpu.memory_space<vmem>>) target_semaphore(%dma_start3A_140 : memref<!tpu.dma_semaphore, #tpu.memory_space<semaphore_mem>>)
    } else {
    }
    %gt3A_85 = arith.constant 1 : i32
    %gt3A_86 = arith.cmpi sgt, %div3A_82, %gt3A_85 : i32
    %convert_element_type3A_87 = arith.extui %gt3A_86 : i1 to i32
    %cond3A_88 = arith.constant 0 : i32
    %cond3A_89 = arith.cmpi ne, %convert_element_type3A_87, %cond3A_88 : i32
    scf.if %cond3A_89 {
      %mul3A_102 = arith.constant 1 : i32
      %mul3A_103 = arith.constant 256 : i32
      %mul3A_104 = arith.muli %mul3A_102, %mul3A_103 : i32
      %add3A_105 = arith.addi %add3A_50, %mul3A_104 : i32
      %min3A = arith.constant 319744 : i32
      %min3A_106 = arith.minsi %add3A_105, %min3A : i32
      %div3A_107 = arith.constant 16 : i32
      %div3A_108 = arith.divsi %min3A_106, %div3A_107 : i32
      %mul3A_109 = arith.constant 16 : i32
      %mul3A_110 = arith.muli %div3A_108, %mul3A_109 : i32
      %sub3A_111 = arith.constant 16 : i32
      %sub3A_112 = arith.subi %mul3A_110, %sub3A_111 : i32
      %min3A_113 = arith.constant 319712 : i32
      %min3A_114 = arith.minsi %sub3A_112, %min3A_113 : i32
      %max3A_115 = arith.constant 0 : i32
      %max3A_116 = arith.maxsi %min3A_114, %max3A_115 : i32
      %multiple_of3A = tpu.assume_multiple %max3A_116, 16 : i32
      %dma_start3A_117 = arith.constant 1 : i32
      %dma_start3A_118 = arith.constant 1 : i32
      %dma_start3A_119 = arith.constant 0 : i32
      %dma_start3A_120 = arith.constant 0 : i32
      %dma_start3A_121 = tpu.memref_slice %arg5[%dma_start3A_117, %dma_start3A_119, %dma_start3A_120] : memref<3x256x128xf32, #tpu.memory_space<vmem>> -> memref<1x256x128xf32, #tpu.memory_space<vmem>>
      %dma_start3A_122 = tpu.memref_squeeze %dma_start3A_121 : memref<1x256x128xf32, #tpu.memory_space<vmem>> -> memref<256x128xf32, #tpu.memory_space<vmem>>
      %dma_start3A_123 = arith.constant 0 : i32
      %dma_start3A_124 = tpu.memref_slice %arg2[%min3A_106, %dma_start3A_123] : memref<320000x128xf32, #tpu.memory_space<hbm>> -> memref<256x128xf32, #tpu.memory_space<hbm>>
      %dma_start3A_125 = tpu.memref_slice %arg11[%dma_start3A_118] : memref<3x!tpu.dma_semaphore, #tpu.memory_space<semaphore_mem>> -> memref<1x!tpu.dma_semaphore, #tpu.memory_space<semaphore_mem>>
      %dma_start3A_126 = tpu.memref_squeeze %dma_start3A_125 : memref<1x!tpu.dma_semaphore, #tpu.memory_space<semaphore_mem>> -> memref<!tpu.dma_semaphore, #tpu.memory_space<semaphore_mem>>
      %dma_start3A_127 = arith.constant 0 : i32
      %dma_start3A_128 = arith.constant 0 : i32
      %dma_start3A_129 = tpu.memref_slice %arg5[%dma_start3A_117, %dma_start3A_127, %dma_start3A_128] : memref<3x256x128xf32, #tpu.memory_space<vmem>> -> memref<1x256x128xf32, #tpu.memory_space<vmem>>
      %dma_start3A_130 = tpu.memref_squeeze %dma_start3A_129 : memref<1x256x128xf32, #tpu.memory_space<vmem>> -> memref<256x128xf32, #tpu.memory_space<vmem>>
      %dma_start3A_131 = arith.constant 0 : i32
      %dma_start3A_132 = tpu.memref_slice %arg2[%min3A_106, %dma_start3A_131] : memref<320000x128xf32, #tpu.memory_space<hbm>> -> memref<256x128xf32, #tpu.memory_space<hbm>>
      tpu.enqueue_dma source(%dma_start3A_132 : memref<256x128xf32, #tpu.memory_space<hbm>>) target(%dma_start3A_130 : memref<256x128xf32, #tpu.memory_space<vmem>>) target_semaphore(%dma_start3A_126 : memref<!tpu.dma_semaphore, #tpu.memory_space<semaphore_mem>>)
      %dma_start3A_133 = arith.constant 1 : i32
      %dma_start3A_134 = arith.constant 1 : i32
      %dma_start3A_135 = arith.constant 0 : i32
      %dma_start3A_136 = tpu.memref_slice %arg6[%dma_start3A_133, %dma_start3A_135] : memref<3x288xi32, #tpu.memory_space<vmem>> -> memref<1x288xi32, #tpu.memory_space<vmem>>
      %dma_start3A_137 = tpu.memref_squeeze %dma_start3A_136 : memref<1x288xi32, #tpu.memory_space<vmem>> -> memref<288xi32, #tpu.memory_space<vmem>>
      %dma_start3A_138 = tpu.memref_slice %arg3[%multiple_of3A] : memref<320000xi32, #tpu.memory_space<hbm>> -> memref<288xi32, #tpu.memory_space<hbm>>
      %dma_start3A_139 = tpu.memref_slice %arg12[%dma_start3A_134] : memref<3x!tpu.dma_semaphore, #tpu.memory_space<semaphore_mem>> -> memref<1x!tpu.dma_semaphore, #tpu.memory_space<semaphore_mem>>
      %dma_start3A_140 = tpu.memref_squeeze %dma_start3A_139 : memref<1x!tpu.dma_semaphore, #tpu.memory_space<semaphore_mem>> -> memref<!tpu.dma_semaphore, #tpu.memory_space<semaphore_mem>>
      %dma_start3A_141 = arith.constant 0 : i32
      %dma_start3A_142 = tpu.memref_slice %arg6[%dma_start3A_133, %dma_start3A_141] : memref<3x288xi32, #tpu.memory_space<vmem>> -> memref<1x288xi32, #tpu.memory_space<vmem>>
      %dma_start3A_143 = tpu.memref_squeeze %dma_start3A_142 : memref<1x288xi32, #tpu.memory_space<vmem>> -> memref<288xi32, #tpu.memory_space<vmem>>
      %dma_start3A_144 = tpu.memref_slice %arg3[%multiple_of3A] : memref<320000xi32, #tpu.memory_space<hbm>> -> memref<288xi32, #tpu.memory_space<hbm>>
      tpu.enqueue_dma source(%dma_start3A_144 : memref<288xi32, #tpu.memory_space<hbm>>) target(%dma_start3A_143 : memref<288xi32, #tpu.memory_space<vmem>>) target_semaphore(%dma_start3A_140 : memref<!tpu.dma_semaphore, #tpu.memory_space<semaphore_mem>>)
    } else {
    }
    %while3A = arith.constant 0 : i32
    %while3A_90 = arith.constant 0 : i32
    %while3A_91 = arith.constant 0 : i32
    %while3A_92 = arith.subi %div3A_82, %while3A : i32
    %while3A_93 = arith.addi %while3A, %while3A_92 : i32
    %while3A_94 = arith.constant 1 : i32
    %while3A_95 = arith.divsi %while3A_92, %while3A_94 : i32
    %while3A_96 = arith.muli %while3A_95, %while3A_94 : i32
    %while3A_97 = arith.addi %while3A, %while3A_96 : i32
    %while3A_98 = arith.constant 1 : i32
    %while3A_99:18 = scf.for %while3A_102 = %while3A to %while3A_97 step %while3A_98 iter_args(%while3A_103 = %while3A_90, %while3A_104 = %while3A_91, %while3A_105 = %broadcast_in_dim3A_53, %while3A_106 = %broadcast_in_dim3A_53, %while3A_107 = %broadcast_in_dim3A_53, %while3A_108 = %broadcast_in_dim3A_53, %while3A_109 = %broadcast_in_dim3A_53, %while3A_110 = %broadcast_in_dim3A_53, %while3A_111 = %broadcast_in_dim3A_53, %while3A_112 = %broadcast_in_dim3A_53, %while3A_113 = %broadcast_in_dim3A_55, %while3A_114 = %broadcast_in_dim3A_55, %while3A_115 = %broadcast_in_dim3A_55, %while3A_116 = %broadcast_in_dim3A_55, %while3A_117 = %broadcast_in_dim3A_55, %while3A_118 = %broadcast_in_dim3A_55, %while3A_119 = %broadcast_in_dim3A_55, %while3A_120 = %broadcast_in_dim3A_55) -> (i32, i32, vector<16xf32>, vector<16xf32>, vector<16xf32>, vector<16xf32>, vector<16xf32>, vector<16xf32>, vector<16xf32>, vector<16xf32>, vector<16xf32>, vector<16xf32>, vector<16xf32>, vector<16xf32>, vector<16xf32>, vector<16xf32>, vector<16xf32>, vector<16xf32>)  : i32 {
      %mul3A_121 = arith.constant 256 : i32
      %mul3A_122 = arith.muli %while3A_102, %mul3A_121 : i32
      %add3A_123 = arith.addi %add3A_50, %mul3A_122 : i32
      %min3A = arith.constant 319744 : i32
      %min3A_124 = arith.minsi %add3A_123, %min3A : i32
      %div3A_125 = arith.constant 16 : i32
      %div3A_126 = arith.divsi %min3A_124, %div3A_125 : i32
      %mul3A_127 = arith.constant 16 : i32
      %mul3A_128 = arith.muli %div3A_126, %mul3A_127 : i32
      %sub3A_129 = arith.constant 16 : i32
      %sub3A_130 = arith.subi %mul3A_128, %sub3A_129 : i32
      %min3A_131 = arith.constant 319712 : i32
      %min3A_132 = arith.minsi %sub3A_130, %min3A_131 : i32
      %max3A_133 = arith.constant 0 : i32
      %max3A_134 = arith.maxsi %min3A_132, %max3A_133 : i32
      %multiple_of3A = tpu.assume_multiple %max3A_134, 16 : i32
      %add3A_135 = arith.constant 256 : i32
      %add3A_136 = arith.addi %add3A_123, %add3A_135 : i32
      %min3A_137 = arith.minsi %add3A_136, %add3A_51 : i32
      %dma_wait3A_138 = arith.constant 0 : i32
      %dma_wait3A_139 = tpu.memref_slice %arg6[%while3A_104, %dma_wait3A_138] : memref<3x288xi32, #tpu.memory_space<vmem>> -> memref<1x288xi32, #tpu.memory_space<vmem>>
      %dma_wait3A_140 = tpu.memref_squeeze %dma_wait3A_139 : memref<1x288xi32, #tpu.memory_space<vmem>> -> memref<288xi32, #tpu.memory_space<vmem>>
      %dma_wait3A_141 = tpu.memref_slice %arg3[%multiple_of3A] : memref<320000xi32, #tpu.memory_space<hbm>> -> memref<288xi32, #tpu.memory_space<hbm>>
      %dma_wait3A_142 = tpu.memref_slice %arg12[%while3A_104] : memref<3x!tpu.dma_semaphore, #tpu.memory_space<semaphore_mem>> -> memref<1x!tpu.dma_semaphore, #tpu.memory_space<semaphore_mem>>
      %dma_wait3A_143 = tpu.memref_squeeze %dma_wait3A_142 : memref<1x!tpu.dma_semaphore, #tpu.memory_space<semaphore_mem>> -> memref<!tpu.dma_semaphore, #tpu.memory_space<semaphore_mem>>
      %dma_wait3A_144 = arith.constant 0 : i32
      %dma_wait3A_145 = tpu.memref_slice %arg6[%while3A_104, %dma_wait3A_144] : memref<3x288xi32, #tpu.memory_space<vmem>> -> memref<1x288xi32, #tpu.memory_space<vmem>>
      %dma_wait3A_146 = tpu.memref_squeeze %dma_wait3A_145 : memref<1x288xi32, #tpu.memory_space<vmem>> -> memref<288xi32, #tpu.memory_space<vmem>>
      %dma_wait3A_147 = tpu.memref_slice %arg3[%multiple_of3A] : memref<320000xi32, #tpu.memory_space<hbm>> -> memref<288xi32, #tpu.memory_space<hbm>>
      tpu.wait_dma2 semaphore(%dma_wait3A_143 : memref<!tpu.dma_semaphore, #tpu.memory_space<semaphore_mem>>) src(%dma_wait3A_147 : memref<288xi32, #tpu.memory_space<hbm>>) dst(%dma_wait3A_146 : memref<288xi32, #tpu.memory_space<vmem>>)
      %sub3A_148 = arith.subi %min3A_124, %multiple_of3A : i32
      %sub3A_149 = arith.subi %add3A_123, %min3A_124 : i32
      %sub3A_150 = arith.subi %min3A_137, %min3A_124 : i32
      %scan3A_151 = arith.constant 0 : i32
      %scan3A_152 = arith.constant 0 : i32
      %scan3A_153 = arith.constant 16 : i32
      %scan3A_154 = arith.addi %scan3A_152, %scan3A_153 : i32
      %scan3A_155 = arith.constant 1 : i32
      %scan3A_156 = scf.for %scan3A_317 = %scan3A_152 to %scan3A_154 step %scan3A_155 iter_args(%scan3A_318 = %scan3A_151) -> (i32)  : i32 {
        %mul3A_319 = arith.constant 16 : i32
        %mul3A_320 = arith.muli %scan3A_317, %mul3A_319 : i32
        %add3A_321 = arith.addi %sub3A_148, %mul3A_320 : i32
        %get3A_322 = arith.index_cast %while3A_104 : i32 to index
        %get3A_323 = arith.index_cast %add3A_321 : i32 to index
        %get3A_324 = tpu.vector_load %arg6[%get3A_322, %get3A_323] {strides = array<i32>} : memref<3x288xi32, #tpu.memory_space<vmem>>, vector<16xi32>,
        %add3A_325 = arith.addi %sub3A_148, %mul3A_320 : i32
        %sub3A_326 = arith.constant 1 : i32
        %sub3A_327 = arith.subi %add3A_325, %sub3A_326 : i32
        %max3A_328 = arith.constant 0 : i32
        %max3A_329 = arith.maxsi %sub3A_327, %max3A_328 : i32
        %get3A_330 = arith.index_cast %while3A_104 : i32 to index
        %get3A_331 = arith.index_cast %max3A_329 : i32 to index
        %get3A_332 = tpu.vector_load %arg6[%get3A_330, %get3A_331] {strides = array<i32>} : memref<3x288xi32, #tpu.memory_space<vmem>>, vector<16xi32>,
        %add3A_333 = vector.broadcast %mul3A_320 : i32 to vector<16xi32>
        %add3A_334 = arith.addi %add3A_333, %iota3A_56 : vector<16xi32>
        %ne3A = arith.cmpi ne, %get3A_324, %get3A_332 : vector<16xi32>
        %add3A_335 = vector.broadcast %min3A_124 : i32 to vector<16xi32>
        %add3A_336 = arith.addi %add3A_335, %add3A_334 : vector<16xi32>
        %eq3A_337 = vector.broadcast %add3A_50 : i32 to vector<16xi32>
        %eq3A_338 = arith.cmpi eq, %add3A_336, %eq3A_337 : vector<16xi32>
        %or3A = arith.ori %ne3A, %eq3A_338 : vector<16xi1>
        %ge3A_339 = vector.broadcast %sub3A_149 : i32 to vector<16xi32>
        %ge3A_340 = arith.cmpi sge, %add3A_334, %ge3A_339 : vector<16xi32>
        %and3A_341 = arith.andi %or3A, %ge3A_340 : vector<16xi1>
        %lt3A_342 = vector.broadcast %sub3A_150 : i32 to vector<16xi32>
        %lt3A_343 = arith.cmpi slt, %add3A_334, %lt3A_342 : vector<16xi32>
        %and3A_344 = arith.andi %and3A_341, %lt3A_343 : vector<16xi1>
        %sub3A_345 = vector.broadcast %mul3A_2 : i32 to vector<16xi32>
        %sub3A_346 = arith.subi %get3A_324, %sub3A_345 : vector<16xi32>
        %add3A_347 = vector.broadcast %min3A_124 : i32 to vector<16xi32>
        %add3A_348 = arith.addi %add3A_347, %add3A_334 : vector<16xi32>
        tpu.vector_store_idx %arg9[%sub3A_346], %add3A_348 masked %and3A_344 : memref<48xi32, #tpu.memory_space<vmem>>[vector<16xi32>], vector<16xi32>, vector<16xi1>
        %scan3A_349 = arith.constant 0 : i32
        scf.yield %scan3A_349 : i32
      }
      %scan3A_157 = arith.constant 16 : i32
      %get3A_158 = arith.constant 32 : index
      %get3A_159 = tpu.vector_load %arg9[%get3A_158] {strides = array<i32>} : memref<48xi32, #tpu.memory_space<vmem>>, vector<16xi32>,
      %rev3A = arith.constant 15 : i32
      %rev3A_160 = vector.broadcast %rev3A : i32 to vector<16xi32>
      %rev3A_161 = tpu.iota {dimensions = array<i32: 0>} : vector<16xi32>
      %rev3A_162 = arith.subi %rev3A_160, %rev3A_161 : vector<16xi32>
      %rev3A_163 = tpu.dynamic_gather %get3A_159[%rev3A_162] in [0] : vector<16xi32>, vector<16xi32> -> vector<16xi32>
      %neg3A = arith.constant 0 : i32
      %neg3A_164 = vector.broadcast %neg3A : i32 to vector<16xi32>
      %neg3A_165 = arith.subi %neg3A_164, %rev3A_163 : vector<16xi32>
      %broadcast_in_dim3A_166 = arith.constant true
      %broadcast_in_dim3A_167 = vector.broadcast %broadcast_in_dim3A_166 : i1 to vector<16xi1>
      %masked_cummax3A = arith.constant -2147483648 : i32
      %masked_cummax3A_168 = vector.broadcast %masked_cummax3A : i32 to vector<16xi32>
      %masked_cummax3A_169 = arith.xori %neg3A_165, %masked_cummax3A_168 : vector<16xi32>
      %masked_cummax3A_170 = tpu.scan <max>, %masked_cummax3A_169 masked %broadcast_in_dim3A_167 : vector<16xi32>, vector<16xi1> -> vector<16xi32>
      %masked_cummax3A_171 = arith.xori %masked_cummax3A_170, %masked_cummax3A_168 : vector<16xi32>
      %neg3A_172 = arith.constant 0 : i32
      %neg3A_173 = vector.broadcast %neg3A_172 : i32 to vector<16xi32>
      %neg3A_174 = arith.subi %neg3A_173, %masked_cummax3A_171 : vector<16xi32>
      %rev3A_175 = arith.constant 15 : i32
      %rev3A_176 = vector.broadcast %rev3A_175 : i32 to vector<16xi32>
      %rev3A_177 = tpu.iota {dimensions = array<i32: 0>} : vector<16xi32>
      %rev3A_178 = arith.subi %rev3A_176, %rev3A_177 : vector<16xi32>
      %rev3A_179 = tpu.dynamic_gather %neg3A_174[%rev3A_178] in [0] : vector<16xi32>, vector<16xi32> -> vector<16xi32>
      %get3A_180 = arith.constant 16 : index
      %get3A_181 = tpu.vector_load %arg9[%get3A_180] {strides = array<i32>} : memref<48xi32, #tpu.memory_space<vmem>>, vector<16xi32>,
      %rev3A_182 = arith.constant 15 : i32
      %rev3A_183 = vector.broadcast %rev3A_182 : i32 to vector<16xi32>
      %rev3A_184 = tpu.iota {dimensions = array<i32: 0>} : vector<16xi32>
      %rev3A_185 = arith.subi %rev3A_183, %rev3A_184 : vector<16xi32>
      %rev3A_186 = tpu.dynamic_gather %get3A_181[%rev3A_185] in [0] : vector<16xi32>, vector<16xi32> -> vector<16xi32>
      %neg3A_187 = arith.constant 0 : i32
      %neg3A_188 = vector.broadcast %neg3A_187 : i32 to vector<16xi32>
      %neg3A_189 = arith.subi %neg3A_188, %rev3A_186 : vector<16xi32>
      %broadcast_in_dim3A_190 = arith.constant true
      %broadcast_in_dim3A_191 = vector.broadcast %broadcast_in_dim3A_190 : i1 to vector<16xi1>
      %masked_cummax3A_192 = arith.constant -2147483648 : i32
      %masked_cummax3A_193 = vector.broadcast %masked_cummax3A_192 : i32 to vector<16xi32>
      %masked_cummax3A_194 = arith.xori %neg3A_189, %masked_cummax3A_193 : vector<16xi32>
      %masked_cummax3A_195 = tpu.scan <max>, %masked_cummax3A_194 masked %broadcast_in_dim3A_191 : vector<16xi32>, vector<16xi1> -> vector<16xi32>
      %masked_cummax3A_196 = arith.xori %masked_cummax3A_195, %masked_cummax3A_193 : vector<16xi32>
      %neg3A_197 = arith.constant 0 : i32
      %neg3A_198 = vector.broadcast %neg3A_197 : i32 to vector<16xi32>
      %neg3A_199 = arith.subi %neg3A_198, %masked_cummax3A_196 : vector<16xi32>
      %rev3A_200 = arith.constant 15 : i32
      %rev3A_201 = vector.broadcast %rev3A_200 : i32 to vector<16xi32>
      %rev3A_202 = tpu.iota {dimensions = array<i32: 0>} : vector<16xi32>
      %rev3A_203 = arith.subi %rev3A_201, %rev3A_202 : vector<16xi32>
      %rev3A_204 = tpu.dynamic_gather %neg3A_199[%rev3A_203] in [0] : vector<16xi32>, vector<16xi32> -> vector<16xi32>
      %slice3A = vector.extract_strided_slice %rev3A_179 {offsets = [0], sizes = [1], strides = [1]} : vector<16xi32> to vector<1xi32>
      %squeeze3A = vector.extract %slice3A[0] : i32 from vector<1xi32>
      %broadcast_in_dim3A_205 = vector.broadcast %squeeze3A : i32 to vector<16xi32>
      %min3A_206 = arith.minsi %rev3A_204, %broadcast_in_dim3A_205 : vector<16xi32>
      %get3A_207 = arith.constant 0 : index
      %get3A_208 = tpu.vector_load %arg9[%get3A_207] {strides = array<i32>} : memref<48xi32, #tpu.memory_space<vmem>>, vector<16xi32>,
      %rev3A_209 = arith.constant 15 : i32
      %rev3A_210 = vector.broadcast %rev3A_209 : i32 to vector<16xi32>
      %rev3A_211 = tpu.iota {dimensions = array<i32: 0>} : vector<16xi32>
      %rev3A_212 = arith.subi %rev3A_210, %rev3A_211 : vector<16xi32>
      %rev3A_213 = tpu.dynamic_gather %get3A_208[%rev3A_212] in [0] : vector<16xi32>, vector<16xi32> -> vector<16xi32>
      %neg3A_214 = arith.constant 0 : i32
      %neg3A_215 = vector.broadcast %neg3A_214 : i32 to vector<16xi32>
      %neg3A_216 = arith.subi %neg3A_215, %rev3A_213 : vector<16xi32>
      %broadcast_in_dim3A_217 = arith.constant true
      %broadcast_in_dim3A_218 = vector.broadcast %broadcast_in_dim3A_217 : i1 to vector<16xi1>
      %masked_cummax3A_219 = arith.constant -2147483648 : i32
      %masked_cummax3A_220 = vector.broadcast %masked_cummax3A_219 : i32 to vector<16xi32>
      %masked_cummax3A_221 = arith.xori %neg3A_216, %masked_cummax3A_220 : vector<16xi32>
      %masked_cummax3A_222 = tpu.scan <max>, %masked_cummax3A_221 masked %broadcast_in_dim3A_218 : vector<16xi32>, vector<16xi1> -> vector<16xi32>
      %masked_cummax3A_223 = arith.xori %masked_cummax3A_222, %masked_cummax3A_220 : vector<16xi32>
      %neg3A_224 = arith.constant 0 : i32
      %neg3A_225 = vector.broadcast %neg3A_224 : i32 to vector<16xi32>
      %neg3A_226 = arith.subi %neg3A_225, %masked_cummax3A_223 : vector<16xi32>
      %rev3A_227 = arith.constant 15 : i32
      %rev3A_228 = vector.broadcast %rev3A_227 : i32 to vector<16xi32>
      %rev3A_229 = tpu.iota {dimensions = array<i32: 0>} : vector<16xi32>
      %rev3A_230 = arith.subi %rev3A_228, %rev3A_229 : vector<16xi32>
      %rev3A_231 = tpu.dynamic_gather %neg3A_226[%rev3A_230] in [0] : vector<16xi32>, vector<16xi32> -> vector<16xi32>
      %slice3A_232 = vector.extract_strided_slice %min3A_206 {offsets = [0], sizes = [1], strides = [1]} : vector<16xi32> to vector<1xi32>
      %squeeze3A_233 = vector.extract %slice3A_232[0] : i32 from vector<1xi32>
      %broadcast_in_dim3A_234 = vector.broadcast %squeeze3A_233 : i32 to vector<16xi32>
      %min3A_235 = arith.minsi %rev3A_231, %broadcast_in_dim3A_234 : vector<16xi32>
      %swap3A_236 = arith.constant 0 : index
      %swap3A_237 = tpu.vector_load %arg9[%swap3A_236] {strides = array<i32>} : memref<48xi32, #tpu.memory_space<vmem>>, vector<16xi32>,
      tpu.vector_store %arg9[%swap3A_236], %min3A_235 {strides = array<i32>} : memref<48xi32, #tpu.memory_space<vmem>>, vector<16xi32>,
      %swap3A_238 = arith.constant 16 : index
      %swap3A_239 = tpu.vector_load %arg9[%swap3A_238] {strides = array<i32>} : memref<48xi32, #tpu.memory_space<vmem>>, vector<16xi32>,
      tpu.vector_store %arg9[%swap3A_238], %min3A_206 {strides = array<i32>} : memref<48xi32, #tpu.memory_space<vmem>>, vector<16xi32>,
      %swap3A_240 = arith.constant 32 : index
      %swap3A_241 = tpu.vector_load %arg9[%swap3A_240] {strides = array<i32>} : memref<48xi32, #tpu.memory_space<vmem>>, vector<16xi32>,
      tpu.vector_store %arg9[%swap3A_240], %rev3A_179 {strides = array<i32>} : memref<48xi32, #tpu.memory_space<vmem>>, vector<16xi32>,
      %le3A = vector.broadcast %min3A_137 : i32 to vector<16xi32>
      %le3A_242 = arith.cmpi sle, %min3A_235, %le3A : vector<16xi32>
      %ge3A = arith.constant 1 : i32
      %ge3A_243 = vector.broadcast %ge3A : i32 to vector<16xi32>
      %ge3A_244 = arith.cmpi sge, %iota3A_56, %ge3A_243 : vector<16xi32>
      %and3A = arith.andi %le3A_242, %ge3A_244 : vector<16xi1>
      %jit3A_245 = arith.constant 1 : i32
      %jit3A_246 = arith.constant 0 : i32
      %broadcast_in_dim3A_247 = vector.broadcast %jit3A_245 : i32 to vector<16xi32>
      %broadcast_in_dim3A_248 = vector.broadcast %jit3A_246 : i32 to vector<16xi32>
      %select_n3A_249 = arith.select %and3A, %broadcast_in_dim3A_247, %broadcast_in_dim3A_248 : vector<16xi1>, vector<16xi32>
      %le3A_250 = vector.broadcast %min3A_137 : i32 to vector<16xi32>
      %le3A_251 = arith.cmpi sle, %min3A_206, %le3A_250 : vector<16xi32>
      %jit3A_252 = arith.constant 1 : i32
      %jit3A_253 = arith.constant 0 : i32
      %broadcast_in_dim3A_254 = vector.broadcast %jit3A_252 : i32 to vector<16xi32>
      %broadcast_in_dim3A_255 = vector.broadcast %jit3A_253 : i32 to vector<16xi32>
      %select_n3A_256 = arith.select %le3A_251, %broadcast_in_dim3A_254, %broadcast_in_dim3A_255 : vector<16xi1>, vector<16xi32>
      %le3A_257 = vector.broadcast %min3A_137 : i32 to vector<16xi32>
      %le3A_258 = arith.cmpi sle, %rev3A_179, %le3A_257 : vector<16xi32>
      %eq3A_259 = arith.constant 0 : i32
      %eq3A_260 = vector.broadcast %eq3A_259 : i32 to vector<16xi32>
      %eq3A_261 = arith.cmpi eq, %iota3A_56, %eq3A_260 : vector<16xi32>
      %and3A_262 = arith.andi %le3A_258, %eq3A_261 : vector<16xi1>
      %jit3A_263 = arith.constant 1 : i32
      %jit3A_264 = arith.constant 0 : i32
      %broadcast_in_dim3A_265 = vector.broadcast %jit3A_263 : i32 to vector<16xi32>
      %broadcast_in_dim3A_266 = vector.broadcast %jit3A_264 : i32 to vector<16xi32>
      %select_n3A_267 = arith.select %and3A_262, %broadcast_in_dim3A_265, %broadcast_in_dim3A_266 : vector<16xi1>, vector<16xi32>
      %add3A_268 = arith.addi %select_n3A_249, %select_n3A_256 : vector<16xi32>
      %add3A_269 = arith.addi %add3A_268, %select_n3A_267 : vector<16xi32>
      %reduce_sum3A_270 = arith.constant true
      %reduce_sum3A_271 = vector.broadcast %reduce_sum3A_270 : i1 to vector<16xi1>
      %reduce_sum3A_272 = tpu.scan <sum>, %add3A_269 masked %reduce_sum3A_271 : vector<16xi32>, vector<16xi1> -> vector<16xi32>
      %reduce_sum3A_273 = vector.extract %reduce_sum3A_272[15] : i32 from vector<16xi32>
      %sub3A_274 = arith.subi %reduce_sum3A_273, %while3A_103 : i32
      %lt3A_275 = arith.cmpi slt, %min3A_137, %add3A_51 : i32
      %jit3A_276 = arith.constant 1 : i32
      %jit3A_277 = arith.constant 0 : i32
      %select_n3A_278 = arith.select %lt3A_275, %jit3A_276, %jit3A_277 : i32
      %add3A_279 = arith.addi %sub3A_274, %select_n3A_278 : i32
      %dma_wait3A_280 = arith.constant 0 : i32
      %dma_wait3A_281 = arith.constant 0 : i32
      %dma_wait3A_282 = tpu.memref_slice %arg5[%while3A_104, %dma_wait3A_280, %dma_wait3A_281] : memref<3x256x128xf32, #tpu.memory_space<vmem>> -> memref<1x256x128xf32, #tpu.memory_space<vmem>>
      %dma_wait3A_283 = tpu.memref_squeeze %dma_wait3A_282 : memref<1x256x128xf32, #tpu.memory_space<vmem>> -> memref<256x128xf32, #tpu.memory_space<vmem>>
      %dma_wait3A_284 = arith.constant 0 : i32
      %dma_wait3A_285 = tpu.memref_slice %arg2[%min3A_124, %dma_wait3A_284] : memref<320000x128xf32, #tpu.memory_space<hbm>> -> memref<256x128xf32, #tpu.memory_space<hbm>>
      %dma_wait3A_286 = tpu.memref_slice %arg11[%while3A_104] : memref<3x!tpu.dma_semaphore, #tpu.memory_space<semaphore_mem>> -> memref<1x!tpu.dma_semaphore, #tpu.memory_space<semaphore_mem>>
      %dma_wait3A_287 = tpu.memref_squeeze %dma_wait3A_286 : memref<1x!tpu.dma_semaphore, #tpu.memory_space<semaphore_mem>> -> memref<!tpu.dma_semaphore, #tpu.memory_space<semaphore_mem>>
      %dma_wait3A_288 = arith.constant 0 : i32
      %dma_wait3A_289 = arith.constant 0 : i32
      %dma_wait3A_290 = tpu.memref_slice %arg5[%while3A_104, %dma_wait3A_288, %dma_wait3A_289] : memref<3x256x128xf32, #tpu.memory_space<vmem>> -> memref<1x256x128xf32, #tpu.memory_space<vmem>>
      %dma_wait3A_291 = tpu.memref_squeeze %dma_wait3A_290 : memref<1x256x128xf32, #tpu.memory_space<vmem>> -> memref<256x128xf32, #tpu.memory_space<vmem>>
      %dma_wait3A_292 = arith.constant 0 : i32
      %dma_wait3A_293 = tpu.memref_slice %arg2[%min3A_124, %dma_wait3A_292] : memref<320000x128xf32, #tpu.memory_space<hbm>> -> memref<256x128xf32, #tpu.memory_space<hbm>>
      tpu.wait_dma2 semaphore(%dma_wait3A_287 : memref<!tpu.dma_semaphore, #tpu.memory_space<semaphore_mem>>) src(%dma_wait3A_293 : memref<256x128xf32, #tpu.memory_space<hbm>>) dst(%dma_wait3A_291 : memref<256x128xf32, #tpu.memory_space<vmem>>)
      %add3A_294 = arith.constant 2 : i32
      %add3A_295 = arith.addi %while3A_102, %add3A_294 : i32
      %lt3A_296 = arith.cmpi slt, %add3A_295, %div3A_82 : i32
      %convert_element_type3A_297 = arith.extui %lt3A_296 : i1 to i32
      %cond3A_298 = arith.constant 0 : i32
      %cond3A_299 = arith.cmpi ne, %convert_element_type3A_297, %cond3A_298 : i32
      scf.if %cond3A_299 {
        %eq3A_317 = arith.constant 0 : i32
        %eq3A_318 = arith.cmpi eq, %while3A_104, %eq3A_317 : i32
        %sub3A_319 = arith.constant 1 : i32
        %sub3A_320 = arith.subi %while3A_104, %sub3A_319 : i32
        %jit3A_321 = arith.constant 2 : i32
        %select_n3A_322 = arith.select %eq3A_318, %jit3A_321, %sub3A_320 : i32
        %add3A_323 = arith.constant 2 : i32
        %add3A_324 = arith.addi %while3A_102, %add3A_323 : i32
        %mul3A_325 = arith.constant 256 : i32
        %mul3A_326 = arith.muli %add3A_324, %mul3A_325 : i32
        %add3A_327 = arith.addi %add3A_50, %mul3A_326 : i32
        %min3A_328 = arith.constant 319744 : i32
        %min3A_329 = arith.minsi %add3A_327, %min3A_328 : i32
        %div3A_330 = arith.constant 16 : i32
        %div3A_331 = arith.divsi %min3A_329, %div3A_330 : i32
        %mul3A_332 = arith.constant 16 : i32
        %mul3A_333 = arith.muli %div3A_331, %mul3A_332 : i32
        %sub3A_334 = arith.constant 16 : i32
        %sub3A_335 = arith.subi %mul3A_333, %sub3A_334 : i32
        %min3A_336 = arith.constant 319712 : i32
        %min3A_337 = arith.minsi %sub3A_335, %min3A_336 : i32
        %max3A_338 = arith.constant 0 : i32
        %max3A_339 = arith.maxsi %min3A_337, %max3A_338 : i32
        %multiple_of3A_340 = tpu.assume_multiple %max3A_339, 16 : i32
        %dma_start3A_341 = arith.constant 0 : i32
        %dma_start3A_342 = arith.constant 0 : i32
        %dma_start3A_343 = tpu.memref_slice %arg5[%select_n3A_322, %dma_start3A_341, %dma_start3A_342] : memref<3x256x128xf32, #tpu.memory_space<vmem>> -> memref<1x256x128xf32, #tpu.memory_space<vmem>>
        %dma_start3A_344 = tpu.memref_squeeze %dma_start3A_343 : memref<1x256x128xf32, #tpu.memory_space<vmem>> -> memref<256x128xf32, #tpu.memory_space<vmem>>
        %dma_start3A_345 = arith.constant 0 : i32
        %dma_start3A_346 = tpu.memref_slice %arg2[%min3A_329, %dma_start3A_345] : memref<320000x128xf32, #tpu.memory_space<hbm>> -> memref<256x128xf32, #tpu.memory_space<hbm>>
        %dma_start3A_347 = tpu.memref_slice %arg11[%select_n3A_322] : memref<3x!tpu.dma_semaphore, #tpu.memory_space<semaphore_mem>> -> memref<1x!tpu.dma_semaphore, #tpu.memory_space<semaphore_mem>>
        %dma_start3A_348 = tpu.memref_squeeze %dma_start3A_347 : memref<1x!tpu.dma_semaphore, #tpu.memory_space<semaphore_mem>> -> memref<!tpu.dma_semaphore, #tpu.memory_space<semaphore_mem>>
        %dma_start3A_349 = arith.constant 0 : i32
        %dma_start3A_350 = arith.constant 0 : i32
        %dma_start3A_351 = tpu.memref_slice %arg5[%select_n3A_322, %dma_start3A_349, %dma_start3A_350] : memref<3x256x128xf32, #tpu.memory_space<vmem>> -> memref<1x256x128xf32, #tpu.memory_space<vmem>>
        %dma_start3A_352 = tpu.memref_squeeze %dma_start3A_351 : memref<1x256x128xf32, #tpu.memory_space<vmem>> -> memref<256x128xf32, #tpu.memory_space<vmem>>
        %dma_start3A_353 = arith.constant 0 : i32
        %dma_start3A_354 = tpu.memref_slice %arg2[%min3A_329, %dma_start3A_353] : memref<320000x128xf32, #tpu.memory_space<hbm>> -> memref<256x128xf32, #tpu.memory_space<hbm>>
        tpu.enqueue_dma source(%dma_start3A_354 : memref<256x128xf32, #tpu.memory_space<hbm>>) target(%dma_start3A_352 : memref<256x128xf32, #tpu.memory_space<vmem>>) target_semaphore(%dma_start3A_348 : memref<!tpu.dma_semaphore, #tpu.memory_space<semaphore_mem>>)
        %dma_start3A_355 = arith.constant 0 : i32
        %dma_start3A_356 = tpu.memref_slice %arg6[%select_n3A_322, %dma_start3A_355] : memref<3x288xi32, #tpu.memory_space<vmem>> -> memref<1x288xi32, #tpu.memory_space<vmem>>
        %dma_start3A_357 = tpu.memref_squeeze %dma_start3A_356 : memref<1x288xi32, #tpu.memory_space<vmem>> -> memref<288xi32, #tpu.memory_space<vmem>>
        %dma_start3A_358 = tpu.memref_slice %arg3[%multiple_of3A_340] : memref<320000xi32, #tpu.memory_space<hbm>> -> memref<288xi32, #tpu.memory_space<hbm>>
        %dma_start3A_359 = tpu.memref_slice %arg12[%select_n3A_322] : memref<3x!tpu.dma_semaphore, #tpu.memory_space<semaphore_mem>> -> memref<1x!tpu.dma_semaphore, #tpu.memory_space<semaphore_mem>>
        %dma_start3A_360 = tpu.memref_squeeze %dma_start3A_359 : memref<1x!tpu.dma_semaphore, #tpu.memory_space<semaphore_mem>> -> memref<!tpu.dma_semaphore, #tpu.memory_space<semaphore_mem>>
        %dma_start3A_361 = arith.constant 0 : i32
        %dma_start3A_362 = tpu.memref_slice %arg6[%select_n3A_322, %dma_start3A_361] : memref<3x288xi32, #tpu.memory_space<vmem>> -> memref<1x288xi32, #tpu.memory_space<vmem>>
        %dma_start3A_363 = tpu.memref_squeeze %dma_start3A_362 : memref<1x288xi32, #tpu.memory_space<vmem>> -> memref<288xi32, #tpu.memory_space<vmem>>
        %dma_start3A_364 = tpu.memref_slice %arg3[%multiple_of3A_340] : memref<320000xi32, #tpu.memory_space<hbm>> -> memref<288xi32, #tpu.memory_space<hbm>>
        tpu.enqueue_dma source(%dma_start3A_364 : memref<288xi32, #tpu.memory_space<hbm>>) target(%dma_start3A_363 : memref<288xi32, #tpu.memory_space<vmem>>) target_semaphore(%dma_start3A_360 : memref<!tpu.dma_semaphore, #tpu.memory_space<semaphore_mem>>)
      } else {
      }
      %while3A_300 = arith.constant 0 : i32
      %while3A_301 = arith.subi %add3A_279, %while3A_300 : i32
      %while3A_302 = arith.addi %while3A_300, %while3A_301 : i32
      %while3A_303 = arith.constant 1 : i32
      %while3A_304 = arith.divsi %while3A_301, %while3A_303 : i32
      %while3A_305 = arith.muli %while3A_304, %while3A_303 : i32
      %while3A_306 = arith.addi %while3A_300, %while3A_305 : i32
      %while3A_307 = arith.constant 1 : i32
      %while3A_308:18 = scf.for %while3A_317 = %while3A_300 to %while3A_306 step %while3A_307 iter_args(%while3A_318 = %while3A_103, %while3A_319 = %sub3A_149, %while3A_320 = %while3A_105, %while3A_321 = %while3A_106, %while3A_322 = %while3A_107, %while3A_323 = %while3A_108, %while3A_324 = %while3A_109, %while3A_325 = %while3A_110, %while3A_326 = %while3A_111, %while3A_327 = %while3A_112, %while3A_328 = %while3A_113, %while3A_329 = %while3A_114, %while3A_330 = %while3A_115, %while3A_331 = %while3A_116, %while3A_332 = %while3A_117, %while3A_333 = %while3A_118, %while3A_334 = %while3A_119, %while3A_335 = %while3A_120) -> (i32, i32, vector<16xf32>, vector<16xf32>, vector<16xf32>, vector<16xf32>, vector<16xf32>, vector<16xf32>, vector<16xf32>, vector<16xf32>, vector<16xf32>, vector<16xf32>, vector<16xf32>, vector<16xf32>, vector<16xf32>, vector<16xf32>, vector<16xf32>, vector<16xf32>)  : i32 {
        %add3A_336 = arith.constant 1 : i32
        %add3A_337 = arith.addi %while3A_318, %add3A_336 : i32
        %broadcast_in_dim3A_338 = vector.broadcast %add3A_337 : i32 to vector<16xi32>
        %gather3A = tpu.vector_load_idx %arg9[%broadcast_in_dim3A_338] : memref<48xi32, #tpu.memory_space<vmem>>[vector<16xi32>], vector<16xi32>,
        %slice3A_339 = vector.extract_strided_slice %gather3A {offsets = [0], sizes = [1], strides = [1]} : vector<16xi32> to vector<1xi32>
        %squeeze3A_340 = vector.extract %slice3A_339[0] : i32 from vector<1xi32>
        %min3A_341 = arith.minsi %squeeze3A_340, %min3A_137 : i32
        %sub3A_342 = arith.subi %min3A_341, %min3A_124 : i32
        %while3A_343 = arith.subi %sub3A_342, %while3A_319 : i32
        %while3A_344 = arith.addi %while3A_319, %while3A_343 : i32
        %while3A_345 = arith.constant 1 : i32
        %while3A_346 = arith.divsi %while3A_343, %while3A_345 : i32
        %while3A_347 = arith.muli %while3A_346, %while3A_345 : i32
        %while3A_348 = arith.addi %while3A_319, %while3A_347 : i32
        %while3A_349 = arith.constant 1 : i32
        %while3A_350:16 = scf.for %while3A_376 = %while3A_319 to %while3A_348 step %while3A_349 iter_args(%while3A_377 = %while3A_320, %while3A_378 = %while3A_321, %while3A_379 = %while3A_322, %while3A_380 = %while3A_323, %while3A_381 = %while3A_324, %while3A_382 = %while3A_325, %while3A_383 = %while3A_326, %while3A_384 = %while3A_327, %while3A_385 = %while3A_328, %while3A_386 = %while3A_329, %while3A_387 = %while3A_330, %while3A_388 = %while3A_331, %while3A_389 = %while3A_332, %while3A_390 = %while3A_333, %while3A_391 = %while3A_334, %while3A_392 = %while3A_335) -> (vector<16xf32>, vector<16xf32>, vector<16xf32>, vector<16xf32>, vector<16xf32>, vector<16xf32>, vector<16xf32>, vector<16xf32>, vector<16xf32>, vector<16xf32>, vector<16xf32>, vector<16xf32>, vector<16xf32>, vector<16xf32>, vector<16xf32>, vector<16xf32>)  : i32 {
          %get3A_393 = arith.index_cast %while3A_104 : i32 to index
          %get3A_394 = arith.index_cast %while3A_376 : i32 to index
          %get3A_395 = arith.constant 0 : index
          %get3A_396 = tpu.vector_load %arg5[%get3A_393, %get3A_394, %get3A_395] {strides = array<i32>} : memref<3x256x128xf32, #tpu.memory_space<vmem>>, vector<16xf32>,
          %add3A_397 = arith.addf %while3A_377, %get3A_396 : vector<16xf32>
          %get3A_398 = arith.index_cast %while3A_104 : i32 to index
          %get3A_399 = arith.index_cast %while3A_376 : i32 to index
          %get3A_400 = arith.constant 16 : index
          %get3A_401 = tpu.vector_load %arg5[%get3A_398, %get3A_399, %get3A_400] {strides = array<i32>} : memref<3x256x128xf32, #tpu.memory_space<vmem>>, vector<16xf32>,
          %add3A_402 = arith.addf %while3A_378, %get3A_401 : vector<16xf32>
          %get3A_403 = arith.index_cast %while3A_104 : i32 to index
          %get3A_404 = arith.index_cast %while3A_376 : i32 to index
          %get3A_405 = arith.constant 32 : index
          %get3A_406 = tpu.vector_load %arg5[%get3A_403, %get3A_404, %get3A_405] {strides = array<i32>} : memref<3x256x128xf32, #tpu.memory_space<vmem>>, vector<16xf32>,
          %add3A_407 = arith.addf %while3A_379, %get3A_406 : vector<16xf32>
          %get3A_408 = arith.index_cast %while3A_104 : i32 to index
          %get3A_409 = arith.index_cast %while3A_376 : i32 to index
          %get3A_410 = arith.constant 48 : index
          %get3A_411 = tpu.vector_load %arg5[%get3A_408, %get3A_409, %get3A_410] {strides = array<i32>} : memref<3x256x128xf32, #tpu.memory_space<vmem>>, vector<16xf32>,
          %add3A_412 = arith.addf %while3A_380, %get3A_411 : vector<16xf32>
          %get3A_413 = arith.index_cast %while3A_104 : i32 to index
          %get3A_414 = arith.index_cast %while3A_376 : i32 to index
          %get3A_415 = arith.constant 64 : index
          %get3A_416 = tpu.vector_load %arg5[%get3A_413, %get3A_414, %get3A_415] {strides = array<i32>} : memref<3x256x128xf32, #tpu.memory_space<vmem>>, vector<16xf32>,
          %add3A_417 = arith.addf %while3A_381, %get3A_416 : vector<16xf32>
          %get3A_418 = arith.index_cast %while3A_104 : i32 to index
          %get3A_419 = arith.index_cast %while3A_376 : i32 to index
          %get3A_420 = arith.constant 80 : index
          %get3A_421 = tpu.vector_load %arg5[%get3A_418, %get3A_419, %get3A_420] {strides = array<i32>} : memref<3x256x128xf32, #tpu.memory_space<vmem>>, vector<16xf32>,
          %add3A_422 = arith.addf %while3A_382, %get3A_421 : vector<16xf32>
          %get3A_423 = arith.index_cast %while3A_104 : i32 to index
          %get3A_424 = arith.index_cast %while3A_376 : i32 to index
          %get3A_425 = arith.constant 96 : index
          %get3A_426 = tpu.vector_load %arg5[%get3A_423, %get3A_424, %get3A_425] {strides = array<i32>} : memref<3x256x128xf32, #tpu.memory_space<vmem>>, vector<16xf32>,
          %add3A_427 = arith.addf %while3A_383, %get3A_426 : vector<16xf32>
          %get3A_428 = arith.index_cast %while3A_104 : i32 to index
          %get3A_429 = arith.index_cast %while3A_376 : i32 to index
          %get3A_430 = arith.constant 112 : index
          %get3A_431 = tpu.vector_load %arg5[%get3A_428, %get3A_429, %get3A_430] {strides = array<i32>} : memref<3x256x128xf32, #tpu.memory_space<vmem>>, vector<16xf32>,
          %add3A_432 = arith.addf %while3A_384, %get3A_431 : vector<16xf32>
          %get3A_433 = arith.index_cast %while3A_104 : i32 to index
          %get3A_434 = arith.index_cast %while3A_376 : i32 to index
          %get3A_435 = arith.constant 0 : index
          %get3A_436 = tpu.vector_load %arg5[%get3A_433, %get3A_434, %get3A_435] {strides = array<i32>} : memref<3x256x128xf32, #tpu.memory_space<vmem>>, vector<16xf32>,
          %max3A_437 = arith.maximumf %while3A_385, %get3A_436 : vector<16xf32>
          %get3A_438 = arith.index_cast %while3A_104 : i32 to index
          %get3A_439 = arith.index_cast %while3A_376 : i32 to index
          %get3A_440 = arith.constant 16 : index
          %get3A_441 = tpu.vector_load %arg5[%get3A_438, %get3A_439, %get3A_440] {strides = array<i32>} : memref<3x256x128xf32, #tpu.memory_space<vmem>>, vector<16xf32>,
          %max3A_442 = arith.maximumf %while3A_386, %get3A_441 : vector<16xf32>
          %get3A_443 = arith.index_cast %while3A_104 : i32 to index
          %get3A_444 = arith.index_cast %while3A_376 : i32 to index
          %get3A_445 = arith.constant 32 : index
          %get3A_446 = tpu.vector_load %arg5[%get3A_443, %get3A_444, %get3A_445] {strides = array<i32>} : memref<3x256x128xf32, #tpu.memory_space<vmem>>, vector<16xf32>,
          %max3A_447 = arith.maximumf %while3A_387, %get3A_446 : vector<16xf32>
          %get3A_448 = arith.index_cast %while3A_104 : i32 to index
          %get3A_449 = arith.index_cast %while3A_376 : i32 to index
          %get3A_450 = arith.constant 48 : index
          %get3A_451 = tpu.vector_load %arg5[%get3A_448, %get3A_449, %get3A_450] {strides = array<i32>} : memref<3x256x128xf32, #tpu.memory_space<vmem>>, vector<16xf32>,
          %max3A_452 = arith.maximumf %while3A_388, %get3A_451 : vector<16xf32>
          %get3A_453 = arith.index_cast %while3A_104 : i32 to index
          %get3A_454 = arith.index_cast %while3A_376 : i32 to index
          %get3A_455 = arith.constant 64 : index
          %get3A_456 = tpu.vector_load %arg5[%get3A_453, %get3A_454, %get3A_455] {strides = array<i32>} : memref<3x256x128xf32, #tpu.memory_space<vmem>>, vector<16xf32>,
          %max3A_457 = arith.maximumf %while3A_389, %get3A_456 : vector<16xf32>
          %get3A_458 = arith.index_cast %while3A_104 : i32 to index
          %get3A_459 = arith.index_cast %while3A_376 : i32 to index
          %get3A_460 = arith.constant 80 : index
          %get3A_461 = tpu.vector_load %arg5[%get3A_458, %get3A_459, %get3A_460] {strides = array<i32>} : memref<3x256x128xf32, #tpu.memory_space<vmem>>, vector<16xf32>,
          %max3A_462 = arith.maximumf %while3A_390, %get3A_461 : vector<16xf32>
          %get3A_463 = arith.index_cast %while3A_104 : i32 to index
          %get3A_464 = arith.index_cast %while3A_376 : i32 to index
          %get3A_465 = arith.constant 96 : index
          %get3A_466 = tpu.vector_load %arg5[%get3A_463, %get3A_464, %get3A_465] {strides = array<i32>} : memref<3x256x128xf32, #tpu.memory_space<vmem>>, vector<16xf32>,
          %max3A_467 = arith.maximumf %while3A_391, %get3A_466 : vector<16xf32>
          %get3A_468 = arith.index_cast %while3A_104 : i32 to index
          %get3A_469 = arith.index_cast %while3A_376 : i32 to index
          %get3A_470 = arith.constant 112 : index
          %get3A_471 = tpu.vector_load %arg5[%get3A_468, %get3A_469, %get3A_470] {strides = array<i32>} : memref<3x256x128xf32, #tpu.memory_space<vmem>>, vector<16xf32>,
          %max3A_472 = arith.maximumf %while3A_392, %get3A_471 : vector<16xf32>
          scf.yield %add3A_397, %add3A_402, %add3A_407, %add3A_412, %add3A_417, %add3A_422, %add3A_427, %add3A_432, %max3A_437, %max3A_442, %max3A_447, %max3A_452, %max3A_457, %max3A_462, %max3A_467, %max3A_472 : vector<16xf32>, vector<16xf32>, vector<16xf32>, vector<16xf32>, vector<16xf32>, vector<16xf32>, vector<16xf32>, vector<16xf32>, vector<16xf32>, vector<16xf32>, vector<16xf32>, vector<16xf32>, vector<16xf32>, vector<16xf32>, vector<16xf32>, vector<16xf32>
        }
        %while3A_351 = arith.constant 1 : i32
        %while3A_352:16 = scf.for %while3A_376 = %while3A_348 to %while3A_344 step %while3A_351 iter_args(%while3A_377 = %while3A_350#0, %while3A_378 = %while3A_350#1, %while3A_379 = %while3A_350#2, %while3A_380 = %while3A_350#3, %while3A_381 = %while3A_350#4, %while3A_382 = %while3A_350#5, %while3A_383 = %while3A_350#6, %while3A_384 = %while3A_350#7, %while3A_385 = %while3A_350#8, %while3A_386 = %while3A_350#9, %while3A_387 = %while3A_350#10, %while3A_388 = %while3A_350#11, %while3A_389 = %while3A_350#12, %while3A_390 = %while3A_350#13, %while3A_391 = %while3A_350#14, %while3A_392 = %while3A_350#15) -> (vector<16xf32>, vector<16xf32>, vector<16xf32>, vector<16xf32>, vector<16xf32>, vector<16xf32>, vector<16xf32>, vector<16xf32>, vector<16xf32>, vector<16xf32>, vector<16xf32>, vector<16xf32>, vector<16xf32>, vector<16xf32>, vector<16xf32>, vector<16xf32>)  : i32 {
          %get3A_393 = arith.index_cast %while3A_104 : i32 to index
          %get3A_394 = arith.index_cast %while3A_376 : i32 to index
          %get3A_395 = arith.constant 0 : index
          %get3A_396 = tpu.vector_load %arg5[%get3A_393, %get3A_394, %get3A_395] {strides = array<i32>} : memref<3x256x128xf32, #tpu.memory_space<vmem>>, vector<16xf32>,
          %add3A_397 = arith.addf %while3A_377, %get3A_396 : vector<16xf32>
          %get3A_398 = arith.index_cast %while3A_104 : i32 to index
          %get3A_399 = arith.index_cast %while3A_376 : i32 to index
          %get3A_400 = arith.constant 16 : index
          %get3A_401 = tpu.vector_load %arg5[%get3A_398, %get3A_399, %get3A_400] {strides = array<i32>} : memref<3x256x128xf32, #tpu.memory_space<vmem>>, vector<16xf32>,
          %add3A_402 = arith.addf %while3A_378, %get3A_401 : vector<16xf32>
          %get3A_403 = arith.index_cast %while3A_104 : i32 to index
          %get3A_404 = arith.index_cast %while3A_376 : i32 to index
          %get3A_405 = arith.constant 32 : index
          %get3A_406 = tpu.vector_load %arg5[%get3A_403, %get3A_404, %get3A_405] {strides = array<i32>} : memref<3x256x128xf32, #tpu.memory_space<vmem>>, vector<16xf32>,
          %add3A_407 = arith.addf %while3A_379, %get3A_406 : vector<16xf32>
          %get3A_408 = arith.index_cast %while3A_104 : i32 to index
          %get3A_409 = arith.index_cast %while3A_376 : i32 to index
          %get3A_410 = arith.constant 48 : index
          %get3A_411 = tpu.vector_load %arg5[%get3A_408, %get3A_409, %get3A_410] {strides = array<i32>} : memref<3x256x128xf32, #tpu.memory_space<vmem>>, vector<16xf32>,
          %add3A_412 = arith.addf %while3A_380, %get3A_411 : vector<16xf32>
          %get3A_413 = arith.index_cast %while3A_104 : i32 to index
          %get3A_414 = arith.index_cast %while3A_376 : i32 to index
          %get3A_415 = arith.constant 64 : index
          %get3A_416 = tpu.vector_load %arg5[%get3A_413, %get3A_414, %get3A_415] {strides = array<i32>} : memref<3x256x128xf32, #tpu.memory_space<vmem>>, vector<16xf32>,
          %add3A_417 = arith.addf %while3A_381, %get3A_416 : vector<16xf32>
          %get3A_418 = arith.index_cast %while3A_104 : i32 to index
          %get3A_419 = arith.index_cast %while3A_376 : i32 to index
          %get3A_420 = arith.constant 80 : index
          %get3A_421 = tpu.vector_load %arg5[%get3A_418, %get3A_419, %get3A_420] {strides = array<i32>} : memref<3x256x128xf32, #tpu.memory_space<vmem>>, vector<16xf32>,
          %add3A_422 = arith.addf %while3A_382, %get3A_421 : vector<16xf32>
          %get3A_423 = arith.index_cast %while3A_104 : i32 to index
          %get3A_424 = arith.index_cast %while3A_376 : i32 to index
          %get3A_425 = arith.constant 96 : index
          %get3A_426 = tpu.vector_load %arg5[%get3A_423, %get3A_424, %get3A_425] {strides = array<i32>} : memref<3x256x128xf32, #tpu.memory_space<vmem>>, vector<16xf32>,
          %add3A_427 = arith.addf %while3A_383, %get3A_426 : vector<16xf32>
          %get3A_428 = arith.index_cast %while3A_104 : i32 to index
          %get3A_429 = arith.index_cast %while3A_376 : i32 to index
          %get3A_430 = arith.constant 112 : index
          %get3A_431 = tpu.vector_load %arg5[%get3A_428, %get3A_429, %get3A_430] {strides = array<i32>} : memref<3x256x128xf32, #tpu.memory_space<vmem>>, vector<16xf32>,
          %add3A_432 = arith.addf %while3A_384, %get3A_431 : vector<16xf32>
          %get3A_433 = arith.index_cast %while3A_104 : i32 to index
          %get3A_434 = arith.index_cast %while3A_376 : i32 to index
          %get3A_435 = arith.constant 0 : index
          %get3A_436 = tpu.vector_load %arg5[%get3A_433, %get3A_434, %get3A_435] {strides = array<i32>} : memref<3x256x128xf32, #tpu.memory_space<vmem>>, vector<16xf32>,
          %max3A_437 = arith.maximumf %while3A_385, %get3A_436 : vector<16xf32>
          %get3A_438 = arith.index_cast %while3A_104 : i32 to index
          %get3A_439 = arith.index_cast %while3A_376 : i32 to index
          %get3A_440 = arith.constant 16 : index
          %get3A_441 = tpu.vector_load %arg5[%get3A_438, %get3A_439, %get3A_440] {strides = array<i32>} : memref<3x256x128xf32, #tpu.memory_space<vmem>>, vector<16xf32>,
          %max3A_442 = arith.maximumf %while3A_386, %get3A_441 : vector<16xf32>
          %get3A_443 = arith.index_cast %while3A_104 : i32 to index
          %get3A_444 = arith.index_cast %while3A_376 : i32 to index
          %get3A_445 = arith.constant 32 : index
          %get3A_446 = tpu.vector_load %arg5[%get3A_443, %get3A_444, %get3A_445] {strides = array<i32>} : memref<3x256x128xf32, #tpu.memory_space<vmem>>, vector<16xf32>,
          %max3A_447 = arith.maximumf %while3A_387, %get3A_446 : vector<16xf32>
          %get3A_448 = arith.index_cast %while3A_104 : i32 to index
          %get3A_449 = arith.index_cast %while3A_376 : i32 to index
          %get3A_450 = arith.constant 48 : index
          %get3A_451 = tpu.vector_load %arg5[%get3A_448, %get3A_449, %get3A_450] {strides = array<i32>} : memref<3x256x128xf32, #tpu.memory_space<vmem>>, vector<16xf32>,
          %max3A_452 = arith.maximumf %while3A_388, %get3A_451 : vector<16xf32>
          %get3A_453 = arith.index_cast %while3A_104 : i32 to index
          %get3A_454 = arith.index_cast %while3A_376 : i32 to index
          %get3A_455 = arith.constant 64 : index
          %get3A_456 = tpu.vector_load %arg5[%get3A_453, %get3A_454, %get3A_455] {strides = array<i32>} : memref<3x256x128xf32, #tpu.memory_space<vmem>>, vector<16xf32>,
          %max3A_457 = arith.maximumf %while3A_389, %get3A_456 : vector<16xf32>
          %get3A_458 = arith.index_cast %while3A_104 : i32 to index
          %get3A_459 = arith.index_cast %while3A_376 : i32 to index
          %get3A_460 = arith.constant 80 : index
          %get3A_461 = tpu.vector_load %arg5[%get3A_458, %get3A_459, %get3A_460] {strides = array<i32>} : memref<3x256x128xf32, #tpu.memory_space<vmem>>, vector<16xf32>,
          %max3A_462 = arith.maximumf %while3A_390, %get3A_461 : vector<16xf32>
          %get3A_463 = arith.index_cast %while3A_104 : i32 to index
          %get3A_464 = arith.index_cast %while3A_376 : i32 to index
          %get3A_465 = arith.constant 96 : index
          %get3A_466 = tpu.vector_load %arg5[%get3A_463, %get3A_464, %get3A_465] {strides = array<i32>} : memref<3x256x128xf32, #tpu.memory_space<vmem>>, vector<16xf32>,
          %max3A_467 = arith.maximumf %while3A_391, %get3A_466 : vector<16xf32>
          %get3A_468 = arith.index_cast %while3A_104 : i32 to index
          %get3A_469 = arith.index_cast %while3A_376 : i32 to index
          %get3A_470 = arith.constant 112 : index
          %get3A_471 = tpu.vector_load %arg5[%get3A_468, %get3A_469, %get3A_470] {strides = array<i32>} : memref<3x256x128xf32, #tpu.memory_space<vmem>>, vector<16xf32>,
          %max3A_472 = arith.maximumf %while3A_392, %get3A_471 : vector<16xf32>
          scf.yield %add3A_397, %add3A_402, %add3A_407, %add3A_412, %add3A_417, %add3A_422, %add3A_427, %add3A_432, %max3A_437, %max3A_442, %max3A_447, %max3A_452, %max3A_457, %max3A_462, %max3A_467, %max3A_472 : vector<16xf32>, vector<16xf32>, vector<16xf32>, vector<16xf32>, vector<16xf32>, vector<16xf32>, vector<16xf32>, vector<16xf32>, vector<16xf32>, vector<16xf32>, vector<16xf32>, vector<16xf32>, vector<16xf32>, vector<16xf32>, vector<16xf32>, vector<16xf32>
        }
        %le3A_353 = arith.cmpi sle, %squeeze3A_340, %min3A_137 : i32
        %convert_element_type3A_354 = arith.extui %le3A_353 : i1 to i32
        %cond3A_355 = arith.constant 0 : i32
        %cond3A_356 = arith.cmpi ne, %convert_element_type3A_354, %cond3A_355 : i32
        scf.if %cond3A_356 {
          %swap3A_376 = arith.index_cast %while3A_318 : i32 to index
          %swap3A_377 = arith.constant 0 : index
          %swap3A_378 = tpu.vector_load %arg10[%swap3A_376, %swap3A_377] {strides = array<i32>} : memref<32x256xf32, #tpu.memory_space<vmem>>, vector<16xf32>,
          tpu.vector_store %arg10[%swap3A_376, %swap3A_377], %while3A_352#0 {strides = array<i32>} : memref<32x256xf32, #tpu.memory_space<vmem>>, vector<16xf32>,
          %swap3A_379 = arith.index_cast %while3A_318 : i32 to index
          %swap3A_380 = arith.constant 128 : index
          %swap3A_381 = tpu.vector_load %arg10[%swap3A_379, %swap3A_380] {strides = array<i32>} : memref<32x256xf32, #tpu.memory_space<vmem>>, vector<16xf32>,
          tpu.vector_store %arg10[%swap3A_379, %swap3A_380], %while3A_352#8 {strides = array<i32>} : memref<32x256xf32, #tpu.memory_space<vmem>>, vector<16xf32>,
          %swap3A_382 = arith.index_cast %while3A_318 : i32 to index
          %swap3A_383 = arith.constant 16 : index
          %swap3A_384 = tpu.vector_load %arg10[%swap3A_382, %swap3A_383] {strides = array<i32>} : memref<32x256xf32, #tpu.memory_space<vmem>>, vector<16xf32>,
          tpu.vector_store %arg10[%swap3A_382, %swap3A_383], %while3A_352#1 {strides = array<i32>} : memref<32x256xf32, #tpu.memory_space<vmem>>, vector<16xf32>,
          %swap3A_385 = arith.index_cast %while3A_318 : i32 to index
          %swap3A_386 = arith.constant 144 : index
          %swap3A_387 = tpu.vector_load %arg10[%swap3A_385, %swap3A_386] {strides = array<i32>} : memref<32x256xf32, #tpu.memory_space<vmem>>, vector<16xf32>,
          tpu.vector_store %arg10[%swap3A_385, %swap3A_386], %while3A_352#9 {strides = array<i32>} : memref<32x256xf32, #tpu.memory_space<vmem>>, vector<16xf32>,
          %swap3A_388 = arith.index_cast %while3A_318 : i32 to index
          %swap3A_389 = arith.constant 32 : index
          %swap3A_390 = tpu.vector_load %arg10[%swap3A_388, %swap3A_389] {strides = array<i32>} : memref<32x256xf32, #tpu.memory_space<vmem>>, vector<16xf32>,
          tpu.vector_store %arg10[%swap3A_388, %swap3A_389], %while3A_352#2 {strides = array<i32>} : memref<32x256xf32, #tpu.memory_space<vmem>>, vector<16xf32>,
          %swap3A_391 = arith.index_cast %while3A_318 : i32 to index
          %swap3A_392 = arith.constant 160 : index
          %swap3A_393 = tpu.vector_load %arg10[%swap3A_391, %swap3A_392] {strides = array<i32>} : memref<32x256xf32, #tpu.memory_space<vmem>>, vector<16xf32>,
          tpu.vector_store %arg10[%swap3A_391, %swap3A_392], %while3A_352#10 {strides = array<i32>} : memref<32x256xf32, #tpu.memory_space<vmem>>, vector<16xf32>,
          %swap3A_394 = arith.index_cast %while3A_318 : i32 to index
          %swap3A_395 = arith.constant 48 : index
          %swap3A_396 = tpu.vector_load %arg10[%swap3A_394, %swap3A_395] {strides = array<i32>} : memref<32x256xf32, #tpu.memory_space<vmem>>, vector<16xf32>,
          tpu.vector_store %arg10[%swap3A_394, %swap3A_395], %while3A_352#3 {strides = array<i32>} : memref<32x256xf32, #tpu.memory_space<vmem>>, vector<16xf32>,
          %swap3A_397 = arith.index_cast %while3A_318 : i32 to index
          %swap3A_398 = arith.constant 176 : index
          %swap3A_399 = tpu.vector_load %arg10[%swap3A_397, %swap3A_398] {strides = array<i32>} : memref<32x256xf32, #tpu.memory_space<vmem>>, vector<16xf32>,
          tpu.vector_store %arg10[%swap3A_397, %swap3A_398], %while3A_352#11 {strides = array<i32>} : memref<32x256xf32, #tpu.memory_space<vmem>>, vector<16xf32>,
          %swap3A_400 = arith.index_cast %while3A_318 : i32 to index
          %swap3A_401 = arith.constant 64 : index
          %swap3A_402 = tpu.vector_load %arg10[%swap3A_400, %swap3A_401] {strides = array<i32>} : memref<32x256xf32, #tpu.memory_space<vmem>>, vector<16xf32>,
          tpu.vector_store %arg10[%swap3A_400, %swap3A_401], %while3A_352#4 {strides = array<i32>} : memref<32x256xf32, #tpu.memory_space<vmem>>, vector<16xf32>,
          %swap3A_403 = arith.index_cast %while3A_318 : i32 to index
          %swap3A_404 = arith.constant 192 : index
          %swap3A_405 = tpu.vector_load %arg10[%swap3A_403, %swap3A_404] {strides = array<i32>} : memref<32x256xf32, #tpu.memory_space<vmem>>, vector<16xf32>,
          tpu.vector_store %arg10[%swap3A_403, %swap3A_404], %while3A_352#12 {strides = array<i32>} : memref<32x256xf32, #tpu.memory_space<vmem>>, vector<16xf32>,
          %swap3A_406 = arith.index_cast %while3A_318 : i32 to index
          %swap3A_407 = arith.constant 80 : index
          %swap3A_408 = tpu.vector_load %arg10[%swap3A_406, %swap3A_407] {strides = array<i32>} : memref<32x256xf32, #tpu.memory_space<vmem>>, vector<16xf32>,
          tpu.vector_store %arg10[%swap3A_406, %swap3A_407], %while3A_352#5 {strides = array<i32>} : memref<32x256xf32, #tpu.memory_space<vmem>>, vector<16xf32>,
          %swap3A_409 = arith.index_cast %while3A_318 : i32 to index
          %swap3A_410 = arith.constant 208 : index
          %swap3A_411 = tpu.vector_load %arg10[%swap3A_409, %swap3A_410] {strides = array<i32>} : memref<32x256xf32, #tpu.memory_space<vmem>>, vector<16xf32>,
          tpu.vector_store %arg10[%swap3A_409, %swap3A_410], %while3A_352#13 {strides = array<i32>} : memref<32x256xf32, #tpu.memory_space<vmem>>, vector<16xf32>,
          %swap3A_412 = arith.index_cast %while3A_318 : i32 to index
          %swap3A_413 = arith.constant 96 : index
          %swap3A_414 = tpu.vector_load %arg10[%swap3A_412, %swap3A_413] {strides = array<i32>} : memref<32x256xf32, #tpu.memory_space<vmem>>, vector<16xf32>,
          tpu.vector_store %arg10[%swap3A_412, %swap3A_413], %while3A_352#6 {strides = array<i32>} : memref<32x256xf32, #tpu.memory_space<vmem>>, vector<16xf32>,
          %swap3A_415 = arith.index_cast %while3A_318 : i32 to index
          %swap3A_416 = arith.constant 224 : index
          %swap3A_417 = tpu.vector_load %arg10[%swap3A_415, %swap3A_416] {strides = array<i32>} : memref<32x256xf32, #tpu.memory_space<vmem>>, vector<16xf32>,
          tpu.vector_store %arg10[%swap3A_415, %swap3A_416], %while3A_352#14 {strides = array<i32>} : memref<32x256xf32, #tpu.memory_space<vmem>>, vector<16xf32>,
          %swap3A_418 = arith.index_cast %while3A_318 : i32 to index
          %swap3A_419 = arith.constant 112 : index
          %swap3A_420 = tpu.vector_load %arg10[%swap3A_418, %swap3A_419] {strides = array<i32>} : memref<32x256xf32, #tpu.memory_space<vmem>>, vector<16xf32>,
          tpu.vector_store %arg10[%swap3A_418, %swap3A_419], %while3A_352#7 {strides = array<i32>} : memref<32x256xf32, #tpu.memory_space<vmem>>, vector<16xf32>,
          %swap3A_421 = arith.index_cast %while3A_318 : i32 to index
          %swap3A_422 = arith.constant 240 : index
          %swap3A_423 = tpu.vector_load %arg10[%swap3A_421, %swap3A_422] {strides = array<i32>} : memref<32x256xf32, #tpu.memory_space<vmem>>, vector<16xf32>,
          tpu.vector_store %arg10[%swap3A_421, %swap3A_422], %while3A_352#15 {strides = array<i32>} : memref<32x256xf32, #tpu.memory_space<vmem>>, vector<16xf32>,
        } else {
        }
        %add3A_357 = arith.constant 1 : i32
        %add3A_358 = arith.addi %while3A_318, %add3A_357 : i32
        %select_n3A_359 = arith.select %le3A_353, %add3A_358, %while3A_318 : i32
        %select_n3A_360 = arith.select %le3A_353, %broadcast_in_dim3A_53, %while3A_352#0 : vector<16xf32>
        %select_n3A_361 = arith.select %le3A_353, %broadcast_in_dim3A_53, %while3A_352#1 : vector<16xf32>
        %select_n3A_362 = arith.select %le3A_353, %broadcast_in_dim3A_53, %while3A_352#2 : vector<16xf32>
        %select_n3A_363 = arith.select %le3A_353, %broadcast_in_dim3A_53, %while3A_352#3 : vector<16xf32>
        %select_n3A_364 = arith.select %le3A_353, %broadcast_in_dim3A_53, %while3A_352#4 : vector<16xf32>
        %select_n3A_365 = arith.select %le3A_353, %broadcast_in_dim3A_53, %while3A_352#5 : vector<16xf32>
        %select_n3A_366 = arith.select %le3A_353, %broadcast_in_dim3A_53, %while3A_352#6 : vector<16xf32>
        %select_n3A_367 = arith.select %le3A_353, %broadcast_in_dim3A_53, %while3A_352#7 : vector<16xf32>
        %select_n3A_368 = arith.select %le3A_353, %broadcast_in_dim3A_55, %while3A_352#8 : vector<16xf32>
        %select_n3A_369 = arith.select %le3A_353, %broadcast_in_dim3A_55, %while3A_352#9 : vector<16xf32>
        %select_n3A_370 = arith.select %le3A_353, %broadcast_in_dim3A_55, %while3A_352#10 : vector<16xf32>
        %select_n3A_371 = arith.select %le3A_353, %broadcast_in_dim3A_55, %while3A_352#11 : vector<16xf32>
        %select_n3A_372 = arith.select %le3A_353, %broadcast_in_dim3A_55, %while3A_352#12 : vector<16xf32>
        %select_n3A_373 = arith.select %le3A_353, %broadcast_in_dim3A_55, %while3A_352#13 : vector<16xf32>
        %select_n3A_374 = arith.select %le3A_353, %broadcast_in_dim3A_55, %while3A_352#14 : vector<16xf32>
        %select_n3A_375 = arith.select %le3A_353, %broadcast_in_dim3A_55, %while3A_352#15 : vector<16xf32>
        scf.yield %select_n3A_359, %sub3A_342, %select_n3A_360, %select_n3A_361, %select_n3A_362, %select_n3A_363, %select_n3A_364, %select_n3A_365, %select_n3A_366, %select_n3A_367, %select_n3A_368, %select_n3A_369, %select_n3A_370, %select_n3A_371, %select_n3A_372, %select_n3A_373, %select_n3A_374, %select_n3A_375 : i32, i32, vector<16xf32>, vector<16xf32>, vector<16xf32>, vector<16xf32>, vector<16xf32>, vector<16xf32>, vector<16xf32>, vector<16xf32>, vector<16xf32>, vector<16xf32>, vector<16xf32>, vector<16xf32>, vector<16xf32>, vector<16xf32>, vector<16xf32>, vector<16xf32>
      }
      %while3A_309 = arith.constant 1 : i32
      %while3A_310:18 = scf.for %while3A_317 = %while3A_306 to %while3A_302 step %while3A_309 iter_args(%while3A_318 = %while3A_308#0, %while3A_319 = %while3A_308#1, %while3A_320 = %while3A_308#2, %while3A_321 = %while3A_308#3, %while3A_322 = %while3A_308#4, %while3A_323 = %while3A_308#5, %while3A_324 = %while3A_308#6, %while3A_325 = %while3A_308#7, %while3A_326 = %while3A_308#8, %while3A_327 = %while3A_308#9, %while3A_328 = %while3A_308#10, %while3A_329 = %while3A_308#11, %while3A_330 = %while3A_308#12, %while3A_331 = %while3A_308#13, %while3A_332 = %while3A_308#14, %while3A_333 = %while3A_308#15, %while3A_334 = %while3A_308#16, %while3A_335 = %while3A_308#17) -> (i32, i32, vector<16xf32>, vector<16xf32>, vector<16xf32>, vector<16xf32>, vector<16xf32>, vector<16xf32>, vector<16xf32>, vector<16xf32>, vector<16xf32>, vector<16xf32>, vector<16xf32>, vector<16xf32>, vector<16xf32>, vector<16xf32>, vector<16xf32>, vector<16xf32>)  : i32 {
        %add3A_336 = arith.constant 1 : i32
        %add3A_337 = arith.addi %while3A_318, %add3A_336 : i32
        %broadcast_in_dim3A_338 = vector.broadcast %add3A_337 : i32 to vector<16xi32>
        %gather3A = tpu.vector_load_idx %arg9[%broadcast_in_dim3A_338] : memref<48xi32, #tpu.memory_space<vmem>>[vector<16xi32>], vector<16xi32>,
        %slice3A_339 = vector.extract_strided_slice %gather3A {offsets = [0], sizes = [1], strides = [1]} : vector<16xi32> to vector<1xi32>
        %squeeze3A_340 = vector.extract %slice3A_339[0] : i32 from vector<1xi32>
        %min3A_341 = arith.minsi %squeeze3A_340, %min3A_137 : i32
        %sub3A_342 = arith.subi %min3A_341, %min3A_124 : i32
        %while3A_343 = arith.subi %sub3A_342, %while3A_319 : i32
        %while3A_344 = arith.addi %while3A_319, %while3A_343 : i32
        %while3A_345 = arith.constant 1 : i32
        %while3A_346 = arith.divsi %while3A_343, %while3A_345 : i32
        %while3A_347 = arith.muli %while3A_346, %while3A_345 : i32
        %while3A_348 = arith.addi %while3A_319, %while3A_347 : i32
        %while3A_349 = arith.constant 1 : i32
        %while3A_350:16 = scf.for %while3A_376 = %while3A_319 to %while3A_348 step %while3A_349 iter_args(%while3A_377 = %while3A_320, %while3A_378 = %while3A_321, %while3A_379 = %while3A_322, %while3A_380 = %while3A_323, %while3A_381 = %while3A_324, %while3A_382 = %while3A_325, %while3A_383 = %while3A_326, %while3A_384 = %while3A_327, %while3A_385 = %while3A_328, %while3A_386 = %while3A_329, %while3A_387 = %while3A_330, %while3A_388 = %while3A_331, %while3A_389 = %while3A_332, %while3A_390 = %while3A_333, %while3A_391 = %while3A_334, %while3A_392 = %while3A_335) -> (vector<16xf32>, vector<16xf32>, vector<16xf32>, vector<16xf32>, vector<16xf32>, vector<16xf32>, vector<16xf32>, vector<16xf32>, vector<16xf32>, vector<16xf32>, vector<16xf32>, vector<16xf32>, vector<16xf32>, vector<16xf32>, vector<16xf32>, vector<16xf32>)  : i32 {
          %get3A_393 = arith.index_cast %while3A_104 : i32 to index
          %get3A_394 = arith.index_cast %while3A_376 : i32 to index
          %get3A_395 = arith.constant 0 : index
          %get3A_396 = tpu.vector_load %arg5[%get3A_393, %get3A_394, %get3A_395] {strides = array<i32>} : memref<3x256x128xf32, #tpu.memory_space<vmem>>, vector<16xf32>,
          %add3A_397 = arith.addf %while3A_377, %get3A_396 : vector<16xf32>
          %get3A_398 = arith.index_cast %while3A_104 : i32 to index
          %get3A_399 = arith.index_cast %while3A_376 : i32 to index
          %get3A_400 = arith.constant 16 : index
          %get3A_401 = tpu.vector_load %arg5[%get3A_398, %get3A_399, %get3A_400] {strides = array<i32>} : memref<3x256x128xf32, #tpu.memory_space<vmem>>, vector<16xf32>,
          %add3A_402 = arith.addf %while3A_378, %get3A_401 : vector<16xf32>
          %get3A_403 = arith.index_cast %while3A_104 : i32 to index
          %get3A_404 = arith.index_cast %while3A_376 : i32 to index
          %get3A_405 = arith.constant 32 : index
          %get3A_406 = tpu.vector_load %arg5[%get3A_403, %get3A_404, %get3A_405] {strides = array<i32>} : memref<3x256x128xf32, #tpu.memory_space<vmem>>, vector<16xf32>,
          %add3A_407 = arith.addf %while3A_379, %get3A_406 : vector<16xf32>
          %get3A_408 = arith.index_cast %while3A_104 : i32 to index
          %get3A_409 = arith.index_cast %while3A_376 : i32 to index
          %get3A_410 = arith.constant 48 : index
          %get3A_411 = tpu.vector_load %arg5[%get3A_408, %get3A_409, %get3A_410] {strides = array<i32>} : memref<3x256x128xf32, #tpu.memory_space<vmem>>, vector<16xf32>,
          %add3A_412 = arith.addf %while3A_380, %get3A_411 : vector<16xf32>
          %get3A_413 = arith.index_cast %while3A_104 : i32 to index
          %get3A_414 = arith.index_cast %while3A_376 : i32 to index
          %get3A_415 = arith.constant 64 : index
          %get3A_416 = tpu.vector_load %arg5[%get3A_413, %get3A_414, %get3A_415] {strides = array<i32>} : memref<3x256x128xf32, #tpu.memory_space<vmem>>, vector<16xf32>,
          %add3A_417 = arith.addf %while3A_381, %get3A_416 : vector<16xf32>
          %get3A_418 = arith.index_cast %while3A_104 : i32 to index
          %get3A_419 = arith.index_cast %while3A_376 : i32 to index
          %get3A_420 = arith.constant 80 : index
          %get3A_421 = tpu.vector_load %arg5[%get3A_418, %get3A_419, %get3A_420] {strides = array<i32>} : memref<3x256x128xf32, #tpu.memory_space<vmem>>, vector<16xf32>,
          %add3A_422 = arith.addf %while3A_382, %get3A_421 : vector<16xf32>
          %get3A_423 = arith.index_cast %while3A_104 : i32 to index
          %get3A_424 = arith.index_cast %while3A_376 : i32 to index
          %get3A_425 = arith.constant 96 : index
          %get3A_426 = tpu.vector_load %arg5[%get3A_423, %get3A_424, %get3A_425] {strides = array<i32>} : memref<3x256x128xf32, #tpu.memory_space<vmem>>, vector<16xf32>,
          %add3A_427 = arith.addf %while3A_383, %get3A_426 : vector<16xf32>
          %get3A_428 = arith.index_cast %while3A_104 : i32 to index
          %get3A_429 = arith.index_cast %while3A_376 : i32 to index
          %get3A_430 = arith.constant 112 : index
          %get3A_431 = tpu.vector_load %arg5[%get3A_428, %get3A_429, %get3A_430] {strides = array<i32>} : memref<3x256x128xf32, #tpu.memory_space<vmem>>, vector<16xf32>,
          %add3A_432 = arith.addf %while3A_384, %get3A_431 : vector<16xf32>
          %get3A_433 = arith.index_cast %while3A_104 : i32 to index
          %get3A_434 = arith.index_cast %while3A_376 : i32 to index
          %get3A_435 = arith.constant 0 : index
          %get3A_436 = tpu.vector_load %arg5[%get3A_433, %get3A_434, %get3A_435] {strides = array<i32>} : memref<3x256x128xf32, #tpu.memory_space<vmem>>, vector<16xf32>,
          %max3A_437 = arith.maximumf %while3A_385, %get3A_436 : vector<16xf32>
          %get3A_438 = arith.index_cast %while3A_104 : i32 to index
          %get3A_439 = arith.index_cast %while3A_376 : i32 to index
          %get3A_440 = arith.constant 16 : index
          %get3A_441 = tpu.vector_load %arg5[%get3A_438, %get3A_439, %get3A_440] {strides = array<i32>} : memref<3x256x128xf32, #tpu.memory_space<vmem>>, vector<16xf32>,
          %max3A_442 = arith.maximumf %while3A_386, %get3A_441 : vector<16xf32>
          %get3A_443 = arith.index_cast %while3A_104 : i32 to index
          %get3A_444 = arith.index_cast %while3A_376 : i32 to index
          %get3A_445 = arith.constant 32 : index
          %get3A_446 = tpu.vector_load %arg5[%get3A_443, %get3A_444, %get3A_445] {strides = array<i32>} : memref<3x256x128xf32, #tpu.memory_space<vmem>>, vector<16xf32>,
          %max3A_447 = arith.maximumf %while3A_387, %get3A_446 : vector<16xf32>
          %get3A_448 = arith.index_cast %while3A_104 : i32 to index
          %get3A_449 = arith.index_cast %while3A_376 : i32 to index
          %get3A_450 = arith.constant 48 : index
          %get3A_451 = tpu.vector_load %arg5[%get3A_448, %get3A_449, %get3A_450] {strides = array<i32>} : memref<3x256x128xf32, #tpu.memory_space<vmem>>, vector<16xf32>,
          %max3A_452 = arith.maximumf %while3A_388, %get3A_451 : vector<16xf32>
          %get3A_453 = arith.index_cast %while3A_104 : i32 to index
          %get3A_454 = arith.index_cast %while3A_376 : i32 to index
          %get3A_455 = arith.constant 64 : index
          %get3A_456 = tpu.vector_load %arg5[%get3A_453, %get3A_454, %get3A_455] {strides = array<i32>} : memref<3x256x128xf32, #tpu.memory_space<vmem>>, vector<16xf32>,
          %max3A_457 = arith.maximumf %while3A_389, %get3A_456 : vector<16xf32>
          %get3A_458 = arith.index_cast %while3A_104 : i32 to index
          %get3A_459 = arith.index_cast %while3A_376 : i32 to index
          %get3A_460 = arith.constant 80 : index
          %get3A_461 = tpu.vector_load %arg5[%get3A_458, %get3A_459, %get3A_460] {strides = array<i32>} : memref<3x256x128xf32, #tpu.memory_space<vmem>>, vector<16xf32>,
          %max3A_462 = arith.maximumf %while3A_390, %get3A_461 : vector<16xf32>
          %get3A_463 = arith.index_cast %while3A_104 : i32 to index
          %get3A_464 = arith.index_cast %while3A_376 : i32 to index
          %get3A_465 = arith.constant 96 : index
          %get3A_466 = tpu.vector_load %arg5[%get3A_463, %get3A_464, %get3A_465] {strides = array<i32>} : memref<3x256x128xf32, #tpu.memory_space<vmem>>, vector<16xf32>,
          %max3A_467 = arith.maximumf %while3A_391, %get3A_466 : vector<16xf32>
          %get3A_468 = arith.index_cast %while3A_104 : i32 to index
          %get3A_469 = arith.index_cast %while3A_376 : i32 to index
          %get3A_470 = arith.constant 112 : index
          %get3A_471 = tpu.vector_load %arg5[%get3A_468, %get3A_469, %get3A_470] {strides = array<i32>} : memref<3x256x128xf32, #tpu.memory_space<vmem>>, vector<16xf32>,
          %max3A_472 = arith.maximumf %while3A_392, %get3A_471 : vector<16xf32>
          scf.yield %add3A_397, %add3A_402, %add3A_407, %add3A_412, %add3A_417, %add3A_422, %add3A_427, %add3A_432, %max3A_437, %max3A_442, %max3A_447, %max3A_452, %max3A_457, %max3A_462, %max3A_467, %max3A_472 : vector<16xf32>, vector<16xf32>, vector<16xf32>, vector<16xf32>, vector<16xf32>, vector<16xf32>, vector<16xf32>, vector<16xf32>, vector<16xf32>, vector<16xf32>, vector<16xf32>, vector<16xf32>, vector<16xf32>, vector<16xf32>, vector<16xf32>, vector<16xf32>
        }
        %while3A_351 = arith.constant 1 : i32
        %while3A_352:16 = scf.for %while3A_376 = %while3A_348 to %while3A_344 step %while3A_351 iter_args(%while3A_377 = %while3A_350#0, %while3A_378 = %while3A_350#1, %while3A_379 = %while3A_350#2, %while3A_380 = %while3A_350#3, %while3A_381 = %while3A_350#4, %while3A_382 = %while3A_350#5, %while3A_383 = %while3A_350#6, %while3A_384 = %while3A_350#7, %while3A_385 = %while3A_350#8, %while3A_386 = %while3A_350#9, %while3A_387 = %while3A_350#10, %while3A_388 = %while3A_350#11, %while3A_389 = %while3A_350#12, %while3A_390 = %while3A_350#13, %while3A_391 = %while3A_350#14, %while3A_392 = %while3A_350#15) -> (vector<16xf32>, vector<16xf32>, vector<16xf32>, vector<16xf32>, vector<16xf32>, vector<16xf32>, vector<16xf32>, vector<16xf32>, vector<16xf32>, vector<16xf32>, vector<16xf32>, vector<16xf32>, vector<16xf32>, vector<16xf32>, vector<16xf32>, vector<16xf32>)  : i32 {
          %get3A_393 = arith.index_cast %while3A_104 : i32 to index
          %get3A_394 = arith.index_cast %while3A_376 : i32 to index
          %get3A_395 = arith.constant 0 : index
          %get3A_396 = tpu.vector_load %arg5[%get3A_393, %get3A_394, %get3A_395] {strides = array<i32>} : memref<3x256x128xf32, #tpu.memory_space<vmem>>, vector<16xf32>,
          %add3A_397 = arith.addf %while3A_377, %get3A_396 : vector<16xf32>
          %get3A_398 = arith.index_cast %while3A_104 : i32 to index
          %get3A_399 = arith.index_cast %while3A_376 : i32 to index
          %get3A_400 = arith.constant 16 : index
          %get3A_401 = tpu.vector_load %arg5[%get3A_398, %get3A_399, %get3A_400] {strides = array<i32>} : memref<3x256x128xf32, #tpu.memory_space<vmem>>, vector<16xf32>,
          %add3A_402 = arith.addf %while3A_378, %get3A_401 : vector<16xf32>
          %get3A_403 = arith.index_cast %while3A_104 : i32 to index
          %get3A_404 = arith.index_cast %while3A_376 : i32 to index
          %get3A_405 = arith.constant 32 : index
          %get3A_406 = tpu.vector_load %arg5[%get3A_403, %get3A_404, %get3A_405] {strides = array<i32>} : memref<3x256x128xf32, #tpu.memory_space<vmem>>, vector<16xf32>,
          %add3A_407 = arith.addf %while3A_379, %get3A_406 : vector<16xf32>
          %get3A_408 = arith.index_cast %while3A_104 : i32 to index
          %get3A_409 = arith.index_cast %while3A_376 : i32 to index
          %get3A_410 = arith.constant 48 : index
          %get3A_411 = tpu.vector_load %arg5[%get3A_408, %get3A_409, %get3A_410] {strides = array<i32>} : memref<3x256x128xf32, #tpu.memory_space<vmem>>, vector<16xf32>,
          %add3A_412 = arith.addf %while3A_380, %get3A_411 : vector<16xf32>
          %get3A_413 = arith.index_cast %while3A_104 : i32 to index
          %get3A_414 = arith.index_cast %while3A_376 : i32 to index
          %get3A_415 = arith.constant 64 : index
          %get3A_416 = tpu.vector_load %arg5[%get3A_413, %get3A_414, %get3A_415] {strides = array<i32>} : memref<3x256x128xf32, #tpu.memory_space<vmem>>, vector<16xf32>,
          %add3A_417 = arith.addf %while3A_381, %get3A_416 : vector<16xf32>
          %get3A_418 = arith.index_cast %while3A_104 : i32 to index
          %get3A_419 = arith.index_cast %while3A_376 : i32 to index
          %get3A_420 = arith.constant 80 : index
          %get3A_421 = tpu.vector_load %arg5[%get3A_418, %get3A_419, %get3A_420] {strides = array<i32>} : memref<3x256x128xf32, #tpu.memory_space<vmem>>, vector<16xf32>,
          %add3A_422 = arith.addf %while3A_382, %get3A_421 : vector<16xf32>
          %get3A_423 = arith.index_cast %while3A_104 : i32 to index
          %get3A_424 = arith.index_cast %while3A_376 : i32 to index
          %get3A_425 = arith.constant 96 : index
          %get3A_426 = tpu.vector_load %arg5[%get3A_423, %get3A_424, %get3A_425] {strides = array<i32>} : memref<3x256x128xf32, #tpu.memory_space<vmem>>, vector<16xf32>,
          %add3A_427 = arith.addf %while3A_383, %get3A_426 : vector<16xf32>
          %get3A_428 = arith.index_cast %while3A_104 : i32 to index
          %get3A_429 = arith.index_cast %while3A_376 : i32 to index
          %get3A_430 = arith.constant 112 : index
          %get3A_431 = tpu.vector_load %arg5[%get3A_428, %get3A_429, %get3A_430] {strides = array<i32>} : memref<3x256x128xf32, #tpu.memory_space<vmem>>, vector<16xf32>,
          %add3A_432 = arith.addf %while3A_384, %get3A_431 : vector<16xf32>
          %get3A_433 = arith.index_cast %while3A_104 : i32 to index
          %get3A_434 = arith.index_cast %while3A_376 : i32 to index
          %get3A_435 = arith.constant 0 : index
          %get3A_436 = tpu.vector_load %arg5[%get3A_433, %get3A_434, %get3A_435] {strides = array<i32>} : memref<3x256x128xf32, #tpu.memory_space<vmem>>, vector<16xf32>,
          %max3A_437 = arith.maximumf %while3A_385, %get3A_436 : vector<16xf32>
          %get3A_438 = arith.index_cast %while3A_104 : i32 to index
          %get3A_439 = arith.index_cast %while3A_376 : i32 to index
          %get3A_440 = arith.constant 16 : index
          %get3A_441 = tpu.vector_load %arg5[%get3A_438, %get3A_439, %get3A_440] {strides = array<i32>} : memref<3x256x128xf32, #tpu.memory_space<vmem>>, vector<16xf32>,
          %max3A_442 = arith.maximumf %while3A_386, %get3A_441 : vector<16xf32>
          %get3A_443 = arith.index_cast %while3A_104 : i32 to index
          %get3A_444 = arith.index_cast %while3A_376 : i32 to index
          %get3A_445 = arith.constant 32 : index
          %get3A_446 = tpu.vector_load %arg5[%get3A_443, %get3A_444, %get3A_445] {strides = array<i32>} : memref<3x256x128xf32, #tpu.memory_space<vmem>>, vector<16xf32>,
          %max3A_447 = arith.maximumf %while3A_387, %get3A_446 : vector<16xf32>
          %get3A_448 = arith.index_cast %while3A_104 : i32 to index
          %get3A_449 = arith.index_cast %while3A_376 : i32 to index
          %get3A_450 = arith.constant 48 : index
          %get3A_451 = tpu.vector_load %arg5[%get3A_448, %get3A_449, %get3A_450] {strides = array<i32>} : memref<3x256x128xf32, #tpu.memory_space<vmem>>, vector<16xf32>,
          %max3A_452 = arith.maximumf %while3A_388, %get3A_451 : vector<16xf32>
          %get3A_453 = arith.index_cast %while3A_104 : i32 to index
          %get3A_454 = arith.index_cast %while3A_376 : i32 to index
          %get3A_455 = arith.constant 64 : index
          %get3A_456 = tpu.vector_load %arg5[%get3A_453, %get3A_454, %get3A_455] {strides = array<i32>} : memref<3x256x128xf32, #tpu.memory_space<vmem>>, vector<16xf32>,
          %max3A_457 = arith.maximumf %while3A_389, %get3A_456 : vector<16xf32>
          %get3A_458 = arith.index_cast %while3A_104 : i32 to index
          %get3A_459 = arith.index_cast %while3A_376 : i32 to index
          %get3A_460 = arith.constant 80 : index
          %get3A_461 = tpu.vector_load %arg5[%get3A_458, %get3A_459, %get3A_460] {strides = array<i32>} : memref<3x256x128xf32, #tpu.memory_space<vmem>>, vector<16xf32>,
          %max3A_462 = arith.maximumf %while3A_390, %get3A_461 : vector<16xf32>
          %get3A_463 = arith.index_cast %while3A_104 : i32 to index
          %get3A_464 = arith.index_cast %while3A_376 : i32 to index
          %get3A_465 = arith.constant 96 : index
          %get3A_466 = tpu.vector_load %arg5[%get3A_463, %get3A_464, %get3A_465] {strides = array<i32>} : memref<3x256x128xf32, #tpu.memory_space<vmem>>, vector<16xf32>,
          %max3A_467 = arith.maximumf %while3A_391, %get3A_466 : vector<16xf32>
          %get3A_468 = arith.index_cast %while3A_104 : i32 to index
          %get3A_469 = arith.index_cast %while3A_376 : i32 to index
          %get3A_470 = arith.constant 112 : index
          %get3A_471 = tpu.vector_load %arg5[%get3A_468, %get3A_469, %get3A_470] {strides = array<i32>} : memref<3x256x128xf32, #tpu.memory_space<vmem>>, vector<16xf32>,
          %max3A_472 = arith.maximumf %while3A_392, %get3A_471 : vector<16xf32>
          scf.yield %add3A_397, %add3A_402, %add3A_407, %add3A_412, %add3A_417, %add3A_422, %add3A_427, %add3A_432, %max3A_437, %max3A_442, %max3A_447, %max3A_452, %max3A_457, %max3A_462, %max3A_467, %max3A_472 : vector<16xf32>, vector<16xf32>, vector<16xf32>, vector<16xf32>, vector<16xf32>, vector<16xf32>, vector<16xf32>, vector<16xf32>, vector<16xf32>, vector<16xf32>, vector<16xf32>, vector<16xf32>, vector<16xf32>, vector<16xf32>, vector<16xf32>, vector<16xf32>
        }
        %le3A_353 = arith.cmpi sle, %squeeze3A_340, %min3A_137 : i32
        %convert_element_type3A_354 = arith.extui %le3A_353 : i1 to i32
        %cond3A_355 = arith.constant 0 : i32
        %cond3A_356 = arith.cmpi ne, %convert_element_type3A_354, %cond3A_355 : i32
        scf.if %cond3A_356 {
          %swap3A_376 = arith.index_cast %while3A_318 : i32 to index
          %swap3A_377 = arith.constant 0 : index
          %swap3A_378 = tpu.vector_load %arg10[%swap3A_376, %swap3A_377] {strides = array<i32>} : memref<32x256xf32, #tpu.memory_space<vmem>>, vector<16xf32>,
          tpu.vector_store %arg10[%swap3A_376, %swap3A_377], %while3A_352#0 {strides = array<i32>} : memref<32x256xf32, #tpu.memory_space<vmem>>, vector<16xf32>,
          %swap3A_379 = arith.index_cast %while3A_318 : i32 to index
          %swap3A_380 = arith.constant 128 : index
          %swap3A_381 = tpu.vector_load %arg10[%swap3A_379, %swap3A_380] {strides = array<i32>} : memref<32x256xf32, #tpu.memory_space<vmem>>, vector<16xf32>,
          tpu.vector_store %arg10[%swap3A_379, %swap3A_380], %while3A_352#8 {strides = array<i32>} : memref<32x256xf32, #tpu.memory_space<vmem>>, vector<16xf32>,
          %swap3A_382 = arith.index_cast %while3A_318 : i32 to index
          %swap3A_383 = arith.constant 16 : index
          %swap3A_384 = tpu.vector_load %arg10[%swap3A_382, %swap3A_383] {strides = array<i32>} : memref<32x256xf32, #tpu.memory_space<vmem>>, vector<16xf32>,
          tpu.vector_store %arg10[%swap3A_382, %swap3A_383], %while3A_352#1 {strides = array<i32>} : memref<32x256xf32, #tpu.memory_space<vmem>>, vector<16xf32>,
          %swap3A_385 = arith.index_cast %while3A_318 : i32 to index
          %swap3A_386 = arith.constant 144 : index
          %swap3A_387 = tpu.vector_load %arg10[%swap3A_385, %swap3A_386] {strides = array<i32>} : memref<32x256xf32, #tpu.memory_space<vmem>>, vector<16xf32>,
          tpu.vector_store %arg10[%swap3A_385, %swap3A_386], %while3A_352#9 {strides = array<i32>} : memref<32x256xf32, #tpu.memory_space<vmem>>, vector<16xf32>,
          %swap3A_388 = arith.index_cast %while3A_318 : i32 to index
          %swap3A_389 = arith.constant 32 : index
          %swap3A_390 = tpu.vector_load %arg10[%swap3A_388, %swap3A_389] {strides = array<i32>} : memref<32x256xf32, #tpu.memory_space<vmem>>, vector<16xf32>,
          tpu.vector_store %arg10[%swap3A_388, %swap3A_389], %while3A_352#2 {strides = array<i32>} : memref<32x256xf32, #tpu.memory_space<vmem>>, vector<16xf32>,
          %swap3A_391 = arith.index_cast %while3A_318 : i32 to index
          %swap3A_392 = arith.constant 160 : index
          %swap3A_393 = tpu.vector_load %arg10[%swap3A_391, %swap3A_392] {strides = array<i32>} : memref<32x256xf32, #tpu.memory_space<vmem>>, vector<16xf32>,
          tpu.vector_store %arg10[%swap3A_391, %swap3A_392], %while3A_352#10 {strides = array<i32>} : memref<32x256xf32, #tpu.memory_space<vmem>>, vector<16xf32>,
          %swap3A_394 = arith.index_cast %while3A_318 : i32 to index
          %swap3A_395 = arith.constant 48 : index
          %swap3A_396 = tpu.vector_load %arg10[%swap3A_394, %swap3A_395] {strides = array<i32>} : memref<32x256xf32, #tpu.memory_space<vmem>>, vector<16xf32>,
          tpu.vector_store %arg10[%swap3A_394, %swap3A_395], %while3A_352#3 {strides = array<i32>} : memref<32x256xf32, #tpu.memory_space<vmem>>, vector<16xf32>,
          %swap3A_397 = arith.index_cast %while3A_318 : i32 to index
          %swap3A_398 = arith.constant 176 : index
          %swap3A_399 = tpu.vector_load %arg10[%swap3A_397, %swap3A_398] {strides = array<i32>} : memref<32x256xf32, #tpu.memory_space<vmem>>, vector<16xf32>,
          tpu.vector_store %arg10[%swap3A_397, %swap3A_398], %while3A_352#11 {strides = array<i32>} : memref<32x256xf32, #tpu.memory_space<vmem>>, vector<16xf32>,
          %swap3A_400 = arith.index_cast %while3A_318 : i32 to index
          %swap3A_401 = arith.constant 64 : index
          %swap3A_402 = tpu.vector_load %arg10[%swap3A_400, %swap3A_401] {strides = array<i32>} : memref<32x256xf32, #tpu.memory_space<vmem>>, vector<16xf32>,
          tpu.vector_store %arg10[%swap3A_400, %swap3A_401], %while3A_352#4 {strides = array<i32>} : memref<32x256xf32, #tpu.memory_space<vmem>>, vector<16xf32>,
          %swap3A_403 = arith.index_cast %while3A_318 : i32 to index
          %swap3A_404 = arith.constant 192 : index
          %swap3A_405 = tpu.vector_load %arg10[%swap3A_403, %swap3A_404] {strides = array<i32>} : memref<32x256xf32, #tpu.memory_space<vmem>>, vector<16xf32>,
          tpu.vector_store %arg10[%swap3A_403, %swap3A_404], %while3A_352#12 {strides = array<i32>} : memref<32x256xf32, #tpu.memory_space<vmem>>, vector<16xf32>,
          %swap3A_406 = arith.index_cast %while3A_318 : i32 to index
          %swap3A_407 = arith.constant 80 : index
          %swap3A_408 = tpu.vector_load %arg10[%swap3A_406, %swap3A_407] {strides = array<i32>} : memref<32x256xf32, #tpu.memory_space<vmem>>, vector<16xf32>,
          tpu.vector_store %arg10[%swap3A_406, %swap3A_407], %while3A_352#5 {strides = array<i32>} : memref<32x256xf32, #tpu.memory_space<vmem>>, vector<16xf32>,
          %swap3A_409 = arith.index_cast %while3A_318 : i32 to index
          %swap3A_410 = arith.constant 208 : index
          %swap3A_411 = tpu.vector_load %arg10[%swap3A_409, %swap3A_410] {strides = array<i32>} : memref<32x256xf32, #tpu.memory_space<vmem>>, vector<16xf32>,
          tpu.vector_store %arg10[%swap3A_409, %swap3A_410], %while3A_352#13 {strides = array<i32>} : memref<32x256xf32, #tpu.memory_space<vmem>>, vector<16xf32>,
          %swap3A_412 = arith.index_cast %while3A_318 : i32 to index
          %swap3A_413 = arith.constant 96 : index
          %swap3A_414 = tpu.vector_load %arg10[%swap3A_412, %swap3A_413] {strides = array<i32>} : memref<32x256xf32, #tpu.memory_space<vmem>>, vector<16xf32>,
          tpu.vector_store %arg10[%swap3A_412, %swap3A_413], %while3A_352#6 {strides = array<i32>} : memref<32x256xf32, #tpu.memory_space<vmem>>, vector<16xf32>,
          %swap3A_415 = arith.index_cast %while3A_318 : i32 to index
          %swap3A_416 = arith.constant 224 : index
          %swap3A_417 = tpu.vector_load %arg10[%swap3A_415, %swap3A_416] {strides = array<i32>} : memref<32x256xf32, #tpu.memory_space<vmem>>, vector<16xf32>,
          tpu.vector_store %arg10[%swap3A_415, %swap3A_416], %while3A_352#14 {strides = array<i32>} : memref<32x256xf32, #tpu.memory_space<vmem>>, vector<16xf32>,
          %swap3A_418 = arith.index_cast %while3A_318 : i32 to index
          %swap3A_419 = arith.constant 112 : index
          %swap3A_420 = tpu.vector_load %arg10[%swap3A_418, %swap3A_419] {strides = array<i32>} : memref<32x256xf32, #tpu.memory_space<vmem>>, vector<16xf32>,
          tpu.vector_store %arg10[%swap3A_418, %swap3A_419], %while3A_352#7 {strides = array<i32>} : memref<32x256xf32, #tpu.memory_space<vmem>>, vector<16xf32>,
          %swap3A_421 = arith.index_cast %while3A_318 : i32 to index
          %swap3A_422 = arith.constant 240 : index
          %swap3A_423 = tpu.vector_load %arg10[%swap3A_421, %swap3A_422] {strides = array<i32>} : memref<32x256xf32, #tpu.memory_space<vmem>>, vector<16xf32>,
          tpu.vector_store %arg10[%swap3A_421, %swap3A_422], %while3A_352#15 {strides = array<i32>} : memref<32x256xf32, #tpu.memory_space<vmem>>, vector<16xf32>,
        } else {
        }
        %add3A_357 = arith.constant 1 : i32
        %add3A_358 = arith.addi %while3A_318, %add3A_357 : i32
        %select_n3A_359 = arith.select %le3A_353, %add3A_358, %while3A_318 : i32
        %select_n3A_360 = arith.select %le3A_353, %broadcast_in_dim3A_53, %while3A_352#0 : vector<16xf32>
        %select_n3A_361 = arith.select %le3A_353, %broadcast_in_dim3A_53, %while3A_352#1 : vector<16xf32>
        %select_n3A_362 = arith.select %le3A_353, %broadcast_in_dim3A_53, %while3A_352#2 : vector<16xf32>
        %select_n3A_363 = arith.select %le3A_353, %broadcast_in_dim3A_53, %while3A_352#3 : vector<16xf32>
        %select_n3A_364 = arith.select %le3A_353, %broadcast_in_dim3A_53, %while3A_352#4 : vector<16xf32>
        %select_n3A_365 = arith.select %le3A_353, %broadcast_in_dim3A_53, %while3A_352#5 : vector<16xf32>
        %select_n3A_366 = arith.select %le3A_353, %broadcast_in_dim3A_53, %while3A_352#6 : vector<16xf32>
        %select_n3A_367 = arith.select %le3A_353, %broadcast_in_dim3A_53, %while3A_352#7 : vector<16xf32>
        %select_n3A_368 = arith.select %le3A_353, %broadcast_in_dim3A_55, %while3A_352#8 : vector<16xf32>
        %select_n3A_369 = arith.select %le3A_353, %broadcast_in_dim3A_55, %while3A_352#9 : vector<16xf32>
        %select_n3A_370 = arith.select %le3A_353, %broadcast_in_dim3A_55, %while3A_352#10 : vector<16xf32>
        %select_n3A_371 = arith.select %le3A_353, %broadcast_in_dim3A_55, %while3A_352#11 : vector<16xf32>
        %select_n3A_372 = arith.select %le3A_353, %broadcast_in_dim3A_55, %while3A_352#12 : vector<16xf32>
        %select_n3A_373 = arith.select %le3A_353, %broadcast_in_dim3A_55, %while3A_352#13 : vector<16xf32>
        %select_n3A_374 = arith.select %le3A_353, %broadcast_in_dim3A_55, %while3A_352#14 : vector<16xf32>
        %select_n3A_375 = arith.select %le3A_353, %broadcast_in_dim3A_55, %while3A_352#15 : vector<16xf32>
        scf.yield %select_n3A_359, %sub3A_342, %select_n3A_360, %select_n3A_361, %select_n3A_362, %select_n3A_363, %select_n3A_364, %select_n3A_365, %select_n3A_366, %select_n3A_367, %select_n3A_368, %select_n3A_369, %select_n3A_370, %select_n3A_371, %select_n3A_372, %select_n3A_373, %select_n3A_374, %select_n3A_375 : i32, i32, vector<16xf32>, vector<16xf32>, vector<16xf32>, vector<16xf32>, vector<16xf32>, vector<16xf32>, vector<16xf32>, vector<16xf32>, vector<16xf32>, vector<16xf32>, vector<16xf32>, vector<16xf32>, vector<16xf32>, vector<16xf32>, vector<16xf32>, vector<16xf32>
      }
      %eq3A_311 = arith.constant 2 : i32
      %eq3A_312 = arith.cmpi eq, %while3A_104, %eq3A_311 : i32
      %add3A_313 = arith.constant 1 : i32
      %add3A_314 = arith.addi %while3A_104, %add3A_313 : i32
      %jit3A_315 = arith.constant 0 : i32
      %select_n3A_316 = arith.select %eq3A_312, %jit3A_315, %add3A_314 : i32
      scf.yield %while3A_310#0, %select_n3A_316, %while3A_310#2, %while3A_310#3, %while3A_310#4, %while3A_310#5, %while3A_310#6, %while3A_310#7, %while3A_310#8, %while3A_310#9, %while3A_310#10, %while3A_310#11, %while3A_310#12, %while3A_310#13, %while3A_310#14, %while3A_310#15, %while3A_310#16, %while3A_310#17 : i32, i32, vector<16xf32>, vector<16xf32>, vector<16xf32>, vector<16xf32>, vector<16xf32>, vector<16xf32>, vector<16xf32>, vector<16xf32>, vector<16xf32>, vector<16xf32>, vector<16xf32>, vector<16xf32>, vector<16xf32>, vector<16xf32>, vector<16xf32>, vector<16xf32>
    }
    %while3A_100 = arith.constant 1 : i32
    %while3A_101:18 = scf.for %while3A_102 = %while3A_97 to %while3A_93 step %while3A_100 iter_args(%while3A_103 = %while3A_99#0, %while3A_104 = %while3A_99#1, %while3A_105 = %while3A_99#2, %while3A_106 = %while3A_99#3, %while3A_107 = %while3A_99#4, %while3A_108 = %while3A_99#5, %while3A_109 = %while3A_99#6, %while3A_110 = %while3A_99#7, %while3A_111 = %while3A_99#8, %while3A_112 = %while3A_99#9, %while3A_113 = %while3A_99#10, %while3A_114 = %while3A_99#11, %while3A_115 = %while3A_99#12, %while3A_116 = %while3A_99#13, %while3A_117 = %while3A_99#14, %while3A_118 = %while3A_99#15, %while3A_119 = %while3A_99#16, %while3A_120 = %while3A_99#17) -> (i32, i32, vector<16xf32>, vector<16xf32>, vector<16xf32>, vector<16xf32>, vector<16xf32>, vector<16xf32>, vector<16xf32>, vector<16xf32>, vector<16xf32>, vector<16xf32>, vector<16xf32>, vector<16xf32>, vector<16xf32>, vector<16xf32>, vector<16xf32>, vector<16xf32>)  : i32 {
      %mul3A_121 = arith.constant 256 : i32
      %mul3A_122 = arith.muli %while3A_102, %mul3A_121 : i32
      %add3A_123 = arith.addi %add3A_50, %mul3A_122 : i32
      %min3A = arith.constant 319744 : i32
      %min3A_124 = arith.minsi %add3A_123, %min3A : i32
      %div3A_125 = arith.constant 16 : i32
      %div3A_126 = arith.divsi %min3A_124, %div3A_125 : i32
      %mul3A_127 = arith.constant 16 : i32
      %mul3A_128 = arith.muli %div3A_126, %mul3A_127 : i32
      %sub3A_129 = arith.constant 16 : i32
      %sub3A_130 = arith.subi %mul3A_128, %sub3A_129 : i32
      %min3A_131 = arith.constant 319712 : i32
      %min3A_132 = arith.minsi %sub3A_130, %min3A_131 : i32
      %max3A_133 = arith.constant 0 : i32
      %max3A_134 = arith.maxsi %min3A_132, %max3A_133 : i32
      %multiple_of3A = tpu.assume_multiple %max3A_134, 16 : i32
      %add3A_135 = arith.constant 256 : i32
      %add3A_136 = arith.addi %add3A_123, %add3A_135 : i32
      %min3A_137 = arith.minsi %add3A_136, %add3A_51 : i32
      %dma_wait3A_138 = arith.constant 0 : i32
      %dma_wait3A_139 = tpu.memref_slice %arg6[%while3A_104, %dma_wait3A_138] : memref<3x288xi32, #tpu.memory_space<vmem>> -> memref<1x288xi32, #tpu.memory_space<vmem>>
      %dma_wait3A_140 = tpu.memref_squeeze %dma_wait3A_139 : memref<1x288xi32, #tpu.memory_space<vmem>> -> memref<288xi32, #tpu.memory_space<vmem>>
      %dma_wait3A_141 = tpu.memref_slice %arg3[%multiple_of3A] : memref<320000xi32, #tpu.memory_space<hbm>> -> memref<288xi32, #tpu.memory_space<hbm>>
      %dma_wait3A_142 = tpu.memref_slice %arg12[%while3A_104] : memref<3x!tpu.dma_semaphore, #tpu.memory_space<semaphore_mem>> -> memref<1x!tpu.dma_semaphore, #tpu.memory_space<semaphore_mem>>
      %dma_wait3A_143 = tpu.memref_squeeze %dma_wait3A_142 : memref<1x!tpu.dma_semaphore, #tpu.memory_space<semaphore_mem>> -> memref<!tpu.dma_semaphore, #tpu.memory_space<semaphore_mem>>
      %dma_wait3A_144 = arith.constant 0 : i32
      %dma_wait3A_145 = tpu.memref_slice %arg6[%while3A_104, %dma_wait3A_144] : memref<3x288xi32, #tpu.memory_space<vmem>> -> memref<1x288xi32, #tpu.memory_space<vmem>>
      %dma_wait3A_146 = tpu.memref_squeeze %dma_wait3A_145 : memref<1x288xi32, #tpu.memory_space<vmem>> -> memref<288xi32, #tpu.memory_space<vmem>>
      %dma_wait3A_147 = tpu.memref_slice %arg3[%multiple_of3A] : memref<320000xi32, #tpu.memory_space<hbm>> -> memref<288xi32, #tpu.memory_space<hbm>>
      tpu.wait_dma2 semaphore(%dma_wait3A_143 : memref<!tpu.dma_semaphore, #tpu.memory_space<semaphore_mem>>) src(%dma_wait3A_147 : memref<288xi32, #tpu.memory_space<hbm>>) dst(%dma_wait3A_146 : memref<288xi32, #tpu.memory_space<vmem>>)
      %sub3A_148 = arith.subi %min3A_124, %multiple_of3A : i32
      %sub3A_149 = arith.subi %add3A_123, %min3A_124 : i32
      %sub3A_150 = arith.subi %min3A_137, %min3A_124 : i32
      %scan3A_151 = arith.constant 0 : i32
      %scan3A_152 = arith.constant 0 : i32
      %scan3A_153 = arith.constant 16 : i32
      %scan3A_154 = arith.addi %scan3A_152, %scan3A_153 : i32
      %scan3A_155 = arith.constant 1 : i32
      %scan3A_156 = scf.for %scan3A_317 = %scan3A_152 to %scan3A_154 step %scan3A_155 iter_args(%scan3A_318 = %scan3A_151) -> (i32)  : i32 {
        %mul3A_319 = arith.constant 16 : i32
        %mul3A_320 = arith.muli %scan3A_317, %mul3A_319 : i32
        %add3A_321 = arith.addi %sub3A_148, %mul3A_320 : i32
        %get3A_322 = arith.index_cast %while3A_104 : i32 to index
        %get3A_323 = arith.index_cast %add3A_321 : i32 to index
        %get3A_324 = tpu.vector_load %arg6[%get3A_322, %get3A_323] {strides = array<i32>} : memref<3x288xi32, #tpu.memory_space<vmem>>, vector<16xi32>,
        %add3A_325 = arith.addi %sub3A_148, %mul3A_320 : i32
        %sub3A_326 = arith.constant 1 : i32
        %sub3A_327 = arith.subi %add3A_325, %sub3A_326 : i32
        %max3A_328 = arith.constant 0 : i32
        %max3A_329 = arith.maxsi %sub3A_327, %max3A_328 : i32
        %get3A_330 = arith.index_cast %while3A_104 : i32 to index
        %get3A_331 = arith.index_cast %max3A_329 : i32 to index
        %get3A_332 = tpu.vector_load %arg6[%get3A_330, %get3A_331] {strides = array<i32>} : memref<3x288xi32, #tpu.memory_space<vmem>>, vector<16xi32>,
        %add3A_333 = vector.broadcast %mul3A_320 : i32 to vector<16xi32>
        %add3A_334 = arith.addi %add3A_333, %iota3A_56 : vector<16xi32>
        %ne3A = arith.cmpi ne, %get3A_324, %get3A_332 : vector<16xi32>
        %add3A_335 = vector.broadcast %min3A_124 : i32 to vector<16xi32>
        %add3A_336 = arith.addi %add3A_335, %add3A_334 : vector<16xi32>
        %eq3A_337 = vector.broadcast %add3A_50 : i32 to vector<16xi32>
        %eq3A_338 = arith.cmpi eq, %add3A_336, %eq3A_337 : vector<16xi32>
        %or3A = arith.ori %ne3A, %eq3A_338 : vector<16xi1>
        %ge3A_339 = vector.broadcast %sub3A_149 : i32 to vector<16xi32>
        %ge3A_340 = arith.cmpi sge, %add3A_334, %ge3A_339 : vector<16xi32>
        %and3A_341 = arith.andi %or3A, %ge3A_340 : vector<16xi1>
        %lt3A_342 = vector.broadcast %sub3A_150 : i32 to vector<16xi32>
        %lt3A_343 = arith.cmpi slt, %add3A_334, %lt3A_342 : vector<16xi32>
        %and3A_344 = arith.andi %and3A_341, %lt3A_343 : vector<16xi1>
        %sub3A_345 = vector.broadcast %mul3A_2 : i32 to vector<16xi32>
        %sub3A_346 = arith.subi %get3A_324, %sub3A_345 : vector<16xi32>
        %add3A_347 = vector.broadcast %min3A_124 : i32 to vector<16xi32>
        %add3A_348 = arith.addi %add3A_347, %add3A_334 : vector<16xi32>
        tpu.vector_store_idx %arg9[%sub3A_346], %add3A_348 masked %and3A_344 : memref<48xi32, #tpu.memory_space<vmem>>[vector<16xi32>], vector<16xi32>, vector<16xi1>
        %scan3A_349 = arith.constant 0 : i32
        scf.yield %scan3A_349 : i32
      }
      %scan3A_157 = arith.constant 16 : i32
      %get3A_158 = arith.constant 32 : index
      %get3A_159 = tpu.vector_load %arg9[%get3A_158] {strides = array<i32>} : memref<48xi32, #tpu.memory_space<vmem>>, vector<16xi32>,
      %rev3A = arith.constant 15 : i32
      %rev3A_160 = vector.broadcast %rev3A : i32 to vector<16xi32>
      %rev3A_161 = tpu.iota {dimensions = array<i32: 0>} : vector<16xi32>
      %rev3A_162 = arith.subi %rev3A_160, %rev3A_161 : vector<16xi32>
      %rev3A_163 = tpu.dynamic_gather %get3A_159[%rev3A_162] in [0] : vector<16xi32>, vector<16xi32> -> vector<16xi32>
      %neg3A = arith.constant 0 : i32
      %neg3A_164 = vector.broadcast %neg3A : i32 to vector<16xi32>
      %neg3A_165 = arith.subi %neg3A_164, %rev3A_163 : vector<16xi32>
      %broadcast_in_dim3A_166 = arith.constant true
      %broadcast_in_dim3A_167 = vector.broadcast %broadcast_in_dim3A_166 : i1 to vector<16xi1>
      %masked_cummax3A = arith.constant -2147483648 : i32
      %masked_cummax3A_168 = vector.broadcast %masked_cummax3A : i32 to vector<16xi32>
      %masked_cummax3A_169 = arith.xori %neg3A_165, %masked_cummax3A_168 : vector<16xi32>
      %masked_cummax3A_170 = tpu.scan <max>, %masked_cummax3A_169 masked %broadcast_in_dim3A_167 : vector<16xi32>, vector<16xi1> -> vector<16xi32>
      %masked_cummax3A_171 = arith.xori %masked_cummax3A_170, %masked_cummax3A_168 : vector<16xi32>
      %neg3A_172 = arith.constant 0 : i32
      %neg3A_173 = vector.broadcast %neg3A_172 : i32 to vector<16xi32>
      %neg3A_174 = arith.subi %neg3A_173, %masked_cummax3A_171 : vector<16xi32>
      %rev3A_175 = arith.constant 15 : i32
      %rev3A_176 = vector.broadcast %rev3A_175 : i32 to vector<16xi32>
      %rev3A_177 = tpu.iota {dimensions = array<i32: 0>} : vector<16xi32>
      %rev3A_178 = arith.subi %rev3A_176, %rev3A_177 : vector<16xi32>
      %rev3A_179 = tpu.dynamic_gather %neg3A_174[%rev3A_178] in [0] : vector<16xi32>, vector<16xi32> -> vector<16xi32>
      %get3A_180 = arith.constant 16 : index
      %get3A_181 = tpu.vector_load %arg9[%get3A_180] {strides = array<i32>} : memref<48xi32, #tpu.memory_space<vmem>>, vector<16xi32>,
      %rev3A_182 = arith.constant 15 : i32
      %rev3A_183 = vector.broadcast %rev3A_182 : i32 to vector<16xi32>
      %rev3A_184 = tpu.iota {dimensions = array<i32: 0>} : vector<16xi32>
      %rev3A_185 = arith.subi %rev3A_183, %rev3A_184 : vector<16xi32>
      %rev3A_186 = tpu.dynamic_gather %get3A_181[%rev3A_185] in [0] : vector<16xi32>, vector<16xi32> -> vector<16xi32>
      %neg3A_187 = arith.constant 0 : i32
      %neg3A_188 = vector.broadcast %neg3A_187 : i32 to vector<16xi32>
      %neg3A_189 = arith.subi %neg3A_188, %rev3A_186 : vector<16xi32>
      %broadcast_in_dim3A_190 = arith.constant true
      %broadcast_in_dim3A_191 = vector.broadcast %broadcast_in_dim3A_190 : i1 to vector<16xi1>
      %masked_cummax3A_192 = arith.constant -2147483648 : i32
      %masked_cummax3A_193 = vector.broadcast %masked_cummax3A_192 : i32 to vector<16xi32>
      %masked_cummax3A_194 = arith.xori %neg3A_189, %masked_cummax3A_193 : vector<16xi32>
      %masked_cummax3A_195 = tpu.scan <max>, %masked_cummax3A_194 masked %broadcast_in_dim3A_191 : vector<16xi32>, vector<16xi1> -> vector<16xi32>
      %masked_cummax3A_196 = arith.xori %masked_cummax3A_195, %masked_cummax3A_193 : vector<16xi32>
      %neg3A_197 = arith.constant 0 : i32
      %neg3A_198 = vector.broadcast %neg3A_197 : i32 to vector<16xi32>
      %neg3A_199 = arith.subi %neg3A_198, %masked_cummax3A_196 : vector<16xi32>
      %rev3A_200 = arith.constant 15 : i32
      %rev3A_201 = vector.broadcast %rev3A_200 : i32 to vector<16xi32>
      %rev3A_202 = tpu.iota {dimensions = array<i32: 0>} : vector<16xi32>
      %rev3A_203 = arith.subi %rev3A_201, %rev3A_202 : vector<16xi32>
      %rev3A_204 = tpu.dynamic_gather %neg3A_199[%rev3A_203] in [0] : vector<16xi32>, vector<16xi32> -> vector<16xi32>
      %slice3A = vector.extract_strided_slice %rev3A_179 {offsets = [0], sizes = [1], strides = [1]} : vector<16xi32> to vector<1xi32>
      %squeeze3A = vector.extract %slice3A[0] : i32 from vector<1xi32>
      %broadcast_in_dim3A_205 = vector.broadcast %squeeze3A : i32 to vector<16xi32>
      %min3A_206 = arith.minsi %rev3A_204, %broadcast_in_dim3A_205 : vector<16xi32>
      %get3A_207 = arith.constant 0 : index
      %get3A_208 = tpu.vector_load %arg9[%get3A_207] {strides = array<i32>} : memref<48xi32, #tpu.memory_space<vmem>>, vector<16xi32>,
      %rev3A_209 = arith.constant 15 : i32
      %rev3A_210 = vector.broadcast %rev3A_209 : i32 to vector<16xi32>
      %rev3A_211 = tpu.iota {dimensions = array<i32: 0>} : vector<16xi32>
      %rev3A_212 = arith.subi %rev3A_210, %rev3A_211 : vector<16xi32>
      %rev3A_213 = tpu.dynamic_gather %get3A_208[%rev3A_212] in [0] : vector<16xi32>, vector<16xi32> -> vector<16xi32>
      %neg3A_214 = arith.constant 0 : i32
      %neg3A_215 = vector.broadcast %neg3A_214 : i32 to vector<16xi32>
      %neg3A_216 = arith.subi %neg3A_215, %rev3A_213 : vector<16xi32>
      %broadcast_in_dim3A_217 = arith.constant true
      %broadcast_in_dim3A_218 = vector.broadcast %broadcast_in_dim3A_217 : i1 to vector<16xi1>
      %masked_cummax3A_219 = arith.constant -2147483648 : i32
      %masked_cummax3A_220 = vector.broadcast %masked_cummax3A_219 : i32 to vector<16xi32>
      %masked_cummax3A_221 = arith.xori %neg3A_216, %masked_cummax3A_220 : vector<16xi32>
      %masked_cummax3A_222 = tpu.scan <max>, %masked_cummax3A_221 masked %broadcast_in_dim3A_218 : vector<16xi32>, vector<16xi1> -> vector<16xi32>
      %masked_cummax3A_223 = arith.xori %masked_cummax3A_222, %masked_cummax3A_220 : vector<16xi32>
      %neg3A_224 = arith.constant 0 : i32
      %neg3A_225 = vector.broadcast %neg3A_224 : i32 to vector<16xi32>
      %neg3A_226 = arith.subi %neg3A_225, %masked_cummax3A_223 : vector<16xi32>
      %rev3A_227 = arith.constant 15 : i32
      %rev3A_228 = vector.broadcast %rev3A_227 : i32 to vector<16xi32>
      %rev3A_229 = tpu.iota {dimensions = array<i32: 0>} : vector<16xi32>
      %rev3A_230 = arith.subi %rev3A_228, %rev3A_229 : vector<16xi32>
      %rev3A_231 = tpu.dynamic_gather %neg3A_226[%rev3A_230] in [0] : vector<16xi32>, vector<16xi32> -> vector<16xi32>
      %slice3A_232 = vector.extract_strided_slice %min3A_206 {offsets = [0], sizes = [1], strides = [1]} : vector<16xi32> to vector<1xi32>
      %squeeze3A_233 = vector.extract %slice3A_232[0] : i32 from vector<1xi32>
      %broadcast_in_dim3A_234 = vector.broadcast %squeeze3A_233 : i32 to vector<16xi32>
      %min3A_235 = arith.minsi %rev3A_231, %broadcast_in_dim3A_234 : vector<16xi32>
      %swap3A_236 = arith.constant 0 : index
      %swap3A_237 = tpu.vector_load %arg9[%swap3A_236] {strides = array<i32>} : memref<48xi32, #tpu.memory_space<vmem>>, vector<16xi32>,
      tpu.vector_store %arg9[%swap3A_236], %min3A_235 {strides = array<i32>} : memref<48xi32, #tpu.memory_space<vmem>>, vector<16xi32>,
      %swap3A_238 = arith.constant 16 : index
      %swap3A_239 = tpu.vector_load %arg9[%swap3A_238] {strides = array<i32>} : memref<48xi32, #tpu.memory_space<vmem>>, vector<16xi32>,
      tpu.vector_store %arg9[%swap3A_238], %min3A_206 {strides = array<i32>} : memref<48xi32, #tpu.memory_space<vmem>>, vector<16xi32>,
      %swap3A_240 = arith.constant 32 : index
      %swap3A_241 = tpu.vector_load %arg9[%swap3A_240] {strides = array<i32>} : memref<48xi32, #tpu.memory_space<vmem>>, vector<16xi32>,
      tpu.vector_store %arg9[%swap3A_240], %rev3A_179 {strides = array<i32>} : memref<48xi32, #tpu.memory_space<vmem>>, vector<16xi32>,
      %le3A = vector.broadcast %min3A_137 : i32 to vector<16xi32>
      %le3A_242 = arith.cmpi sle, %min3A_235, %le3A : vector<16xi32>
      %ge3A = arith.constant 1 : i32
      %ge3A_243 = vector.broadcast %ge3A : i32 to vector<16xi32>
      %ge3A_244 = arith.cmpi sge, %iota3A_56, %ge3A_243 : vector<16xi32>
      %and3A = arith.andi %le3A_242, %ge3A_244 : vector<16xi1>
      %jit3A_245 = arith.constant 1 : i32
      %jit3A_246 = arith.constant 0 : i32
      %broadcast_in_dim3A_247 = vector.broadcast %jit3A_245 : i32 to vector<16xi32>
      %broadcast_in_dim3A_248 = vector.broadcast %jit3A_246 : i32 to vector<16xi32>
      %select_n3A_249 = arith.select %and3A, %broadcast_in_dim3A_247, %broadcast_in_dim3A_248 : vector<16xi1>, vector<16xi32>
      %le3A_250 = vector.broadcast %min3A_137 : i32 to vector<16xi32>
      %le3A_251 = arith.cmpi sle, %min3A_206, %le3A_250 : vector<16xi32>
      %jit3A_252 = arith.constant 1 : i32
      %jit3A_253 = arith.constant 0 : i32
      %broadcast_in_dim3A_254 = vector.broadcast %jit3A_252 : i32 to vector<16xi32>
      %broadcast_in_dim3A_255 = vector.broadcast %jit3A_253 : i32 to vector<16xi32>
      %select_n3A_256 = arith.select %le3A_251, %broadcast_in_dim3A_254, %broadcast_in_dim3A_255 : vector<16xi1>, vector<16xi32>
      %le3A_257 = vector.broadcast %min3A_137 : i32 to vector<16xi32>
      %le3A_258 = arith.cmpi sle, %rev3A_179, %le3A_257 : vector<16xi32>
      %eq3A_259 = arith.constant 0 : i32
      %eq3A_260 = vector.broadcast %eq3A_259 : i32 to vector<16xi32>
      %eq3A_261 = arith.cmpi eq, %iota3A_56, %eq3A_260 : vector<16xi32>
      %and3A_262 = arith.andi %le3A_258, %eq3A_261 : vector<16xi1>
      %jit3A_263 = arith.constant 1 : i32
      %jit3A_264 = arith.constant 0 : i32
      %broadcast_in_dim3A_265 = vector.broadcast %jit3A_263 : i32 to vector<16xi32>
      %broadcast_in_dim3A_266 = vector.broadcast %jit3A_264 : i32 to vector<16xi32>
      %select_n3A_267 = arith.select %and3A_262, %broadcast_in_dim3A_265, %broadcast_in_dim3A_266 : vector<16xi1>, vector<16xi32>
      %add3A_268 = arith.addi %select_n3A_249, %select_n3A_256 : vector<16xi32>
      %add3A_269 = arith.addi %add3A_268, %select_n3A_267 : vector<16xi32>
      %reduce_sum3A_270 = arith.constant true
      %reduce_sum3A_271 = vector.broadcast %reduce_sum3A_270 : i1 to vector<16xi1>
      %reduce_sum3A_272 = tpu.scan <sum>, %add3A_269 masked %reduce_sum3A_271 : vector<16xi32>, vector<16xi1> -> vector<16xi32>
      %reduce_sum3A_273 = vector.extract %reduce_sum3A_272[15] : i32 from vector<16xi32>
      %sub3A_274 = arith.subi %reduce_sum3A_273, %while3A_103 : i32
      %lt3A_275 = arith.cmpi slt, %min3A_137, %add3A_51 : i32
      %jit3A_276 = arith.constant 1 : i32
      %jit3A_277 = arith.constant 0 : i32
      %select_n3A_278 = arith.select %lt3A_275, %jit3A_276, %jit3A_277 : i32
      %add3A_279 = arith.addi %sub3A_274, %select_n3A_278 : i32
      %dma_wait3A_280 = arith.constant 0 : i32
      %dma_wait3A_281 = arith.constant 0 : i32
      %dma_wait3A_282 = tpu.memref_slice %arg5[%while3A_104, %dma_wait3A_280, %dma_wait3A_281] : memref<3x256x128xf32, #tpu.memory_space<vmem>> -> memref<1x256x128xf32, #tpu.memory_space<vmem>>
      %dma_wait3A_283 = tpu.memref_squeeze %dma_wait3A_282 : memref<1x256x128xf32, #tpu.memory_space<vmem>> -> memref<256x128xf32, #tpu.memory_space<vmem>>
      %dma_wait3A_284 = arith.constant 0 : i32
      %dma_wait3A_285 = tpu.memref_slice %arg2[%min3A_124, %dma_wait3A_284] : memref<320000x128xf32, #tpu.memory_space<hbm>> -> memref<256x128xf32, #tpu.memory_space<hbm>>
      %dma_wait3A_286 = tpu.memref_slice %arg11[%while3A_104] : memref<3x!tpu.dma_semaphore, #tpu.memory_space<semaphore_mem>> -> memref<1x!tpu.dma_semaphore, #tpu.memory_space<semaphore_mem>>
      %dma_wait3A_287 = tpu.memref_squeeze %dma_wait3A_286 : memref<1x!tpu.dma_semaphore, #tpu.memory_space<semaphore_mem>> -> memref<!tpu.dma_semaphore, #tpu.memory_space<semaphore_mem>>
      %dma_wait3A_288 = arith.constant 0 : i32
      %dma_wait3A_289 = arith.constant 0 : i32
      %dma_wait3A_290 = tpu.memref_slice %arg5[%while3A_104, %dma_wait3A_288, %dma_wait3A_289] : memref<3x256x128xf32, #tpu.memory_space<vmem>> -> memref<1x256x128xf32, #tpu.memory_space<vmem>>
      %dma_wait3A_291 = tpu.memref_squeeze %dma_wait3A_290 : memref<1x256x128xf32, #tpu.memory_space<vmem>> -> memref<256x128xf32, #tpu.memory_space<vmem>>
      %dma_wait3A_292 = arith.constant 0 : i32
      %dma_wait3A_293 = tpu.memref_slice %arg2[%min3A_124, %dma_wait3A_292] : memref<320000x128xf32, #tpu.memory_space<hbm>> -> memref<256x128xf32, #tpu.memory_space<hbm>>
      tpu.wait_dma2 semaphore(%dma_wait3A_287 : memref<!tpu.dma_semaphore, #tpu.memory_space<semaphore_mem>>) src(%dma_wait3A_293 : memref<256x128xf32, #tpu.memory_space<hbm>>) dst(%dma_wait3A_291 : memref<256x128xf32, #tpu.memory_space<vmem>>)
      %add3A_294 = arith.constant 2 : i32
      %add3A_295 = arith.addi %while3A_102, %add3A_294 : i32
      %lt3A_296 = arith.cmpi slt, %add3A_295, %div3A_82 : i32
      %convert_element_type3A_297 = arith.extui %lt3A_296 : i1 to i32
      %cond3A_298 = arith.constant 0 : i32
      %cond3A_299 = arith.cmpi ne, %convert_element_type3A_297, %cond3A_298 : i32
      scf.if %cond3A_299 {
        %eq3A_317 = arith.constant 0 : i32
        %eq3A_318 = arith.cmpi eq, %while3A_104, %eq3A_317 : i32
        %sub3A_319 = arith.constant 1 : i32
        %sub3A_320 = arith.subi %while3A_104, %sub3A_319 : i32
        %jit3A_321 = arith.constant 2 : i32
        %select_n3A_322 = arith.select %eq3A_318, %jit3A_321, %sub3A_320 : i32
        %add3A_323 = arith.constant 2 : i32
        %add3A_324 = arith.addi %while3A_102, %add3A_323 : i32
        %mul3A_325 = arith.constant 256 : i32
        %mul3A_326 = arith.muli %add3A_324, %mul3A_325 : i32
        %add3A_327 = arith.addi %add3A_50, %mul3A_326 : i32
        %min3A_328 = arith.constant 319744 : i32
        %min3A_329 = arith.minsi %add3A_327, %min3A_328 : i32
        %div3A_330 = arith.constant 16 : i32
        %div3A_331 = arith.divsi %min3A_329, %div3A_330 : i32
        %mul3A_332 = arith.constant 16 : i32
        %mul3A_333 = arith.muli %div3A_331, %mul3A_332 : i32
        %sub3A_334 = arith.constant 16 : i32
        %sub3A_335 = arith.subi %mul3A_333, %sub3A_334 : i32
        %min3A_336 = arith.constant 319712 : i32
        %min3A_337 = arith.minsi %sub3A_335, %min3A_336 : i32
        %max3A_338 = arith.constant 0 : i32
        %max3A_339 = arith.maxsi %min3A_337, %max3A_338 : i32
        %multiple_of3A_340 = tpu.assume_multiple %max3A_339, 16 : i32
        %dma_start3A_341 = arith.constant 0 : i32
        %dma_start3A_342 = arith.constant 0 : i32
        %dma_start3A_343 = tpu.memref_slice %arg5[%select_n3A_322, %dma_start3A_341, %dma_start3A_342] : memref<3x256x128xf32, #tpu.memory_space<vmem>> -> memref<1x256x128xf32, #tpu.memory_space<vmem>>
        %dma_start3A_344 = tpu.memref_squeeze %dma_start3A_343 : memref<1x256x128xf32, #tpu.memory_space<vmem>> -> memref<256x128xf32, #tpu.memory_space<vmem>>
        %dma_start3A_345 = arith.constant 0 : i32
        %dma_start3A_346 = tpu.memref_slice %arg2[%min3A_329, %dma_start3A_345] : memref<320000x128xf32, #tpu.memory_space<hbm>> -> memref<256x128xf32, #tpu.memory_space<hbm>>
        %dma_start3A_347 = tpu.memref_slice %arg11[%select_n3A_322] : memref<3x!tpu.dma_semaphore, #tpu.memory_space<semaphore_mem>> -> memref<1x!tpu.dma_semaphore, #tpu.memory_space<semaphore_mem>>
        %dma_start3A_348 = tpu.memref_squeeze %dma_start3A_347 : memref<1x!tpu.dma_semaphore, #tpu.memory_space<semaphore_mem>> -> memref<!tpu.dma_semaphore, #tpu.memory_space<semaphore_mem>>
        %dma_start3A_349 = arith.constant 0 : i32
        %dma_start3A_350 = arith.constant 0 : i32
        %dma_start3A_351 = tpu.memref_slice %arg5[%select_n3A_322, %dma_start3A_349, %dma_start3A_350] : memref<3x256x128xf32, #tpu.memory_space<vmem>> -> memref<1x256x128xf32, #tpu.memory_space<vmem>>
        %dma_start3A_352 = tpu.memref_squeeze %dma_start3A_351 : memref<1x256x128xf32, #tpu.memory_space<vmem>> -> memref<256x128xf32, #tpu.memory_space<vmem>>
        %dma_start3A_353 = arith.constant 0 : i32
        %dma_start3A_354 = tpu.memref_slice %arg2[%min3A_329, %dma_start3A_353] : memref<320000x128xf32, #tpu.memory_space<hbm>> -> memref<256x128xf32, #tpu.memory_space<hbm>>
        tpu.enqueue_dma source(%dma_start3A_354 : memref<256x128xf32, #tpu.memory_space<hbm>>) target(%dma_start3A_352 : memref<256x128xf32, #tpu.memory_space<vmem>>) target_semaphore(%dma_start3A_348 : memref<!tpu.dma_semaphore, #tpu.memory_space<semaphore_mem>>)
        %dma_start3A_355 = arith.constant 0 : i32
        %dma_start3A_356 = tpu.memref_slice %arg6[%select_n3A_322, %dma_start3A_355] : memref<3x288xi32, #tpu.memory_space<vmem>> -> memref<1x288xi32, #tpu.memory_space<vmem>>
        %dma_start3A_357 = tpu.memref_squeeze %dma_start3A_356 : memref<1x288xi32, #tpu.memory_space<vmem>> -> memref<288xi32, #tpu.memory_space<vmem>>
        %dma_start3A_358 = tpu.memref_slice %arg3[%multiple_of3A_340] : memref<320000xi32, #tpu.memory_space<hbm>> -> memref<288xi32, #tpu.memory_space<hbm>>
        %dma_start3A_359 = tpu.memref_slice %arg12[%select_n3A_322] : memref<3x!tpu.dma_semaphore, #tpu.memory_space<semaphore_mem>> -> memref<1x!tpu.dma_semaphore, #tpu.memory_space<semaphore_mem>>
        %dma_start3A_360 = tpu.memref_squeeze %dma_start3A_359 : memref<1x!tpu.dma_semaphore, #tpu.memory_space<semaphore_mem>> -> memref<!tpu.dma_semaphore, #tpu.memory_space<semaphore_mem>>
        %dma_start3A_361 = arith.constant 0 : i32
        %dma_start3A_362 = tpu.memref_slice %arg6[%select_n3A_322, %dma_start3A_361] : memref<3x288xi32, #tpu.memory_space<vmem>> -> memref<1x288xi32, #tpu.memory_space<vmem>>
        %dma_start3A_363 = tpu.memref_squeeze %dma_start3A_362 : memref<1x288xi32, #tpu.memory_space<vmem>> -> memref<288xi32, #tpu.memory_space<vmem>>
        %dma_start3A_364 = tpu.memref_slice %arg3[%multiple_of3A_340] : memref<320000xi32, #tpu.memory_space<hbm>> -> memref<288xi32, #tpu.memory_space<hbm>>
        tpu.enqueue_dma source(%dma_start3A_364 : memref<288xi32, #tpu.memory_space<hbm>>) target(%dma_start3A_363 : memref<288xi32, #tpu.memory_space<vmem>>) target_semaphore(%dma_start3A_360 : memref<!tpu.dma_semaphore, #tpu.memory_space<semaphore_mem>>)
      } else {
      }
      %while3A_300 = arith.constant 0 : i32
      %while3A_301 = arith.subi %add3A_279, %while3A_300 : i32
      %while3A_302 = arith.addi %while3A_300, %while3A_301 : i32
      %while3A_303 = arith.constant 1 : i32
      %while3A_304 = arith.divsi %while3A_301, %while3A_303 : i32
      %while3A_305 = arith.muli %while3A_304, %while3A_303 : i32
      %while3A_306 = arith.addi %while3A_300, %while3A_305 : i32
      %while3A_307 = arith.constant 1 : i32
      %while3A_308:18 = scf.for %while3A_317 = %while3A_300 to %while3A_306 step %while3A_307 iter_args(%while3A_318 = %while3A_103, %while3A_319 = %sub3A_149, %while3A_320 = %while3A_105, %while3A_321 = %while3A_106, %while3A_322 = %while3A_107, %while3A_323 = %while3A_108, %while3A_324 = %while3A_109, %while3A_325 = %while3A_110, %while3A_326 = %while3A_111, %while3A_327 = %while3A_112, %while3A_328 = %while3A_113, %while3A_329 = %while3A_114, %while3A_330 = %while3A_115, %while3A_331 = %while3A_116, %while3A_332 = %while3A_117, %while3A_333 = %while3A_118, %while3A_334 = %while3A_119, %while3A_335 = %while3A_120) -> (i32, i32, vector<16xf32>, vector<16xf32>, vector<16xf32>, vector<16xf32>, vector<16xf32>, vector<16xf32>, vector<16xf32>, vector<16xf32>, vector<16xf32>, vector<16xf32>, vector<16xf32>, vector<16xf32>, vector<16xf32>, vector<16xf32>, vector<16xf32>, vector<16xf32>)  : i32 {
        %add3A_336 = arith.constant 1 : i32
        %add3A_337 = arith.addi %while3A_318, %add3A_336 : i32
        %broadcast_in_dim3A_338 = vector.broadcast %add3A_337 : i32 to vector<16xi32>
        %gather3A = tpu.vector_load_idx %arg9[%broadcast_in_dim3A_338] : memref<48xi32, #tpu.memory_space<vmem>>[vector<16xi32>], vector<16xi32>,
        %slice3A_339 = vector.extract_strided_slice %gather3A {offsets = [0], sizes = [1], strides = [1]} : vector<16xi32> to vector<1xi32>
        %squeeze3A_340 = vector.extract %slice3A_339[0] : i32 from vector<1xi32>
        %min3A_341 = arith.minsi %squeeze3A_340, %min3A_137 : i32
        %sub3A_342 = arith.subi %min3A_341, %min3A_124 : i32
        %while3A_343 = arith.subi %sub3A_342, %while3A_319 : i32
        %while3A_344 = arith.addi %while3A_319, %while3A_343 : i32
        %while3A_345 = arith.constant 1 : i32
        %while3A_346 = arith.divsi %while3A_343, %while3A_345 : i32
        %while3A_347 = arith.muli %while3A_346, %while3A_345 : i32
        %while3A_348 = arith.addi %while3A_319, %while3A_347 : i32
        %while3A_349 = arith.constant 1 : i32
        %while3A_350:16 = scf.for %while3A_376 = %while3A_319 to %while3A_348 step %while3A_349 iter_args(%while3A_377 = %while3A_320, %while3A_378 = %while3A_321, %while3A_379 = %while3A_322, %while3A_380 = %while3A_323, %while3A_381 = %while3A_324, %while3A_382 = %while3A_325, %while3A_383 = %while3A_326, %while3A_384 = %while3A_327, %while3A_385 = %while3A_328, %while3A_386 = %while3A_329, %while3A_387 = %while3A_330, %while3A_388 = %while3A_331, %while3A_389 = %while3A_332, %while3A_390 = %while3A_333, %while3A_391 = %while3A_334, %while3A_392 = %while3A_335) -> (vector<16xf32>, vector<16xf32>, vector<16xf32>, vector<16xf32>, vector<16xf32>, vector<16xf32>, vector<16xf32>, vector<16xf32>, vector<16xf32>, vector<16xf32>, vector<16xf32>, vector<16xf32>, vector<16xf32>, vector<16xf32>, vector<16xf32>, vector<16xf32>)  : i32 {
          %get3A_393 = arith.index_cast %while3A_104 : i32 to index
          %get3A_394 = arith.index_cast %while3A_376 : i32 to index
          %get3A_395 = arith.constant 0 : index
          %get3A_396 = tpu.vector_load %arg5[%get3A_393, %get3A_394, %get3A_395] {strides = array<i32>} : memref<3x256x128xf32, #tpu.memory_space<vmem>>, vector<16xf32>,
          %add3A_397 = arith.addf %while3A_377, %get3A_396 : vector<16xf32>
          %get3A_398 = arith.index_cast %while3A_104 : i32 to index
          %get3A_399 = arith.index_cast %while3A_376 : i32 to index
          %get3A_400 = arith.constant 16 : index
          %get3A_401 = tpu.vector_load %arg5[%get3A_398, %get3A_399, %get3A_400] {strides = array<i32>} : memref<3x256x128xf32, #tpu.memory_space<vmem>>, vector<16xf32>,
          %add3A_402 = arith.addf %while3A_378, %get3A_401 : vector<16xf32>
          %get3A_403 = arith.index_cast %while3A_104 : i32 to index
          %get3A_404 = arith.index_cast %while3A_376 : i32 to index
          %get3A_405 = arith.constant 32 : index
          %get3A_406 = tpu.vector_load %arg5[%get3A_403, %get3A_404, %get3A_405] {strides = array<i32>} : memref<3x256x128xf32, #tpu.memory_space<vmem>>, vector<16xf32>,
          %add3A_407 = arith.addf %while3A_379, %get3A_406 : vector<16xf32>
          %get3A_408 = arith.index_cast %while3A_104 : i32 to index
          %get3A_409 = arith.index_cast %while3A_376 : i32 to index
          %get3A_410 = arith.constant 48 : index
          %get3A_411 = tpu.vector_load %arg5[%get3A_408, %get3A_409, %get3A_410] {strides = array<i32>} : memref<3x256x128xf32, #tpu.memory_space<vmem>>, vector<16xf32>,
          %add3A_412 = arith.addf %while3A_380, %get3A_411 : vector<16xf32>
          %get3A_413 = arith.index_cast %while3A_104 : i32 to index
          %get3A_414 = arith.index_cast %while3A_376 : i32 to index
          %get3A_415 = arith.constant 64 : index
          %get3A_416 = tpu.vector_load %arg5[%get3A_413, %get3A_414, %get3A_415] {strides = array<i32>} : memref<3x256x128xf32, #tpu.memory_space<vmem>>, vector<16xf32>,
          %add3A_417 = arith.addf %while3A_381, %get3A_416 : vector<16xf32>
          %get3A_418 = arith.index_cast %while3A_104 : i32 to index
          %get3A_419 = arith.index_cast %while3A_376 : i32 to index
          %get3A_420 = arith.constant 80 : index
          %get3A_421 = tpu.vector_load %arg5[%get3A_418, %get3A_419, %get3A_420] {strides = array<i32>} : memref<3x256x128xf32, #tpu.memory_space<vmem>>, vector<16xf32>,
          %add3A_422 = arith.addf %while3A_382, %get3A_421 : vector<16xf32>
          %get3A_423 = arith.index_cast %while3A_104 : i32 to index
          %get3A_424 = arith.index_cast %while3A_376 : i32 to index
          %get3A_425 = arith.constant 96 : index
          %get3A_426 = tpu.vector_load %arg5[%get3A_423, %get3A_424, %get3A_425] {strides = array<i32>} : memref<3x256x128xf32, #tpu.memory_space<vmem>>, vector<16xf32>,
          %add3A_427 = arith.addf %while3A_383, %get3A_426 : vector<16xf32>
          %get3A_428 = arith.index_cast %while3A_104 : i32 to index
          %get3A_429 = arith.index_cast %while3A_376 : i32 to index
          %get3A_430 = arith.constant 112 : index
          %get3A_431 = tpu.vector_load %arg5[%get3A_428, %get3A_429, %get3A_430] {strides = array<i32>} : memref<3x256x128xf32, #tpu.memory_space<vmem>>, vector<16xf32>,
          %add3A_432 = arith.addf %while3A_384, %get3A_431 : vector<16xf32>
          %get3A_433 = arith.index_cast %while3A_104 : i32 to index
          %get3A_434 = arith.index_cast %while3A_376 : i32 to index
          %get3A_435 = arith.constant 0 : index
          %get3A_436 = tpu.vector_load %arg5[%get3A_433, %get3A_434, %get3A_435] {strides = array<i32>} : memref<3x256x128xf32, #tpu.memory_space<vmem>>, vector<16xf32>,
          %max3A_437 = arith.maximumf %while3A_385, %get3A_436 : vector<16xf32>
          %get3A_438 = arith.index_cast %while3A_104 : i32 to index
          %get3A_439 = arith.index_cast %while3A_376 : i32 to index
          %get3A_440 = arith.constant 16 : index
          %get3A_441 = tpu.vector_load %arg5[%get3A_438, %get3A_439, %get3A_440] {strides = array<i32>} : memref<3x256x128xf32, #tpu.memory_space<vmem>>, vector<16xf32>,
          %max3A_442 = arith.maximumf %while3A_386, %get3A_441 : vector<16xf32>
          %get3A_443 = arith.index_cast %while3A_104 : i32 to index
          %get3A_444 = arith.index_cast %while3A_376 : i32 to index
          %get3A_445 = arith.constant 32 : index
          %get3A_446 = tpu.vector_load %arg5[%get3A_443, %get3A_444, %get3A_445] {strides = array<i32>} : memref<3x256x128xf32, #tpu.memory_space<vmem>>, vector<16xf32>,
          %max3A_447 = arith.maximumf %while3A_387, %get3A_446 : vector<16xf32>
          %get3A_448 = arith.index_cast %while3A_104 : i32 to index
          %get3A_449 = arith.index_cast %while3A_376 : i32 to index
          %get3A_450 = arith.constant 48 : index
          %get3A_451 = tpu.vector_load %arg5[%get3A_448, %get3A_449, %get3A_450] {strides = array<i32>} : memref<3x256x128xf32, #tpu.memory_space<vmem>>, vector<16xf32>,
          %max3A_452 = arith.maximumf %while3A_388, %get3A_451 : vector<16xf32>
          %get3A_453 = arith.index_cast %while3A_104 : i32 to index
          %get3A_454 = arith.index_cast %while3A_376 : i32 to index
          %get3A_455 = arith.constant 64 : index
          %get3A_456 = tpu.vector_load %arg5[%get3A_453, %get3A_454, %get3A_455] {strides = array<i32>} : memref<3x256x128xf32, #tpu.memory_space<vmem>>, vector<16xf32>,
          %max3A_457 = arith.maximumf %while3A_389, %get3A_456 : vector<16xf32>
          %get3A_458 = arith.index_cast %while3A_104 : i32 to index
          %get3A_459 = arith.index_cast %while3A_376 : i32 to index
          %get3A_460 = arith.constant 80 : index
          %get3A_461 = tpu.vector_load %arg5[%get3A_458, %get3A_459, %get3A_460] {strides = array<i32>} : memref<3x256x128xf32, #tpu.memory_space<vmem>>, vector<16xf32>,
          %max3A_462 = arith.maximumf %while3A_390, %get3A_461 : vector<16xf32>
          %get3A_463 = arith.index_cast %while3A_104 : i32 to index
          %get3A_464 = arith.index_cast %while3A_376 : i32 to index
          %get3A_465 = arith.constant 96 : index
          %get3A_466 = tpu.vector_load %arg5[%get3A_463, %get3A_464, %get3A_465] {strides = array<i32>} : memref<3x256x128xf32, #tpu.memory_space<vmem>>, vector<16xf32>,
          %max3A_467 = arith.maximumf %while3A_391, %get3A_466 : vector<16xf32>
          %get3A_468 = arith.index_cast %while3A_104 : i32 to index
          %get3A_469 = arith.index_cast %while3A_376 : i32 to index
          %get3A_470 = arith.constant 112 : index
          %get3A_471 = tpu.vector_load %arg5[%get3A_468, %get3A_469, %get3A_470] {strides = array<i32>} : memref<3x256x128xf32, #tpu.memory_space<vmem>>, vector<16xf32>,
          %max3A_472 = arith.maximumf %while3A_392, %get3A_471 : vector<16xf32>
          scf.yield %add3A_397, %add3A_402, %add3A_407, %add3A_412, %add3A_417, %add3A_422, %add3A_427, %add3A_432, %max3A_437, %max3A_442, %max3A_447, %max3A_452, %max3A_457, %max3A_462, %max3A_467, %max3A_472 : vector<16xf32>, vector<16xf32>, vector<16xf32>, vector<16xf32>, vector<16xf32>, vector<16xf32>, vector<16xf32>, vector<16xf32>, vector<16xf32>, vector<16xf32>, vector<16xf32>, vector<16xf32>, vector<16xf32>, vector<16xf32>, vector<16xf32>, vector<16xf32>
        }
        %while3A_351 = arith.constant 1 : i32
        %while3A_352:16 = scf.for %while3A_376 = %while3A_348 to %while3A_344 step %while3A_351 iter_args(%while3A_377 = %while3A_350#0, %while3A_378 = %while3A_350#1, %while3A_379 = %while3A_350#2, %while3A_380 = %while3A_350#3, %while3A_381 = %while3A_350#4, %while3A_382 = %while3A_350#5, %while3A_383 = %while3A_350#6, %while3A_384 = %while3A_350#7, %while3A_385 = %while3A_350#8, %while3A_386 = %while3A_350#9, %while3A_387 = %while3A_350#10, %while3A_388 = %while3A_350#11, %while3A_389 = %while3A_350#12, %while3A_390 = %while3A_350#13, %while3A_391 = %while3A_350#14, %while3A_392 = %while3A_350#15) -> (vector<16xf32>, vector<16xf32>, vector<16xf32>, vector<16xf32>, vector<16xf32>, vector<16xf32>, vector<16xf32>, vector<16xf32>, vector<16xf32>, vector<16xf32>, vector<16xf32>, vector<16xf32>, vector<16xf32>, vector<16xf32>, vector<16xf32>, vector<16xf32>)  : i32 {
          %get3A_393 = arith.index_cast %while3A_104 : i32 to index
          %get3A_394 = arith.index_cast %while3A_376 : i32 to index
          %get3A_395 = arith.constant 0 : index
          %get3A_396 = tpu.vector_load %arg5[%get3A_393, %get3A_394, %get3A_395] {strides = array<i32>} : memref<3x256x128xf32, #tpu.memory_space<vmem>>, vector<16xf32>,
          %add3A_397 = arith.addf %while3A_377, %get3A_396 : vector<16xf32>
          %get3A_398 = arith.index_cast %while3A_104 : i32 to index
          %get3A_399 = arith.index_cast %while3A_376 : i32 to index
          %get3A_400 = arith.constant 16 : index
          %get3A_401 = tpu.vector_load %arg5[%get3A_398, %get3A_399, %get3A_400] {strides = array<i32>} : memref<3x256x128xf32, #tpu.memory_space<vmem>>, vector<16xf32>,
          %add3A_402 = arith.addf %while3A_378, %get3A_401 : vector<16xf32>
          %get3A_403 = arith.index_cast %while3A_104 : i32 to index
          %get3A_404 = arith.index_cast %while3A_376 : i32 to index
          %get3A_405 = arith.constant 32 : index
          %get3A_406 = tpu.vector_load %arg5[%get3A_403, %get3A_404, %get3A_405] {strides = array<i32>} : memref<3x256x128xf32, #tpu.memory_space<vmem>>, vector<16xf32>,
          %add3A_407 = arith.addf %while3A_379, %get3A_406 : vector<16xf32>
          %get3A_408 = arith.index_cast %while3A_104 : i32 to index
          %get3A_409 = arith.index_cast %while3A_376 : i32 to index
          %get3A_410 = arith.constant 48 : index
          %get3A_411 = tpu.vector_load %arg5[%get3A_408, %get3A_409, %get3A_410] {strides = array<i32>} : memref<3x256x128xf32, #tpu.memory_space<vmem>>, vector<16xf32>,
          %add3A_412 = arith.addf %while3A_380, %get3A_411 : vector<16xf32>
          %get3A_413 = arith.index_cast %while3A_104 : i32 to index
          %get3A_414 = arith.index_cast %while3A_376 : i32 to index
          %get3A_415 = arith.constant 64 : index
          %get3A_416 = tpu.vector_load %arg5[%get3A_413, %get3A_414, %get3A_415] {strides = array<i32>} : memref<3x256x128xf32, #tpu.memory_space<vmem>>, vector<16xf32>,
          %add3A_417 = arith.addf %while3A_381, %get3A_416 : vector<16xf32>
          %get3A_418 = arith.index_cast %while3A_104 : i32 to index
          %get3A_419 = arith.index_cast %while3A_376 : i32 to index
          %get3A_420 = arith.constant 80 : index
          %get3A_421 = tpu.vector_load %arg5[%get3A_418, %get3A_419, %get3A_420] {strides = array<i32>} : memref<3x256x128xf32, #tpu.memory_space<vmem>>, vector<16xf32>,
          %add3A_422 = arith.addf %while3A_382, %get3A_421 : vector<16xf32>
          %get3A_423 = arith.index_cast %while3A_104 : i32 to index
          %get3A_424 = arith.index_cast %while3A_376 : i32 to index
          %get3A_425 = arith.constant 96 : index
          %get3A_426 = tpu.vector_load %arg5[%get3A_423, %get3A_424, %get3A_425] {strides = array<i32>} : memref<3x256x128xf32, #tpu.memory_space<vmem>>, vector<16xf32>,
          %add3A_427 = arith.addf %while3A_383, %get3A_426 : vector<16xf32>
          %get3A_428 = arith.index_cast %while3A_104 : i32 to index
          %get3A_429 = arith.index_cast %while3A_376 : i32 to index
          %get3A_430 = arith.constant 112 : index
          %get3A_431 = tpu.vector_load %arg5[%get3A_428, %get3A_429, %get3A_430] {strides = array<i32>} : memref<3x256x128xf32, #tpu.memory_space<vmem>>, vector<16xf32>,
          %add3A_432 = arith.addf %while3A_384, %get3A_431 : vector<16xf32>
          %get3A_433 = arith.index_cast %while3A_104 : i32 to index
          %get3A_434 = arith.index_cast %while3A_376 : i32 to index
          %get3A_435 = arith.constant 0 : index
          %get3A_436 = tpu.vector_load %arg5[%get3A_433, %get3A_434, %get3A_435] {strides = array<i32>} : memref<3x256x128xf32, #tpu.memory_space<vmem>>, vector<16xf32>,
          %max3A_437 = arith.maximumf %while3A_385, %get3A_436 : vector<16xf32>
          %get3A_438 = arith.index_cast %while3A_104 : i32 to index
          %get3A_439 = arith.index_cast %while3A_376 : i32 to index
          %get3A_440 = arith.constant 16 : index
          %get3A_441 = tpu.vector_load %arg5[%get3A_438, %get3A_439, %get3A_440] {strides = array<i32>} : memref<3x256x128xf32, #tpu.memory_space<vmem>>, vector<16xf32>,
          %max3A_442 = arith.maximumf %while3A_386, %get3A_441 : vector<16xf32>
          %get3A_443 = arith.index_cast %while3A_104 : i32 to index
          %get3A_444 = arith.index_cast %while3A_376 : i32 to index
          %get3A_445 = arith.constant 32 : index
          %get3A_446 = tpu.vector_load %arg5[%get3A_443, %get3A_444, %get3A_445] {strides = array<i32>} : memref<3x256x128xf32, #tpu.memory_space<vmem>>, vector<16xf32>,
          %max3A_447 = arith.maximumf %while3A_387, %get3A_446 : vector<16xf32>
          %get3A_448 = arith.index_cast %while3A_104 : i32 to index
          %get3A_449 = arith.index_cast %while3A_376 : i32 to index
          %get3A_450 = arith.constant 48 : index
          %get3A_451 = tpu.vector_load %arg5[%get3A_448, %get3A_449, %get3A_450] {strides = array<i32>} : memref<3x256x128xf32, #tpu.memory_space<vmem>>, vector<16xf32>,
          %max3A_452 = arith.maximumf %while3A_388, %get3A_451 : vector<16xf32>
          %get3A_453 = arith.index_cast %while3A_104 : i32 to index
          %get3A_454 = arith.index_cast %while3A_376 : i32 to index
          %get3A_455 = arith.constant 64 : index
          %get3A_456 = tpu.vector_load %arg5[%get3A_453, %get3A_454, %get3A_455] {strides = array<i32>} : memref<3x256x128xf32, #tpu.memory_space<vmem>>, vector<16xf32>,
          %max3A_457 = arith.maximumf %while3A_389, %get3A_456 : vector<16xf32>
          %get3A_458 = arith.index_cast %while3A_104 : i32 to index
          %get3A_459 = arith.index_cast %while3A_376 : i32 to index
          %get3A_460 = arith.constant 80 : index
          %get3A_461 = tpu.vector_load %arg5[%get3A_458, %get3A_459, %get3A_460] {strides = array<i32>} : memref<3x256x128xf32, #tpu.memory_space<vmem>>, vector<16xf32>,
          %max3A_462 = arith.maximumf %while3A_390, %get3A_461 : vector<16xf32>
          %get3A_463 = arith.index_cast %while3A_104 : i32 to index
          %get3A_464 = arith.index_cast %while3A_376 : i32 to index
          %get3A_465 = arith.constant 96 : index
          %get3A_466 = tpu.vector_load %arg5[%get3A_463, %get3A_464, %get3A_465] {strides = array<i32>} : memref<3x256x128xf32, #tpu.memory_space<vmem>>, vector<16xf32>,
          %max3A_467 = arith.maximumf %while3A_391, %get3A_466 : vector<16xf32>
          %get3A_468 = arith.index_cast %while3A_104 : i32 to index
          %get3A_469 = arith.index_cast %while3A_376 : i32 to index
          %get3A_470 = arith.constant 112 : index
          %get3A_471 = tpu.vector_load %arg5[%get3A_468, %get3A_469, %get3A_470] {strides = array<i32>} : memref<3x256x128xf32, #tpu.memory_space<vmem>>, vector<16xf32>,
          %max3A_472 = arith.maximumf %while3A_392, %get3A_471 : vector<16xf32>
          scf.yield %add3A_397, %add3A_402, %add3A_407, %add3A_412, %add3A_417, %add3A_422, %add3A_427, %add3A_432, %max3A_437, %max3A_442, %max3A_447, %max3A_452, %max3A_457, %max3A_462, %max3A_467, %max3A_472 : vector<16xf32>, vector<16xf32>, vector<16xf32>, vector<16xf32>, vector<16xf32>, vector<16xf32>, vector<16xf32>, vector<16xf32>, vector<16xf32>, vector<16xf32>, vector<16xf32>, vector<16xf32>, vector<16xf32>, vector<16xf32>, vector<16xf32>, vector<16xf32>
        }
        %le3A_353 = arith.cmpi sle, %squeeze3A_340, %min3A_137 : i32
        %convert_element_type3A_354 = arith.extui %le3A_353 : i1 to i32
        %cond3A_355 = arith.constant 0 : i32
        %cond3A_356 = arith.cmpi ne, %convert_element_type3A_354, %cond3A_355 : i32
        scf.if %cond3A_356 {
          %swap3A_376 = arith.index_cast %while3A_318 : i32 to index
          %swap3A_377 = arith.constant 0 : index
          %swap3A_378 = tpu.vector_load %arg10[%swap3A_376, %swap3A_377] {strides = array<i32>} : memref<32x256xf32, #tpu.memory_space<vmem>>, vector<16xf32>,
          tpu.vector_store %arg10[%swap3A_376, %swap3A_377], %while3A_352#0 {strides = array<i32>} : memref<32x256xf32, #tpu.memory_space<vmem>>, vector<16xf32>,
          %swap3A_379 = arith.index_cast %while3A_318 : i32 to index
          %swap3A_380 = arith.constant 128 : index
          %swap3A_381 = tpu.vector_load %arg10[%swap3A_379, %swap3A_380] {strides = array<i32>} : memref<32x256xf32, #tpu.memory_space<vmem>>, vector<16xf32>,
          tpu.vector_store %arg10[%swap3A_379, %swap3A_380], %while3A_352#8 {strides = array<i32>} : memref<32x256xf32, #tpu.memory_space<vmem>>, vector<16xf32>,
          %swap3A_382 = arith.index_cast %while3A_318 : i32 to index
          %swap3A_383 = arith.constant 16 : index
          %swap3A_384 = tpu.vector_load %arg10[%swap3A_382, %swap3A_383] {strides = array<i32>} : memref<32x256xf32, #tpu.memory_space<vmem>>, vector<16xf32>,
          tpu.vector_store %arg10[%swap3A_382, %swap3A_383], %while3A_352#1 {strides = array<i32>} : memref<32x256xf32, #tpu.memory_space<vmem>>, vector<16xf32>,
          %swap3A_385 = arith.index_cast %while3A_318 : i32 to index
          %swap3A_386 = arith.constant 144 : index
          %swap3A_387 = tpu.vector_load %arg10[%swap3A_385, %swap3A_386] {strides = array<i32>} : memref<32x256xf32, #tpu.memory_space<vmem>>, vector<16xf32>,
          tpu.vector_store %arg10[%swap3A_385, %swap3A_386], %while3A_352#9 {strides = array<i32>} : memref<32x256xf32, #tpu.memory_space<vmem>>, vector<16xf32>,
          %swap3A_388 = arith.index_cast %while3A_318 : i32 to index
          %swap3A_389 = arith.constant 32 : index
          %swap3A_390 = tpu.vector_load %arg10[%swap3A_388, %swap3A_389] {strides = array<i32>} : memref<32x256xf32, #tpu.memory_space<vmem>>, vector<16xf32>,
          tpu.vector_store %arg10[%swap3A_388, %swap3A_389], %while3A_352#2 {strides = array<i32>} : memref<32x256xf32, #tpu.memory_space<vmem>>, vector<16xf32>,
          %swap3A_391 = arith.index_cast %while3A_318 : i32 to index
          %swap3A_392 = arith.constant 160 : index
          %swap3A_393 = tpu.vector_load %arg10[%swap3A_391, %swap3A_392] {strides = array<i32>} : memref<32x256xf32, #tpu.memory_space<vmem>>, vector<16xf32>,
          tpu.vector_store %arg10[%swap3A_391, %swap3A_392], %while3A_352#10 {strides = array<i32>} : memref<32x256xf32, #tpu.memory_space<vmem>>, vector<16xf32>,
          %swap3A_394 = arith.index_cast %while3A_318 : i32 to index
          %swap3A_395 = arith.constant 48 : index
          %swap3A_396 = tpu.vector_load %arg10[%swap3A_394, %swap3A_395] {strides = array<i32>} : memref<32x256xf32, #tpu.memory_space<vmem>>, vector<16xf32>,
          tpu.vector_store %arg10[%swap3A_394, %swap3A_395], %while3A_352#3 {strides = array<i32>} : memref<32x256xf32, #tpu.memory_space<vmem>>, vector<16xf32>,
          %swap3A_397 = arith.index_cast %while3A_318 : i32 to index
          %swap3A_398 = arith.constant 176 : index
          %swap3A_399 = tpu.vector_load %arg10[%swap3A_397, %swap3A_398] {strides = array<i32>} : memref<32x256xf32, #tpu.memory_space<vmem>>, vector<16xf32>,
          tpu.vector_store %arg10[%swap3A_397, %swap3A_398], %while3A_352#11 {strides = array<i32>} : memref<32x256xf32, #tpu.memory_space<vmem>>, vector<16xf32>,
          %swap3A_400 = arith.index_cast %while3A_318 : i32 to index
          %swap3A_401 = arith.constant 64 : index
          %swap3A_402 = tpu.vector_load %arg10[%swap3A_400, %swap3A_401] {strides = array<i32>} : memref<32x256xf32, #tpu.memory_space<vmem>>, vector<16xf32>,
          tpu.vector_store %arg10[%swap3A_400, %swap3A_401], %while3A_352#4 {strides = array<i32>} : memref<32x256xf32, #tpu.memory_space<vmem>>, vector<16xf32>,
          %swap3A_403 = arith.index_cast %while3A_318 : i32 to index
          %swap3A_404 = arith.constant 192 : index
          %swap3A_405 = tpu.vector_load %arg10[%swap3A_403, %swap3A_404] {strides = array<i32>} : memref<32x256xf32, #tpu.memory_space<vmem>>, vector<16xf32>,
          tpu.vector_store %arg10[%swap3A_403, %swap3A_404], %while3A_352#12 {strides = array<i32>} : memref<32x256xf32, #tpu.memory_space<vmem>>, vector<16xf32>,
          %swap3A_406 = arith.index_cast %while3A_318 : i32 to index
          %swap3A_407 = arith.constant 80 : index
          %swap3A_408 = tpu.vector_load %arg10[%swap3A_406, %swap3A_407] {strides = array<i32>} : memref<32x256xf32, #tpu.memory_space<vmem>>, vector<16xf32>,
          tpu.vector_store %arg10[%swap3A_406, %swap3A_407], %while3A_352#5 {strides = array<i32>} : memref<32x256xf32, #tpu.memory_space<vmem>>, vector<16xf32>,
          %swap3A_409 = arith.index_cast %while3A_318 : i32 to index
          %swap3A_410 = arith.constant 208 : index
          %swap3A_411 = tpu.vector_load %arg10[%swap3A_409, %swap3A_410] {strides = array<i32>} : memref<32x256xf32, #tpu.memory_space<vmem>>, vector<16xf32>,
          tpu.vector_store %arg10[%swap3A_409, %swap3A_410], %while3A_352#13 {strides = array<i32>} : memref<32x256xf32, #tpu.memory_space<vmem>>, vector<16xf32>,
          %swap3A_412 = arith.index_cast %while3A_318 : i32 to index
          %swap3A_413 = arith.constant 96 : index
          %swap3A_414 = tpu.vector_load %arg10[%swap3A_412, %swap3A_413] {strides = array<i32>} : memref<32x256xf32, #tpu.memory_space<vmem>>, vector<16xf32>,
          tpu.vector_store %arg10[%swap3A_412, %swap3A_413], %while3A_352#6 {strides = array<i32>} : memref<32x256xf32, #tpu.memory_space<vmem>>, vector<16xf32>,
          %swap3A_415 = arith.index_cast %while3A_318 : i32 to index
          %swap3A_416 = arith.constant 224 : index
          %swap3A_417 = tpu.vector_load %arg10[%swap3A_415, %swap3A_416] {strides = array<i32>} : memref<32x256xf32, #tpu.memory_space<vmem>>, vector<16xf32>,
          tpu.vector_store %arg10[%swap3A_415, %swap3A_416], %while3A_352#14 {strides = array<i32>} : memref<32x256xf32, #tpu.memory_space<vmem>>, vector<16xf32>,
          %swap3A_418 = arith.index_cast %while3A_318 : i32 to index
          %swap3A_419 = arith.constant 112 : index
          %swap3A_420 = tpu.vector_load %arg10[%swap3A_418, %swap3A_419] {strides = array<i32>} : memref<32x256xf32, #tpu.memory_space<vmem>>, vector<16xf32>,
          tpu.vector_store %arg10[%swap3A_418, %swap3A_419], %while3A_352#7 {strides = array<i32>} : memref<32x256xf32, #tpu.memory_space<vmem>>, vector<16xf32>,
          %swap3A_421 = arith.index_cast %while3A_318 : i32 to index
          %swap3A_422 = arith.constant 240 : index
          %swap3A_423 = tpu.vector_load %arg10[%swap3A_421, %swap3A_422] {strides = array<i32>} : memref<32x256xf32, #tpu.memory_space<vmem>>, vector<16xf32>,
          tpu.vector_store %arg10[%swap3A_421, %swap3A_422], %while3A_352#15 {strides = array<i32>} : memref<32x256xf32, #tpu.memory_space<vmem>>, vector<16xf32>,
        } else {
        }
        %add3A_357 = arith.constant 1 : i32
        %add3A_358 = arith.addi %while3A_318, %add3A_357 : i32
        %select_n3A_359 = arith.select %le3A_353, %add3A_358, %while3A_318 : i32
        %select_n3A_360 = arith.select %le3A_353, %broadcast_in_dim3A_53, %while3A_352#0 : vector<16xf32>
        %select_n3A_361 = arith.select %le3A_353, %broadcast_in_dim3A_53, %while3A_352#1 : vector<16xf32>
        %select_n3A_362 = arith.select %le3A_353, %broadcast_in_dim3A_53, %while3A_352#2 : vector<16xf32>
        %select_n3A_363 = arith.select %le3A_353, %broadcast_in_dim3A_53, %while3A_352#3 : vector<16xf32>
        %select_n3A_364 = arith.select %le3A_353, %broadcast_in_dim3A_53, %while3A_352#4 : vector<16xf32>
        %select_n3A_365 = arith.select %le3A_353, %broadcast_in_dim3A_53, %while3A_352#5 : vector<16xf32>
        %select_n3A_366 = arith.select %le3A_353, %broadcast_in_dim3A_53, %while3A_352#6 : vector<16xf32>
        %select_n3A_367 = arith.select %le3A_353, %broadcast_in_dim3A_53, %while3A_352#7 : vector<16xf32>
        %select_n3A_368 = arith.select %le3A_353, %broadcast_in_dim3A_55, %while3A_352#8 : vector<16xf32>
        %select_n3A_369 = arith.select %le3A_353, %broadcast_in_dim3A_55, %while3A_352#9 : vector<16xf32>
        %select_n3A_370 = arith.select %le3A_353, %broadcast_in_dim3A_55, %while3A_352#10 : vector<16xf32>
        %select_n3A_371 = arith.select %le3A_353, %broadcast_in_dim3A_55, %while3A_352#11 : vector<16xf32>
        %select_n3A_372 = arith.select %le3A_353, %broadcast_in_dim3A_55, %while3A_352#12 : vector<16xf32>
        %select_n3A_373 = arith.select %le3A_353, %broadcast_in_dim3A_55, %while3A_352#13 : vector<16xf32>
        %select_n3A_374 = arith.select %le3A_353, %broadcast_in_dim3A_55, %while3A_352#14 : vector<16xf32>
        %select_n3A_375 = arith.select %le3A_353, %broadcast_in_dim3A_55, %while3A_352#15 : vector<16xf32>
        scf.yield %select_n3A_359, %sub3A_342, %select_n3A_360, %select_n3A_361, %select_n3A_362, %select_n3A_363, %select_n3A_364, %select_n3A_365, %select_n3A_366, %select_n3A_367, %select_n3A_368, %select_n3A_369, %select_n3A_370, %select_n3A_371, %select_n3A_372, %select_n3A_373, %select_n3A_374, %select_n3A_375 : i32, i32, vector<16xf32>, vector<16xf32>, vector<16xf32>, vector<16xf32>, vector<16xf32>, vector<16xf32>, vector<16xf32>, vector<16xf32>, vector<16xf32>, vector<16xf32>, vector<16xf32>, vector<16xf32>, vector<16xf32>, vector<16xf32>, vector<16xf32>, vector<16xf32>
      }
      %while3A_309 = arith.constant 1 : i32
      %while3A_310:18 = scf.for %while3A_317 = %while3A_306 to %while3A_302 step %while3A_309 iter_args(%while3A_318 = %while3A_308#0, %while3A_319 = %while3A_308#1, %while3A_320 = %while3A_308#2, %while3A_321 = %while3A_308#3, %while3A_322 = %while3A_308#4, %while3A_323 = %while3A_308#5, %while3A_324 = %while3A_308#6, %while3A_325 = %while3A_308#7, %while3A_326 = %while3A_308#8, %while3A_327 = %while3A_308#9, %while3A_328 = %while3A_308#10, %while3A_329 = %while3A_308#11, %while3A_330 = %while3A_308#12, %while3A_331 = %while3A_308#13, %while3A_332 = %while3A_308#14, %while3A_333 = %while3A_308#15, %while3A_334 = %while3A_308#16, %while3A_335 = %while3A_308#17) -> (i32, i32, vector<16xf32>, vector<16xf32>, vector<16xf32>, vector<16xf32>, vector<16xf32>, vector<16xf32>, vector<16xf32>, vector<16xf32>, vector<16xf32>, vector<16xf32>, vector<16xf32>, vector<16xf32>, vector<16xf32>, vector<16xf32>, vector<16xf32>, vector<16xf32>)  : i32 {
        %add3A_336 = arith.constant 1 : i32
        %add3A_337 = arith.addi %while3A_318, %add3A_336 : i32
        %broadcast_in_dim3A_338 = vector.broadcast %add3A_337 : i32 to vector<16xi32>
        %gather3A = tpu.vector_load_idx %arg9[%broadcast_in_dim3A_338] : memref<48xi32, #tpu.memory_space<vmem>>[vector<16xi32>], vector<16xi32>,
        %slice3A_339 = vector.extract_strided_slice %gather3A {offsets = [0], sizes = [1], strides = [1]} : vector<16xi32> to vector<1xi32>
        %squeeze3A_340 = vector.extract %slice3A_339[0] : i32 from vector<1xi32>
        %min3A_341 = arith.minsi %squeeze3A_340, %min3A_137 : i32
        %sub3A_342 = arith.subi %min3A_341, %min3A_124 : i32
        %while3A_343 = arith.subi %sub3A_342, %while3A_319 : i32
        %while3A_344 = arith.addi %while3A_319, %while3A_343 : i32
        %while3A_345 = arith.constant 1 : i32
        %while3A_346 = arith.divsi %while3A_343, %while3A_345 : i32
        %while3A_347 = arith.muli %while3A_346, %while3A_345 : i32
        %while3A_348 = arith.addi %while3A_319, %while3A_347 : i32
        %while3A_349 = arith.constant 1 : i32
        %while3A_350:16 = scf.for %while3A_376 = %while3A_319 to %while3A_348 step %while3A_349 iter_args(%while3A_377 = %while3A_320, %while3A_378 = %while3A_321, %while3A_379 = %while3A_322, %while3A_380 = %while3A_323, %while3A_381 = %while3A_324, %while3A_382 = %while3A_325, %while3A_383 = %while3A_326, %while3A_384 = %while3A_327, %while3A_385 = %while3A_328, %while3A_386 = %while3A_329, %while3A_387 = %while3A_330, %while3A_388 = %while3A_331, %while3A_389 = %while3A_332, %while3A_390 = %while3A_333, %while3A_391 = %while3A_334, %while3A_392 = %while3A_335) -> (vector<16xf32>, vector<16xf32>, vector<16xf32>, vector<16xf32>, vector<16xf32>, vector<16xf32>, vector<16xf32>, vector<16xf32>, vector<16xf32>, vector<16xf32>, vector<16xf32>, vector<16xf32>, vector<16xf32>, vector<16xf32>, vector<16xf32>, vector<16xf32>)  : i32 {
          %get3A_393 = arith.index_cast %while3A_104 : i32 to index
          %get3A_394 = arith.index_cast %while3A_376 : i32 to index
          %get3A_395 = arith.constant 0 : index
          %get3A_396 = tpu.vector_load %arg5[%get3A_393, %get3A_394, %get3A_395] {strides = array<i32>} : memref<3x256x128xf32, #tpu.memory_space<vmem>>, vector<16xf32>,
          %add3A_397 = arith.addf %while3A_377, %get3A_396 : vector<16xf32>
          %get3A_398 = arith.index_cast %while3A_104 : i32 to index
          %get3A_399 = arith.index_cast %while3A_376 : i32 to index
          %get3A_400 = arith.constant 16 : index
          %get3A_401 = tpu.vector_load %arg5[%get3A_398, %get3A_399, %get3A_400] {strides = array<i32>} : memref<3x256x128xf32, #tpu.memory_space<vmem>>, vector<16xf32>,
          %add3A_402 = arith.addf %while3A_378, %get3A_401 : vector<16xf32>
          %get3A_403 = arith.index_cast %while3A_104 : i32 to index
          %get3A_404 = arith.index_cast %while3A_376 : i32 to index
          %get3A_405 = arith.constant 32 : index
          %get3A_406 = tpu.vector_load %arg5[%get3A_403, %get3A_404, %get3A_405] {strides = array<i32>} : memref<3x256x128xf32, #tpu.memory_space<vmem>>, vector<16xf32>,
          %add3A_407 = arith.addf %while3A_379, %get3A_406 : vector<16xf32>
          %get3A_408 = arith.index_cast %while3A_104 : i32 to index
          %get3A_409 = arith.index_cast %while3A_376 : i32 to index
          %get3A_410 = arith.constant 48 : index
          %get3A_411 = tpu.vector_load %arg5[%get3A_408, %get3A_409, %get3A_410] {strides = array<i32>} : memref<3x256x128xf32, #tpu.memory_space<vmem>>, vector<16xf32>,
          %add3A_412 = arith.addf %while3A_380, %get3A_411 : vector<16xf32>
          %get3A_413 = arith.index_cast %while3A_104 : i32 to index
          %get3A_414 = arith.index_cast %while3A_376 : i32 to index
          %get3A_415 = arith.constant 64 : index
          %get3A_416 = tpu.vector_load %arg5[%get3A_413, %get3A_414, %get3A_415] {strides = array<i32>} : memref<3x256x128xf32, #tpu.memory_space<vmem>>, vector<16xf32>,
          %add3A_417 = arith.addf %while3A_381, %get3A_416 : vector<16xf32>
          %get3A_418 = arith.index_cast %while3A_104 : i32 to index
          %get3A_419 = arith.index_cast %while3A_376 : i32 to index
          %get3A_420 = arith.constant 80 : index
          %get3A_421 = tpu.vector_load %arg5[%get3A_418, %get3A_419, %get3A_420] {strides = array<i32>} : memref<3x256x128xf32, #tpu.memory_space<vmem>>, vector<16xf32>,
          %add3A_422 = arith.addf %while3A_382, %get3A_421 : vector<16xf32>
          %get3A_423 = arith.index_cast %while3A_104 : i32 to index
          %get3A_424 = arith.index_cast %while3A_376 : i32 to index
          %get3A_425 = arith.constant 96 : index
          %get3A_426 = tpu.vector_load %arg5[%get3A_423, %get3A_424, %get3A_425] {strides = array<i32>} : memref<3x256x128xf32, #tpu.memory_space<vmem>>, vector<16xf32>,
          %add3A_427 = arith.addf %while3A_383, %get3A_426 : vector<16xf32>
          %get3A_428 = arith.index_cast %while3A_104 : i32 to index
          %get3A_429 = arith.index_cast %while3A_376 : i32 to index
          %get3A_430 = arith.constant 112 : index
          %get3A_431 = tpu.vector_load %arg5[%get3A_428, %get3A_429, %get3A_430] {strides = array<i32>} : memref<3x256x128xf32, #tpu.memory_space<vmem>>, vector<16xf32>,
          %add3A_432 = arith.addf %while3A_384, %get3A_431 : vector<16xf32>
          %get3A_433 = arith.index_cast %while3A_104 : i32 to index
          %get3A_434 = arith.index_cast %while3A_376 : i32 to index
          %get3A_435 = arith.constant 0 : index
          %get3A_436 = tpu.vector_load %arg5[%get3A_433, %get3A_434, %get3A_435] {strides = array<i32>} : memref<3x256x128xf32, #tpu.memory_space<vmem>>, vector<16xf32>,
          %max3A_437 = arith.maximumf %while3A_385, %get3A_436 : vector<16xf32>
          %get3A_438 = arith.index_cast %while3A_104 : i32 to index
          %get3A_439 = arith.index_cast %while3A_376 : i32 to index
          %get3A_440 = arith.constant 16 : index
          %get3A_441 = tpu.vector_load %arg5[%get3A_438, %get3A_439, %get3A_440] {strides = array<i32>} : memref<3x256x128xf32, #tpu.memory_space<vmem>>, vector<16xf32>,
          %max3A_442 = arith.maximumf %while3A_386, %get3A_441 : vector<16xf32>
          %get3A_443 = arith.index_cast %while3A_104 : i32 to index
          %get3A_444 = arith.index_cast %while3A_376 : i32 to index
          %get3A_445 = arith.constant 32 : index
          %get3A_446 = tpu.vector_load %arg5[%get3A_443, %get3A_444, %get3A_445] {strides = array<i32>} : memref<3x256x128xf32, #tpu.memory_space<vmem>>, vector<16xf32>,
          %max3A_447 = arith.maximumf %while3A_387, %get3A_446 : vector<16xf32>
          %get3A_448 = arith.index_cast %while3A_104 : i32 to index
          %get3A_449 = arith.index_cast %while3A_376 : i32 to index
          %get3A_450 = arith.constant 48 : index
          %get3A_451 = tpu.vector_load %arg5[%get3A_448, %get3A_449, %get3A_450] {strides = array<i32>} : memref<3x256x128xf32, #tpu.memory_space<vmem>>, vector<16xf32>,
          %max3A_452 = arith.maximumf %while3A_388, %get3A_451 : vector<16xf32>
          %get3A_453 = arith.index_cast %while3A_104 : i32 to index
          %get3A_454 = arith.index_cast %while3A_376 : i32 to index
          %get3A_455 = arith.constant 64 : index
          %get3A_456 = tpu.vector_load %arg5[%get3A_453, %get3A_454, %get3A_455] {strides = array<i32>} : memref<3x256x128xf32, #tpu.memory_space<vmem>>, vector<16xf32>,
          %max3A_457 = arith.maximumf %while3A_389, %get3A_456 : vector<16xf32>
          %get3A_458 = arith.index_cast %while3A_104 : i32 to index
          %get3A_459 = arith.index_cast %while3A_376 : i32 to index
          %get3A_460 = arith.constant 80 : index
          %get3A_461 = tpu.vector_load %arg5[%get3A_458, %get3A_459, %get3A_460] {strides = array<i32>} : memref<3x256x128xf32, #tpu.memory_space<vmem>>, vector<16xf32>,
          %max3A_462 = arith.maximumf %while3A_390, %get3A_461 : vector<16xf32>
          %get3A_463 = arith.index_cast %while3A_104 : i32 to index
          %get3A_464 = arith.index_cast %while3A_376 : i32 to index
          %get3A_465 = arith.constant 96 : index
          %get3A_466 = tpu.vector_load %arg5[%get3A_463, %get3A_464, %get3A_465] {strides = array<i32>} : memref<3x256x128xf32, #tpu.memory_space<vmem>>, vector<16xf32>,
          %max3A_467 = arith.maximumf %while3A_391, %get3A_466 : vector<16xf32>
          %get3A_468 = arith.index_cast %while3A_104 : i32 to index
          %get3A_469 = arith.index_cast %while3A_376 : i32 to index
          %get3A_470 = arith.constant 112 : index
          %get3A_471 = tpu.vector_load %arg5[%get3A_468, %get3A_469, %get3A_470] {strides = array<i32>} : memref<3x256x128xf32, #tpu.memory_space<vmem>>, vector<16xf32>,
          %max3A_472 = arith.maximumf %while3A_392, %get3A_471 : vector<16xf32>
          scf.yield %add3A_397, %add3A_402, %add3A_407, %add3A_412, %add3A_417, %add3A_422, %add3A_427, %add3A_432, %max3A_437, %max3A_442, %max3A_447, %max3A_452, %max3A_457, %max3A_462, %max3A_467, %max3A_472 : vector<16xf32>, vector<16xf32>, vector<16xf32>, vector<16xf32>, vector<16xf32>, vector<16xf32>, vector<16xf32>, vector<16xf32>, vector<16xf32>, vector<16xf32>, vector<16xf32>, vector<16xf32>, vector<16xf32>, vector<16xf32>, vector<16xf32>, vector<16xf32>
        }
        %while3A_351 = arith.constant 1 : i32
        %while3A_352:16 = scf.for %while3A_376 = %while3A_348 to %while3A_344 step %while3A_351 iter_args(%while3A_377 = %while3A_350#0, %while3A_378 = %while3A_350#1, %while3A_379 = %while3A_350#2, %while3A_380 = %while3A_350#3, %while3A_381 = %while3A_350#4, %while3A_382 = %while3A_350#5, %while3A_383 = %while3A_350#6, %while3A_384 = %while3A_350#7, %while3A_385 = %while3A_350#8, %while3A_386 = %while3A_350#9, %while3A_387 = %while3A_350#10, %while3A_388 = %while3A_350#11, %while3A_389 = %while3A_350#12, %while3A_390 = %while3A_350#13, %while3A_391 = %while3A_350#14, %while3A_392 = %while3A_350#15) -> (vector<16xf32>, vector<16xf32>, vector<16xf32>, vector<16xf32>, vector<16xf32>, vector<16xf32>, vector<16xf32>, vector<16xf32>, vector<16xf32>, vector<16xf32>, vector<16xf32>, vector<16xf32>, vector<16xf32>, vector<16xf32>, vector<16xf32>, vector<16xf32>)  : i32 {
          %get3A_393 = arith.index_cast %while3A_104 : i32 to index
          %get3A_394 = arith.index_cast %while3A_376 : i32 to index
          %get3A_395 = arith.constant 0 : index
          %get3A_396 = tpu.vector_load %arg5[%get3A_393, %get3A_394, %get3A_395] {strides = array<i32>} : memref<3x256x128xf32, #tpu.memory_space<vmem>>, vector<16xf32>,
          %add3A_397 = arith.addf %while3A_377, %get3A_396 : vector<16xf32>
          %get3A_398 = arith.index_cast %while3A_104 : i32 to index
          %get3A_399 = arith.index_cast %while3A_376 : i32 to index
          %get3A_400 = arith.constant 16 : index
          %get3A_401 = tpu.vector_load %arg5[%get3A_398, %get3A_399, %get3A_400] {strides = array<i32>} : memref<3x256x128xf32, #tpu.memory_space<vmem>>, vector<16xf32>,
          %add3A_402 = arith.addf %while3A_378, %get3A_401 : vector<16xf32>
          %get3A_403 = arith.index_cast %while3A_104 : i32 to index
          %get3A_404 = arith.index_cast %while3A_376 : i32 to index
          %get3A_405 = arith.constant 32 : index
          %get3A_406 = tpu.vector_load %arg5[%get3A_403, %get3A_404, %get3A_405] {strides = array<i32>} : memref<3x256x128xf32, #tpu.memory_space<vmem>>, vector<16xf32>,
          %add3A_407 = arith.addf %while3A_379, %get3A_406 : vector<16xf32>
          %get3A_408 = arith.index_cast %while3A_104 : i32 to index
          %get3A_409 = arith.index_cast %while3A_376 : i32 to index
          %get3A_410 = arith.constant 48 : index
          %get3A_411 = tpu.vector_load %arg5[%get3A_408, %get3A_409, %get3A_410] {strides = array<i32>} : memref<3x256x128xf32, #tpu.memory_space<vmem>>, vector<16xf32>,
          %add3A_412 = arith.addf %while3A_380, %get3A_411 : vector<16xf32>
          %get3A_413 = arith.index_cast %while3A_104 : i32 to index
          %get3A_414 = arith.index_cast %while3A_376 : i32 to index
          %get3A_415 = arith.constant 64 : index
          %get3A_416 = tpu.vector_load %arg5[%get3A_413, %get3A_414, %get3A_415] {strides = array<i32>} : memref<3x256x128xf32, #tpu.memory_space<vmem>>, vector<16xf32>,
          %add3A_417 = arith.addf %while3A_381, %get3A_416 : vector<16xf32>
          %get3A_418 = arith.index_cast %while3A_104 : i32 to index
          %get3A_419 = arith.index_cast %while3A_376 : i32 to index
          %get3A_420 = arith.constant 80 : index
          %get3A_421 = tpu.vector_load %arg5[%get3A_418, %get3A_419, %get3A_420] {strides = array<i32>} : memref<3x256x128xf32, #tpu.memory_space<vmem>>, vector<16xf32>,
          %add3A_422 = arith.addf %while3A_382, %get3A_421 : vector<16xf32>
          %get3A_423 = arith.index_cast %while3A_104 : i32 to index
          %get3A_424 = arith.index_cast %while3A_376 : i32 to index
          %get3A_425 = arith.constant 96 : index
          %get3A_426 = tpu.vector_load %arg5[%get3A_423, %get3A_424, %get3A_425] {strides = array<i32>} : memref<3x256x128xf32, #tpu.memory_space<vmem>>, vector<16xf32>,
          %add3A_427 = arith.addf %while3A_383, %get3A_426 : vector<16xf32>
          %get3A_428 = arith.index_cast %while3A_104 : i32 to index
          %get3A_429 = arith.index_cast %while3A_376 : i32 to index
          %get3A_430 = arith.constant 112 : index
          %get3A_431 = tpu.vector_load %arg5[%get3A_428, %get3A_429, %get3A_430] {strides = array<i32>} : memref<3x256x128xf32, #tpu.memory_space<vmem>>, vector<16xf32>,
          %add3A_432 = arith.addf %while3A_384, %get3A_431 : vector<16xf32>
          %get3A_433 = arith.index_cast %while3A_104 : i32 to index
          %get3A_434 = arith.index_cast %while3A_376 : i32 to index
          %get3A_435 = arith.constant 0 : index
          %get3A_436 = tpu.vector_load %arg5[%get3A_433, %get3A_434, %get3A_435] {strides = array<i32>} : memref<3x256x128xf32, #tpu.memory_space<vmem>>, vector<16xf32>,
          %max3A_437 = arith.maximumf %while3A_385, %get3A_436 : vector<16xf32>
          %get3A_438 = arith.index_cast %while3A_104 : i32 to index
          %get3A_439 = arith.index_cast %while3A_376 : i32 to index
          %get3A_440 = arith.constant 16 : index
          %get3A_441 = tpu.vector_load %arg5[%get3A_438, %get3A_439, %get3A_440] {strides = array<i32>} : memref<3x256x128xf32, #tpu.memory_space<vmem>>, vector<16xf32>,
          %max3A_442 = arith.maximumf %while3A_386, %get3A_441 : vector<16xf32>
          %get3A_443 = arith.index_cast %while3A_104 : i32 to index
          %get3A_444 = arith.index_cast %while3A_376 : i32 to index
          %get3A_445 = arith.constant 32 : index
          %get3A_446 = tpu.vector_load %arg5[%get3A_443, %get3A_444, %get3A_445] {strides = array<i32>} : memref<3x256x128xf32, #tpu.memory_space<vmem>>, vector<16xf32>,
          %max3A_447 = arith.maximumf %while3A_387, %get3A_446 : vector<16xf32>
          %get3A_448 = arith.index_cast %while3A_104 : i32 to index
          %get3A_449 = arith.index_cast %while3A_376 : i32 to index
          %get3A_450 = arith.constant 48 : index
          %get3A_451 = tpu.vector_load %arg5[%get3A_448, %get3A_449, %get3A_450] {strides = array<i32>} : memref<3x256x128xf32, #tpu.memory_space<vmem>>, vector<16xf32>,
          %max3A_452 = arith.maximumf %while3A_388, %get3A_451 : vector<16xf32>
          %get3A_453 = arith.index_cast %while3A_104 : i32 to index
          %get3A_454 = arith.index_cast %while3A_376 : i32 to index
          %get3A_455 = arith.constant 64 : index
          %get3A_456 = tpu.vector_load %arg5[%get3A_453, %get3A_454, %get3A_455] {strides = array<i32>} : memref<3x256x128xf32, #tpu.memory_space<vmem>>, vector<16xf32>,
          %max3A_457 = arith.maximumf %while3A_389, %get3A_456 : vector<16xf32>
          %get3A_458 = arith.index_cast %while3A_104 : i32 to index
          %get3A_459 = arith.index_cast %while3A_376 : i32 to index
          %get3A_460 = arith.constant 80 : index
          %get3A_461 = tpu.vector_load %arg5[%get3A_458, %get3A_459, %get3A_460] {strides = array<i32>} : memref<3x256x128xf32, #tpu.memory_space<vmem>>, vector<16xf32>,
          %max3A_462 = arith.maximumf %while3A_390, %get3A_461 : vector<16xf32>
          %get3A_463 = arith.index_cast %while3A_104 : i32 to index
          %get3A_464 = arith.index_cast %while3A_376 : i32 to index
          %get3A_465 = arith.constant 96 : index
          %get3A_466 = tpu.vector_load %arg5[%get3A_463, %get3A_464, %get3A_465] {strides = array<i32>} : memref<3x256x128xf32, #tpu.memory_space<vmem>>, vector<16xf32>,
          %max3A_467 = arith.maximumf %while3A_391, %get3A_466 : vector<16xf32>
          %get3A_468 = arith.index_cast %while3A_104 : i32 to index
          %get3A_469 = arith.index_cast %while3A_376 : i32 to index
          %get3A_470 = arith.constant 112 : index
          %get3A_471 = tpu.vector_load %arg5[%get3A_468, %get3A_469, %get3A_470] {strides = array<i32>} : memref<3x256x128xf32, #tpu.memory_space<vmem>>, vector<16xf32>,
          %max3A_472 = arith.maximumf %while3A_392, %get3A_471 : vector<16xf32>
          scf.yield %add3A_397, %add3A_402, %add3A_407, %add3A_412, %add3A_417, %add3A_422, %add3A_427, %add3A_432, %max3A_437, %max3A_442, %max3A_447, %max3A_452, %max3A_457, %max3A_462, %max3A_467, %max3A_472 : vector<16xf32>, vector<16xf32>, vector<16xf32>, vector<16xf32>, vector<16xf32>, vector<16xf32>, vector<16xf32>, vector<16xf32>, vector<16xf32>, vector<16xf32>, vector<16xf32>, vector<16xf32>, vector<16xf32>, vector<16xf32>, vector<16xf32>, vector<16xf32>
        }
        %le3A_353 = arith.cmpi sle, %squeeze3A_340, %min3A_137 : i32
        %convert_element_type3A_354 = arith.extui %le3A_353 : i1 to i32
        %cond3A_355 = arith.constant 0 : i32
        %cond3A_356 = arith.cmpi ne, %convert_element_type3A_354, %cond3A_355 : i32
        scf.if %cond3A_356 {
          %swap3A_376 = arith.index_cast %while3A_318 : i32 to index
          %swap3A_377 = arith.constant 0 : index
          %swap3A_378 = tpu.vector_load %arg10[%swap3A_376, %swap3A_377] {strides = array<i32>} : memref<32x256xf32, #tpu.memory_space<vmem>>, vector<16xf32>,
          tpu.vector_store %arg10[%swap3A_376, %swap3A_377], %while3A_352#0 {strides = array<i32>} : memref<32x256xf32, #tpu.memory_space<vmem>>, vector<16xf32>,
          %swap3A_379 = arith.index_cast %while3A_318 : i32 to index
          %swap3A_380 = arith.constant 128 : index
          %swap3A_381 = tpu.vector_load %arg10[%swap3A_379, %swap3A_380] {strides = array<i32>} : memref<32x256xf32, #tpu.memory_space<vmem>>, vector<16xf32>,
          tpu.vector_store %arg10[%swap3A_379, %swap3A_380], %while3A_352#8 {strides = array<i32>} : memref<32x256xf32, #tpu.memory_space<vmem>>, vector<16xf32>,
          %swap3A_382 = arith.index_cast %while3A_318 : i32 to index
          %swap3A_383 = arith.constant 16 : index
          %swap3A_384 = tpu.vector_load %arg10[%swap3A_382, %swap3A_383] {strides = array<i32>} : memref<32x256xf32, #tpu.memory_space<vmem>>, vector<16xf32>,
          tpu.vector_store %arg10[%swap3A_382, %swap3A_383], %while3A_352#1 {strides = array<i32>} : memref<32x256xf32, #tpu.memory_space<vmem>>, vector<16xf32>,
          %swap3A_385 = arith.index_cast %while3A_318 : i32 to index
          %swap3A_386 = arith.constant 144 : index
          %swap3A_387 = tpu.vector_load %arg10[%swap3A_385, %swap3A_386] {strides = array<i32>} : memref<32x256xf32, #tpu.memory_space<vmem>>, vector<16xf32>,
          tpu.vector_store %arg10[%swap3A_385, %swap3A_386], %while3A_352#9 {strides = array<i32>} : memref<32x256xf32, #tpu.memory_space<vmem>>, vector<16xf32>,
          %swap3A_388 = arith.index_cast %while3A_318 : i32 to index
          %swap3A_389 = arith.constant 32 : index
          %swap3A_390 = tpu.vector_load %arg10[%swap3A_388, %swap3A_389] {strides = array<i32>} : memref<32x256xf32, #tpu.memory_space<vmem>>, vector<16xf32>,
          tpu.vector_store %arg10[%swap3A_388, %swap3A_389], %while3A_352#2 {strides = array<i32>} : memref<32x256xf32, #tpu.memory_space<vmem>>, vector<16xf32>,
          %swap3A_391 = arith.index_cast %while3A_318 : i32 to index
          %swap3A_392 = arith.constant 160 : index
          %swap3A_393 = tpu.vector_load %arg10[%swap3A_391, %swap3A_392] {strides = array<i32>} : memref<32x256xf32, #tpu.memory_space<vmem>>, vector<16xf32>,
          tpu.vector_store %arg10[%swap3A_391, %swap3A_392], %while3A_352#10 {strides = array<i32>} : memref<32x256xf32, #tpu.memory_space<vmem>>, vector<16xf32>,
          %swap3A_394 = arith.index_cast %while3A_318 : i32 to index
          %swap3A_395 = arith.constant 48 : index
          %swap3A_396 = tpu.vector_load %arg10[%swap3A_394, %swap3A_395] {strides = array<i32>} : memref<32x256xf32, #tpu.memory_space<vmem>>, vector<16xf32>,
          tpu.vector_store %arg10[%swap3A_394, %swap3A_395], %while3A_352#3 {strides = array<i32>} : memref<32x256xf32, #tpu.memory_space<vmem>>, vector<16xf32>,
          %swap3A_397 = arith.index_cast %while3A_318 : i32 to index
          %swap3A_398 = arith.constant 176 : index
          %swap3A_399 = tpu.vector_load %arg10[%swap3A_397, %swap3A_398] {strides = array<i32>} : memref<32x256xf32, #tpu.memory_space<vmem>>, vector<16xf32>,
          tpu.vector_store %arg10[%swap3A_397, %swap3A_398], %while3A_352#11 {strides = array<i32>} : memref<32x256xf32, #tpu.memory_space<vmem>>, vector<16xf32>,
          %swap3A_400 = arith.index_cast %while3A_318 : i32 to index
          %swap3A_401 = arith.constant 64 : index
          %swap3A_402 = tpu.vector_load %arg10[%swap3A_400, %swap3A_401] {strides = array<i32>} : memref<32x256xf32, #tpu.memory_space<vmem>>, vector<16xf32>,
          tpu.vector_store %arg10[%swap3A_400, %swap3A_401], %while3A_352#4 {strides = array<i32>} : memref<32x256xf32, #tpu.memory_space<vmem>>, vector<16xf32>,
          %swap3A_403 = arith.index_cast %while3A_318 : i32 to index
          %swap3A_404 = arith.constant 192 : index
          %swap3A_405 = tpu.vector_load %arg10[%swap3A_403, %swap3A_404] {strides = array<i32>} : memref<32x256xf32, #tpu.memory_space<vmem>>, vector<16xf32>,
          tpu.vector_store %arg10[%swap3A_403, %swap3A_404], %while3A_352#12 {strides = array<i32>} : memref<32x256xf32, #tpu.memory_space<vmem>>, vector<16xf32>,
          %swap3A_406 = arith.index_cast %while3A_318 : i32 to index
          %swap3A_407 = arith.constant 80 : index
          %swap3A_408 = tpu.vector_load %arg10[%swap3A_406, %swap3A_407] {strides = array<i32>} : memref<32x256xf32, #tpu.memory_space<vmem>>, vector<16xf32>,
          tpu.vector_store %arg10[%swap3A_406, %swap3A_407], %while3A_352#5 {strides = array<i32>} : memref<32x256xf32, #tpu.memory_space<vmem>>, vector<16xf32>,
          %swap3A_409 = arith.index_cast %while3A_318 : i32 to index
          %swap3A_410 = arith.constant 208 : index
          %swap3A_411 = tpu.vector_load %arg10[%swap3A_409, %swap3A_410] {strides = array<i32>} : memref<32x256xf32, #tpu.memory_space<vmem>>, vector<16xf32>,
          tpu.vector_store %arg10[%swap3A_409, %swap3A_410], %while3A_352#13 {strides = array<i32>} : memref<32x256xf32, #tpu.memory_space<vmem>>, vector<16xf32>,
          %swap3A_412 = arith.index_cast %while3A_318 : i32 to index
          %swap3A_413 = arith.constant 96 : index
          %swap3A_414 = tpu.vector_load %arg10[%swap3A_412, %swap3A_413] {strides = array<i32>} : memref<32x256xf32, #tpu.memory_space<vmem>>, vector<16xf32>,
          tpu.vector_store %arg10[%swap3A_412, %swap3A_413], %while3A_352#6 {strides = array<i32>} : memref<32x256xf32, #tpu.memory_space<vmem>>, vector<16xf32>,
          %swap3A_415 = arith.index_cast %while3A_318 : i32 to index
          %swap3A_416 = arith.constant 224 : index
          %swap3A_417 = tpu.vector_load %arg10[%swap3A_415, %swap3A_416] {strides = array<i32>} : memref<32x256xf32, #tpu.memory_space<vmem>>, vector<16xf32>,
          tpu.vector_store %arg10[%swap3A_415, %swap3A_416], %while3A_352#14 {strides = array<i32>} : memref<32x256xf32, #tpu.memory_space<vmem>>, vector<16xf32>,
          %swap3A_418 = arith.index_cast %while3A_318 : i32 to index
          %swap3A_419 = arith.constant 112 : index
          %swap3A_420 = tpu.vector_load %arg10[%swap3A_418, %swap3A_419] {strides = array<i32>} : memref<32x256xf32, #tpu.memory_space<vmem>>, vector<16xf32>,
          tpu.vector_store %arg10[%swap3A_418, %swap3A_419], %while3A_352#7 {strides = array<i32>} : memref<32x256xf32, #tpu.memory_space<vmem>>, vector<16xf32>,
          %swap3A_421 = arith.index_cast %while3A_318 : i32 to index
          %swap3A_422 = arith.constant 240 : index
          %swap3A_423 = tpu.vector_load %arg10[%swap3A_421, %swap3A_422] {strides = array<i32>} : memref<32x256xf32, #tpu.memory_space<vmem>>, vector<16xf32>,
          tpu.vector_store %arg10[%swap3A_421, %swap3A_422], %while3A_352#15 {strides = array<i32>} : memref<32x256xf32, #tpu.memory_space<vmem>>, vector<16xf32>,
        } else {
        }
        %add3A_357 = arith.constant 1 : i32
        %add3A_358 = arith.addi %while3A_318, %add3A_357 : i32
        %select_n3A_359 = arith.select %le3A_353, %add3A_358, %while3A_318 : i32
        %select_n3A_360 = arith.select %le3A_353, %broadcast_in_dim3A_53, %while3A_352#0 : vector<16xf32>
        %select_n3A_361 = arith.select %le3A_353, %broadcast_in_dim3A_53, %while3A_352#1 : vector<16xf32>
        %select_n3A_362 = arith.select %le3A_353, %broadcast_in_dim3A_53, %while3A_352#2 : vector<16xf32>
        %select_n3A_363 = arith.select %le3A_353, %broadcast_in_dim3A_53, %while3A_352#3 : vector<16xf32>
        %select_n3A_364 = arith.select %le3A_353, %broadcast_in_dim3A_53, %while3A_352#4 : vector<16xf32>
        %select_n3A_365 = arith.select %le3A_353, %broadcast_in_dim3A_53, %while3A_352#5 : vector<16xf32>
        %select_n3A_366 = arith.select %le3A_353, %broadcast_in_dim3A_53, %while3A_352#6 : vector<16xf32>
        %select_n3A_367 = arith.select %le3A_353, %broadcast_in_dim3A_53, %while3A_352#7 : vector<16xf32>
        %select_n3A_368 = arith.select %le3A_353, %broadcast_in_dim3A_55, %while3A_352#8 : vector<16xf32>
        %select_n3A_369 = arith.select %le3A_353, %broadcast_in_dim3A_55, %while3A_352#9 : vector<16xf32>
        %select_n3A_370 = arith.select %le3A_353, %broadcast_in_dim3A_55, %while3A_352#10 : vector<16xf32>
        %select_n3A_371 = arith.select %le3A_353, %broadcast_in_dim3A_55, %while3A_352#11 : vector<16xf32>
        %select_n3A_372 = arith.select %le3A_353, %broadcast_in_dim3A_55, %while3A_352#12 : vector<16xf32>
        %select_n3A_373 = arith.select %le3A_353, %broadcast_in_dim3A_55, %while3A_352#13 : vector<16xf32>
        %select_n3A_374 = arith.select %le3A_353, %broadcast_in_dim3A_55, %while3A_352#14 : vector<16xf32>
        %select_n3A_375 = arith.select %le3A_353, %broadcast_in_dim3A_55, %while3A_352#15 : vector<16xf32>
        scf.yield %select_n3A_359, %sub3A_342, %select_n3A_360, %select_n3A_361, %select_n3A_362, %select_n3A_363, %select_n3A_364, %select_n3A_365, %select_n3A_366, %select_n3A_367, %select_n3A_368, %select_n3A_369, %select_n3A_370, %select_n3A_371, %select_n3A_372, %select_n3A_373, %select_n3A_374, %select_n3A_375 : i32, i32, vector<16xf32>, vector<16xf32>, vector<16xf32>, vector<16xf32>, vector<16xf32>, vector<16xf32>, vector<16xf32>, vector<16xf32>, vector<16xf32>, vector<16xf32>, vector<16xf32>, vector<16xf32>, vector<16xf32>, vector<16xf32>, vector<16xf32>, vector<16xf32>
      }
      %eq3A_311 = arith.constant 2 : i32
      %eq3A_312 = arith.cmpi eq, %while3A_104, %eq3A_311 : i32
      %add3A_313 = arith.constant 1 : i32
      %add3A_314 = arith.addi %while3A_104, %add3A_313 : i32
      %jit3A_315 = arith.constant 0 : i32
      %select_n3A_316 = arith.select %eq3A_312, %jit3A_315, %add3A_314 : i32
      scf.yield %while3A_310#0, %select_n3A_316, %while3A_310#2, %while3A_310#3, %while3A_310#4, %while3A_310#5, %while3A_310#6, %while3A_310#7, %while3A_310#8, %while3A_310#9, %while3A_310#10, %while3A_310#11, %while3A_310#12, %while3A_310#13, %while3A_310#14, %while3A_310#15, %while3A_310#16, %while3A_310#17 : i32, i32, vector<16xf32>, vector<16xf32>, vector<16xf32>, vector<16xf32>, vector<16xf32>, vector<16xf32>, vector<16xf32>, vector<16xf32>, vector<16xf32>, vector<16xf32>, vector<16xf32>, vector<16xf32>, vector<16xf32>, vector<16xf32>, vector<16xf32>, vector<16xf32>
    }
    "tpu.region"() ({
      %run_scoped3A = tpu.sem_alloc : memref<!tpu.dma_semaphore, #tpu.memory_space<semaphore_mem>>
      %dma_start3A_102 = arith.constant 0 : i32
      %dma_start3A_103 = tpu.memref_slice %arg4[%mul3A_2, %dma_start3A_102] : memref<1024x256xf32, #tpu.memory_space<hbm>> -> memref<32x256xf32, #tpu.memory_space<hbm>>
      %dma_start3A_104 = arith.constant 0 : i32
      %dma_start3A_105 = tpu.memref_slice %arg4[%mul3A_2, %dma_start3A_104] : memref<1024x256xf32, #tpu.memory_space<hbm>> -> memref<32x256xf32, #tpu.memory_space<hbm>>
      tpu.enqueue_dma source(%arg10 : memref<32x256xf32, #tpu.memory_space<vmem>>) target(%dma_start3A_105 : memref<32x256xf32, #tpu.memory_space<hbm>>) target_semaphore(%run_scoped3A : memref<!tpu.dma_semaphore, #tpu.memory_space<semaphore_mem>>)
      %dma_wait3A_106 = arith.constant 0 : i32
      %dma_wait3A_107 = tpu.memref_slice %arg4[%mul3A_2, %dma_wait3A_106] : memref<1024x256xf32, #tpu.memory_space<hbm>> -> memref<32x256xf32, #tpu.memory_space<hbm>>
      %dma_wait3A_108 = arith.constant 0 : i32
      %dma_wait3A_109 = tpu.memref_slice %arg4[%mul3A_2, %dma_wait3A_108] : memref<1024x256xf32, #tpu.memory_space<hbm>> -> memref<32x256xf32, #tpu.memory_space<hbm>>
      tpu.wait_dma2 semaphore(%run_scoped3A : memref<!tpu.dma_semaphore, #tpu.memory_space<semaphore_mem>>) src(%arg10 : memref<32x256xf32, #tpu.memory_space<vmem>>) dst(%dma_wait3A_109 : memref<32x256xf32, #tpu.memory_space<hbm>>)
      tpu.yield
    }) : () -> ()
    return
  }
}

</mosaic_0001>

<sc_bundles>
// kernel: _graph_gather.3.cloned.1.call-start
scs
__scs_entry_jumppad:
0x0: {  	(pc) =	sbr.rel $0x88, $3  }
0x1: {  	(tag) =	ssettag $0x0;
	lr =	simm.s32 $0x1  }
0x2: {  	[smem:$0x3F9F] =	sst lr;
	_ =	strace $0xD0000000  }
0x3: {  	_ = 	snop  }
0x4: {  	_ = 	snop  }
0x5: {  	_ = 	snop  }
0x6: {  	_ = 	snop  }
0x7: {  	_ = 	snop  }
__scs_overlays_trampoline_lowered:
0x8: {  	[smem:$0x3FAE] =	sst s0  }
0x9: {  	[smem:$0x3FAF] =	sst s1  }
0xa: {  	[smem:$0x3FB0] =	sst s2  }
0xb: {  	[smem:$0x3FB1] =	sst s3  }
0xc: {  	[smem:$0x3FB2] =	sst s4  }
0xd: {  	[smem:$0x3FB3] =	sst s5  }
0xe: {  	[smem:$0x3FB4] =	sst s6  }
0xf: {  	[smem:$0x3FB5] =	sst s7  }
0x10: {  	[smem:$0x3FB6] =	sst s8  }
0x11: {  	[smem:$0x3FB7] =	sst s9;
	s0 =	simm.s32 @!p0 $0x0  }
0x12: {  	s1 =	sld [smem:$0x3F9D];
	s0 =	simm.s32 @p0 $0x1  }
0x13: {  	[smem:$0x3FB8] =	sst s0;
	s0 =	simm.s32 @!p1 $0x0  }
0x14: {  	s2 =	sld [smem:$0x3F9C];
	s0 =	simm.s32 @p1 $0x1  }
0x15: {  	[smem:$0x3FB9] =	sst s0;
	s0 =	simm.s32 @!p2 $0x0  }
0x16: {  	s3 =	sld [smem:$0x3FDB];
	s0 =	simm.s32 @p2 $0x1  }
0x17: {  	s4 =	simm.s32 $0x1BF5;
	[smem:$0x3FBB] =	sst s0  }
0x18: {  	s0 =	sld [smem:$0x3F9E];
	_ =	swait.ge [sflag:s4], $0x0  }
0x19: {  	s7 =	sld [smem:$0x3F9F]  }
0x1a: {  	s8 =	sadd.s32 $0xFFFFE003, lr  }
0x1b: {  	s9 =	sadd.s32 $0xFFFFFEF7, lr;
	s5 =	simm.s32 $0xFFFFFFFF;
	p2 =	slt.u32 s8, $0xFFFFF086  }
0x1c: {  	p1 =	slt.u32 s9, $0xF7A;
	s5 =	simm.s32 @!p2 $0x0  }
0x1d: {  	s5 =	simm.s32 @p1 $0x1;
	p0 =	seq.s32 s7, s2  }
0x1e: {  	s7 =	smul.u32 @!p0 $0xF7A, s2;
	p2 =	seq.s32 @!p0 s5, $0x0  }
0x1f: {  	s9 =	smul.u32 $0xF7A, s1;
	s8 =	simm.s32 @!p0 $0x1BF5;
	p2 =	por !p2, p0  }
0x20: {  	[sflag:s8] =	ssyncset.s32 @!p0 $0xFFFFF086;
	s6 =	sadd.s32 @!p0 s3, s7;
	s7 =	simm.s32 @!p0 $0x108  }
0x21: {  	s3 =	sadd.s32 s3, s9;
	s6 =	sadd.s32 @!p0 $0x88, s6;
	s7 =	simm.s32 @p2 $0x1082  }
0x22: {  	[simem:s7], [sflag:s8] =	dma.local @!p0 [hbm:s6], $0xF7A  }
0x23: {  	s9 =	sor.u32 $0xD0000000, s2;
	s6 =	simm.s32 $0x108;
	_ =	swait.ge @!p0 [sflag:s8], $0x0  }
0x24: {  	s3 =	sadd.s32 $0x88, s3;
	s6 =	simm.s32 @!p1 $0x1082;
	[sflag:s4] =	ssyncset.s32 $0xFFFFF086  }
0x25: {  	[simem:s6], [sflag:s4] =	dma.local [hbm:s3], $0xF7A  }
0x26: {  	[smem:$0x3F9F] =	sst s1;
	(tag) =	ssettag s2;
	_ =	strace s9  }
0x27: {  	s1 =	sld [smem:$0x3FAF]  }
0x28: {  	s2 =	sld [smem:$0x3FB0]  }
0x29: {  	s4 =	sld [smem:$0x3FB2]  }
0x2a: {  	p0 =	seq.s32 s5, $0x0;
	s5 =	sld [smem:$0x3FB3]  }
0x2b: {  	s6 =	sld [smem:$0x3FB4]  }
0x2c: {  	s7 =	sld [smem:$0x3FB5]  }
0x2d: {  	s3 =	simm.s32 $0x108;
	s8 =	sld [smem:$0x3FB6]  }
0x2e: {  	s3 =	simm.s32 @!p0 $0x1082;
	s9 =	sld [smem:$0x3FB7]  }
0x2f: {  	lr =	sadd.s32 s0, s3;
	s0 =	sld [smem:$0x3FAE]  }
0x30: {  	s3 =	sld [smem:$0x3FB1]  }
0x31: {  	[smem:$0x3FBA] =	sst s10  }
0x32: {  	s10 =	sld [smem:$0x3FB8];
	_ =	sdelay $0x3  }
0x33: {  	p0 =	seq.s32 s10, $0x1;
	s10 =	sld [smem:$0x3FBA];
	_ =	sdelay $0x3  }
0x34: {  	[smem:$0x3FBA] =	sst s10  }
0x35: {  	s10 =	sld [smem:$0x3FB9];
	_ =	sdelay $0x3  }
0x36: {  	p1 =	seq.s32 s10, $0x1;
	s10 =	sld [smem:$0x3FBA];
	_ =	sdelay $0x3  }
0x37: {  	[smem:$0x3FBA] =	sst s10  }
0x38: {  	s10 =	sld [smem:$0x3FBB]  }
0x39: {  	_ = 	snop;
	(pc) =	sbr.ind lr, $3  }
0x3a: {  	_ = 	snop  }
0x3b: {  	_ = 	snop  }
0x3c: {  	p2 =	seq.s32 s10, $0x1;
	s10 =	sld [smem:$0x3FBA]  }
0x3d: {  	_ =	shalt  }
0x3e: {  	_ =	shalt  }
0x3f: {  	_ =	shalt  }
0x40: {  	_ =	shalt  }
0x41: {  	_ =	shalt  }
0x42: {  	_ =	shalt  }
0x43: {  	_ =	shalt  }
0x44: {  	_ =	shalt  }
0x45: {  	_ =	shalt  }
0x46: {  	_ =	shalt  }
0x47: {  	_ =	shalt  }
0x48: {  	_ =	shalt  }
0x49: {  	_ =	shalt  }
0x4a: {  	_ =	shalt  }
0x4b: {  	_ =	shalt  }
0x4c: {  	_ =	shalt  }
0x4d: {  	_ =	shalt  }
0x4e: {  	_ =	shalt  }
0x4f: {  	_ =	shalt  }
0x50: {  	_ =	shalt  }
0x51: {  	_ =	shalt  }
0x52: {  	_ =	shalt  }
0x53: {  	_ =	shalt  }
0x54: {  	_ =	shalt  }
0x55: {  	_ =	shalt  }
0x56: {  	_ =	shalt  }
0x57: {  	_ =	shalt  }
0x58: {  	_ =	shalt  }
0x59: {  	_ =	shalt  }
0x5a: {  	_ =	shalt  }
0x5b: {  	_ =	shalt  }
0x5c: {  	_ =	shalt  }
0x5d: {  	_ =	shalt  }
0x5e: {  	_ =	shalt  }
0x5f: {  	_ =	shalt  }
0x60: {  	_ =	shalt  }
0x61: {  	_ =	shalt  }
0x62: {  	_ =	shalt  }
0x63: {  	_ =	shalt  }
0x64: {  	_ =	shalt  }
0x65: {  	_ =	shalt  }
0x66: {  	_ =	shalt  }
0x67: {  	_ =	shalt  }
0x68: {  	_ =	shalt  }
0x69: {  	_ =	shalt  }
0x6a: {  	_ =	shalt  }
0x6b: {  	_ =	shalt  }
0x6c: {  	_ =	shalt  }
0x6d: {  	_ =	shalt  }
0x6e: {  	_ =	shalt  }
0x6f: {  	_ =	shalt  }
0x70: {  	_ =	shalt  }
0x71: {  	_ =	shalt  }
0x72: {  	_ =	shalt  }
0x73: {  	_ =	shalt  }
0x74: {  	_ =	shalt  }
0x75: {  	_ =	shalt  }
0x76: {  	_ =	shalt  }
0x77: {  	_ =	shalt  }
0x78: {  	_ =	shalt  }
0x79: {  	_ =	shalt  }
0x7a: {  	_ =	shalt  }
0x7b: {  	_ =	shalt  }
0x7c: {  	_ =	shalt  }
0x7d: {  	_ =	shalt  }
0x7e: {  	_ =	shalt  }
0x7f: {  	_ =	shalt  }
0x80: {  	_ =	shalt  }
0x81: {  	_ =	shalt  }
0x82: {  	_ =	shalt  }
0x83: {  	_ =	shalt  }
0x84: {  	_ =	shalt  }
0x85: {  	_ =	shalt  }
0x86: {  	_ =	shalt  }
0x87: {  	_ =	shalt  }
.Lfunc_end0:
.L_simem_size_0:
called_computation_lowered:
.L_overlay_start_0:
0x88: {  	s2 =	sld [smem:$0x3FD9]  }
0x89: {  	s3 =	sld [smem:$0x3FFE];
	_ =	sdelay $0x1  }
0x8a: {  	s1 =	srdreg.scid  }
0x8b: {  	s0 =	sand.u32 $0x1, s1  }
0x8c: {  	s17 =	sshll.u32 s0, $0xA;
	s2 =	sadd.s32 s3, s2  }
0x8d: {  	s2 =	sadd.s32 s2, s17  }
0x8e: {  	[smem:$0x3FC6] =	sst s2  }
0x8f: {  	_ = 	snop  }
0x90: {  	s2 =	sld [smem:$0x3FC9]  }
0x91: {  	s18 =	sld [smem:$0x3FC8];
	(tm) =	ssettm $0x1  }
0x92: {  	s4 =	sld [smem:$0x3FFB];
	_ =	sdelay $0x3  }
0x93: {  	_ =	strace s4  }
0x94: {  	s4 =	sld [smem:$0x3FFC];
	_ =	sdelay $0x3  }
0x95: {  	_ =	strace s4  }
0x96: {  	s4 =	sld [smem:$0x3FFD];
	_ =	sdelay $0x3  }
0x97: {  	_ =	strace s4  }
0x98: {  	_ =	strace $0x8FFFFFFF  }
0x99: {  	s19 =	sld [smem:$0x3FDB];
	_ =	sdelay $0x1  }
0x9a: {  	s5 =	simm.s32 $_scs_section_size  }
0x9b: {  	s6 =	simm.s32 $_size__tile_overlayer_lowered;
	s7 =	simm.s32 $_tile_overlayer_lowered  }
0x9c: {  	s22 =	simm.s32 $0x1BFF;
	s21 =	sshll.u32 s7, $0x1;
	s4 =	sadd.s32 s5, s19  }
0x9d: {  	s8 =	simm.s32 $0x0;
	s20 =	sshll.u32 s6, $0x1;
	s6 =	sadd.s32 s21, s4  }
0x9e: {  	[timem:s8], [sflag:s22] =	dma.local [hbm:s6], s20  }
0x9f: {  	_ =	swait.ge [sflag:s22], s20  }
0xa0: {  	s5 =	ssub.s32 $0x0, s20;
	[sflag:s22] =	ssyncset.done $0x0  }
0xa1: {  	[sflag:s22] =	ssyncadd.s32 s5;
	_ =	sdelay $0x1  }
0xa2: {  	s23 =	simm.s32 $0x1B8B  }
0xa3: {  	_ =	swait.ge [sflag:s23], $0x1  }
0xa4: {  	[sflag:s23] =	ssyncset.done $0x0  }
0xa5: {  	s25 =	simm.s32 $0x1B8E;
	s24 =	sld [smem:$0x3FFE];
	[sflag:s23] =	ssyncadd.s32 $0xFFFFFFFF  }
0xa6: {  	s26 =	simm.s32 $execute0_lowered;
	[smem:$0x3FD2] =	sst s25  }
0xa7: {  	s6 =	sshll.u32 s26, $0x1;
	_ =	strace $0x80000046;
	[dreg:$0x1] =	wrdreg $0xFFFFFFFF  }
0xa8: {  	s28 =	simm.s32 $_size_execute0_lowered;
	s4 =	sadd.s32 s4, s6;
	[dreg:$0x0] =	wrdreg $0x0  }
0xa9: {  	s6 =	sshll.u32 s28, $0x1;
	[dreg:$0x2] =	wrdreg s4  }
0xaa: {  	[dreg:$0x3] =	wrdreg s6  }
0xab: {  	[dreg:$0x4] =	wrdreg $0xC0  }
0xac: {  	_ =	task [dreg:s8], $0x5FFFF  }
0xad: {  	[dreg:$0x1] =	wrdreg $0xFFFFFFFF  }
0xae: {  	[dreg:$0x0] =	wrdreg $0x60  }
0xaf: {  	[dreg:$0x2] =	wrdreg s2  }
0xb0: {  	[dreg:$0x3] =	wrdreg s18  }
0xb1: {  	[dreg:$0x4] =	wrdreg s24  }
0xb2: {  	[dreg:$0x5] =	wrdreg $0x9  }
0xb3: {  	_ =	task.clear_ibuf [dreg:s8], $0x6FFFF;
	_ =	strace $0x90000046  }
0xb4: {  	s29 =	simm.s32 $0x9;
	_ =	strace $0x80000048  }
0xb5: {  	_ =	swait.ge [sflag:s29], $0x1  }
0xb6: {  	[sflag:s29] =	ssyncadd.s32 $0xFFFFFFFF  }
0xb7: {  	_ =	strace $0x90000048  }
0xb8: {  	_ =	sfence  }
0xb9: {  	s30 =	sld [smem:$0x0];
	_ =	sdelay $0x2  }
0xba: {  	s31 =	sshll.u32 s1, $0xD;
	s1 =	sshrl.u32 s1, $0x2  }
0xbb: {  	s3 =	sand.u32 $0x4000, s31;
	s1 =	sadd.s32 s1, s30  }
0xbc: {  	s0 =	sor.u32 s3, s0;
	s1 =	sshll.u32 s1, $0x11  }
0xbd: {  	s0 =	sor.u32 s1, s0  }
0xbe: {  	s0 =	sadd.s32 $0x8F2B, s0  }
0xbf: {  	[sflag:s0] =	ssyncadd.remote.s32 $0x1  }
0xc0: {  	_ =	sfence.sel $0xFFFF  }
0xc1: {  	[dreg:$0x0] =	wrdreg $0xFFFFFFFF;
	(pc) =	sbr.abs _section_cstart, $3  }
0xc2: {  	[dreg:$0x1] =	wrdreg $0xFFFFFFFF  }
0xc3: {  	_ =	task.clear_ibuf [dreg:s8], $0x2FFFF;
	_ =	strace $0x9FFFFFFF  }
0xc4: {  	(tm) =	ssettm $0x7FFFFFFF  }
0xc5: {  	_ =	shalt  }
tec
execute0_lowered:
.L_overlay_start_1:
0x0: {  	(tag) =	ssettag $0x1  }
0x1: {  	s2 =	rddreg [dreg:$0x0]  }
0x2: {  	s3 =	rddreg [dreg:$0x1]  }
0x3: {  	s0 =	srdreg.scid;
	s1 =	rddreg [dreg:$0x2]  }
0x4: {  	s4 =	stileid.u32;
	s8 =	simm.s32 $0x18370;
	s9 =	simm.s32 $0x7  }
0x5: {  	s10 =	simm.s32 $0x8;
	s12 =	simm.s32 $0x18380;
	s14 =	simm.s32 $0x9  }
0x6: {  	s15 =	simm.s32 $0x0;
	s0 =	sand.u32 $0x1, s0;
	s5 =	sshll.u32 s4, $0x6  }
.Ltmp0:
0x7: {  	v2 =	vlaneseq.u32;
	s4 =	simm.s32 $0x0;
	s6 =	sshll.u32 s0, $0x5;
	(pc) =	sbr.rel .LBB2_1-.Ltmp0, $4  }
0x8: {  	vm0 =	vmmov $0xffff;
	v3 =	vimm.s32 $0x0;
	v4 =	vimm.f32 $0.0e+00;
	s0 =	ssub.s32 $0x2, s0;
	[smem:$0x7FF] =	sst s4;
	s5 =	sor.u32 s6, s5  }
0x9: {  	v5 =	vimm.f32 $-Inf;
	v6 =	vimm.s32 $0x4E201;
	v7 =	vmul.u32 $0xFFFFFFFF, v2;
	s7 =	sshrl.u32 s0, $0x1;
	_ =	strace $0x80000047;
	s6 =	sshll.u32 s5, $0x5  }
0xa: {  	vm1 =	vcmask $0x300;
	vm2 =	vcmask $0x3F04;
	vm3 =	vmmov $0x1;
	s0 =	ssub.s32 s0, s7;
	s31 =	sadd.s32 $0x20, s5;
	s1 =	sadd.s32 s6, s1  }
0xb: {  	v7 =	vadd.s32 $0xF, v7;
	v0 =	vmov s5;
	s7 =	simm.s32 $0x18360;
	v1 =	vmov s31;
	s6 =	smax.u32 s0, $0x1;
	s5 =	sadd.s32 $0x400, s1  }
.LBB2_18:
0xc: {  	s15 =	sadd.s32 $0x1, s15  }
0xd: {  	p0 =	sne.s32 s15, s6  }
.Ltmp1:
0xe: {  	s0 =	simm.s32 $0x183B0;
	(pc) =	sbr.rel @!p0 .LBB2_19-.Ltmp1, $4  }
0xf: {  	[hbm4b:s5+s4] =	stream.linear.scatter [tilespmem:s0], [sflag:$0x9], $0x2000, $0x38;
	[tilespmem:$0x1A3B0] =	vst v63  }
0x10: {  	_ =	swait.ge [sflag:s14], $0x2000  }
0x11: {  	[sflag:s14] =	ssyncset.done $0x0  }
0x12: {  	[sflag:s14] =	ssyncadd.s32 $0xFFFFE000  }
.LBB2_1:
0x13: {  	s16 =	simm.s32 $0x4E20  }
0x14: {  	v8 =	vmul.u32 s16, v2;
	_ =	sdelay $0x1  }
0x15: {  	v9 =	vshra.s32 v8, $0x1F  }
0x16: {  	v9 =	vshrl.u32 v9, $0x1C  }
0x17: {  	v8 =	vadd.s32 v9, v8  }
0x18: {  	v8 =	vshra.s32 v8, $0x4  }
0x19: {  	v8 =	vadd.s32 s4, v8  }
0x1a: {  	vm4 =	vgt.s32 v8, $0x4E1F  }
0x1b: {  	v8 =	vsel vm4, $0x4E1F, v8  }
0x1c: {  	v8 =	vshll.u32 v8, $0x4;
	_ =	sdelay $0x4  }
0x1d: {  	[tilespmem:s7], [sflag:$0x7] =	stream.indirect_vreg.gather [hbm4b:s3+s4], $0x1, v8, vm0, $0xb8;
	[tilespmem:$0x1A3B0] =	vst v63  }
0x1e: {  	_ = 	snop  }
0x1f: {  	[tilespmem:s8], [sflag:$0x8] =	stream.indirect_vreg.gather [hbm4b:s3+s4], $0x1, v8, vm0, $0xb8;
	[tilespmem:$0x1A3B0] =	vst v63  }
0x20: {  	_ =	swait.ge [sflag:s9], $0x10  }
0x21: {  	[sflag:s9] =	ssyncset.done $0x0  }
0x22: {  	[sflag:s9] =	ssyncadd.s32 $0xFFFFFFF0  }
0x23: {  	_ =	swait.ge [sflag:s10], $0x10  }
0x24: {  	[sflag:s10] =	ssyncset.done $0x0  }
0x25: {  	[sflag:s10] =	ssyncadd.s32 $0xFFFFFFF0  }
0x26: {  	v8 =	vld [tilespmem:$0x18360]  }
0x27: {  	v62 =	vld [tilespmem:$0x18370];
	_ =	sdelay $0x3  }
0x28: {  	v8 =	vsel vm4, $0x400, v8  }
0x29: {  	vm5 =	vlt.s32 v8, v0;
	v8 =	vsel vm4, $0x400, v62  }
0x2a: {  	v63 =	vsel vm5, $0x1, v3;
	vm4 =	vlt.s32 v8, v1  }
0x2b: {  	v8 =	vsel vm4, $0x1, v3;
	(xrf0) =	vadd.scan.msk.s32 $0xffff, v63  }
0x2c: {  	(xrf0) =	vadd.scan.msk.s32 $0xffff, v8;
	_ =	sdelay $0x4  }
0x2d: {  	v8, _, _ =	vpop (xrf0)  }
0x2e: {  	s17 =	simm.s32 $0x4;
	s18 =	simm.s32 $0x4E20;
	(v2sf) =	vpush v8, $0xF;
	v8, _, _ =	vpop (xrf0)  }
0x2f: {  	s0 =	simm.s32 $0x0;
	s20 =	simm.s32 $0x0;
	s19 =	simm.s32 $0x0;
	(v2sf) =	vpush v8, $0xF  }
.LBB2_2:
0x30: {  	_ =	sdelay $0x9  }
0x31: {  	s1 =	smov.u32 s20;
	s11 =	smov.u32 s0  }
0x32: {  	p0 =	sne.s32 s17, $0x1;
	s17 =	sadd.s32 $0xFFFFFFFF, s17;
	_ =	sdelay $0x1  }
0x33: {  	s0 =	spop (v2sf)  }
0x34: {  	s13 =	sadd.s32 $0xFFFFFFFF, s0;
	s20 =	smul.u32 s16, s0;
	s21 =	spop (v2sf)  }
0x35: {  	p1 =	seq.s32 s0, $0x0;
	s22 =	sadd.s32 $0xFFFFFFFF, s21;
	s23 =	smul.u32 s18, s21  }
0x36: {  	p2 =	seq.s32 s21, $0x0;
	s24 =	sshra.s32 s20, $0x1F;
	s22 =	smul.u32 s18, s22  }
0x37: {  	p4 =	sgt.s32 s0, $0xF;
	s13 =	smul.u32 s16, s13;
	s0 =	sshra.s32 s23, $0x1F  }
0x38: {  	p3 =	sgt.s32 s21, $0xF;
	s25 =	sshra.s32 s22, $0x1F;
	s0 =	sshrl.u32 s0, $0x1C  }
0x39: {  	s21 =	sshra.s32 s13, $0x1F;
	s25 =	sshrl.u32 s25, $0x1C;
	s23 =	sadd.s32 s0, s23  }
0x3a: {  	s0 =	sshrl.u32 s21, $0x1C;
	s21 =	sshrl.u32 s24, $0x1C;
	s22 =	sadd.s32 s25, s22  }
0x3b: {  	s0 =	sadd.s32 s0, s13;
	s13 =	sadd.s32 s21, s20;
	s20 =	sshra.s32 s22, $0x4  }
0x3c: {  	s0 =	sshra.s32 s0, $0x4;
	s13 =	sshra.s32 s13, $0x4;
	s20 =	sadd.s32 s20, s11  }
0x3d: {  	s21 =	sadd.s32 s0, s1;
	s13 =	simm.s32 @p1 $0x0;
	s0 =	sadd.s32 $0x1, s20  }
0x3e: {  	s20 =	sadd.s32 $0x1, s21;
	s13 =	smov.u32 @p4 s16;
	s21 =	sshra.s32 s23, $0x4  }
0x3f: {  	s13 =	sadd.s32 s1, s13;
	s20 =	smov.u32 @p1 s1;
	s21 =	simm.s32 @p2 $0x0  }
0x40: {  	s0 =	smov.u32 @p2 s11;
	s16 =	ssub.s32 s13, s20;
	s21 =	smov.u32 @p3 s18  }
0x41: {  	v8 =	vmul.u32 s16, v2;
	s1 =	sadd.s32 s19, s21;
	s19 =	smov.u32 s0  }
0x42: {  	s18 =	ssub.s32 s1, s0  }
0x43: {  	v9 =	vshra.s32 v8, $0x1F;
	v10 =	vmul.u32 s18, v2  }
0x44: {  	v9 =	vshrl.u32 v9, $0x1C  }
0x45: {  	v8 =	vadd.s32 v9, v8;
	v9 =	vshra.s32 v10, $0x1F  }
0x46: {  	v8 =	vshra.s32 v8, $0x4;
	v9 =	vshrl.u32 v9, $0x1C  }
0x47: {  	v8 =	vadd.s32 s20, v8;
	v9 =	vadd.s32 v9, v10  }
0x48: {  	vm4 =	vgt.s32 v8, $0x4E1F;
	v9 =	vshra.s32 v9, $0x4  }
0x49: {  	v8 =	vsel vm4, $0x4E1F, v8;
	v9 =	vadd.s32 s0, v9  }
0x4a: {  	v8 =	vshll.u32 v8, $0x4;
	vm5 =	vgt.s32 v9, $0x4E1F  }
0x4b: {  	v9 =	vsel vm5, $0x4E1F, v9  }
0x4c: {  	v9 =	vshll.u32 v9, $0x4;
	_ =	sdelay $0x2  }
0x4d: {  	[tilespmem:s7], [sflag:$0x7] =	stream.indirect_vreg.gather [hbm4b:s3+s4], $0x1, v8, vm0, $0xb8;
	[tilespmem:$0x1A3B0] =	vst v63  }
0x4e: {  	_ = 	snop  }
0x4f: {  	[tilespmem:s8], [sflag:$0x8] =	stream.indirect_vreg.gather [hbm4b:s3+s4], $0x1, v9, vm0, $0xb8;
	[tilespmem:$0x1A3B0] =	vst v63  }
0x50: {  	_ =	swait.ge [sflag:s9], $0x10  }
0x51: {  	[sflag:s9] =	ssyncset.done $0x0  }
0x52: {  	[sflag:s9] =	ssyncadd.s32 $0xFFFFFFF0  }
0x53: {  	_ =	swait.ge [sflag:s10], $0x10  }
0x54: {  	[sflag:s10] =	ssyncset.done $0x0  }
0x55: {  	[sflag:s10] =	ssyncadd.s32 $0xFFFFFFF0  }
0x56: {  	v8 =	vld [tilespmem:$0x18360]  }
0x57: {  	v9 =	vld [tilespmem:$0x18370];
	_ =	sdelay $0x3  }
0x58: {  	v8 =	vsel vm4, $0x400, v8  }
0x59: {  	vm4 =	vlt.s32 v8, v0;
	v8 =	vsel vm5, $0x400, v9  }
0x5a: {  	v9 =	vsel vm4, $0x1, v3;
	vm4 =	vlt.s32 v8, v1  }
0x5b: {  	v8 =	vsel vm4, $0x1, v3;
	(xrf0) =	vadd.scan.msk.s32 $0xffff, v9  }
0x5c: {  	(xrf0) =	vadd.scan.msk.s32 $0xffff, v8;
	_ =	sdelay $0x2  }
.Ltmp2:
0x5d: {  	(pc) =	sbr.rel @p0 .LBB2_2-.Ltmp2, $4  }
0x5e: {  	_ = 	snop  }
0x5f: {  	v8, _, _ =	vpop (xrf0)  }
0x60: {  	(v2sf) =	vpush v8, $0xF;
	v8, _, _ =	vpop (xrf0)  }
0x61: {  	(v2sf) =	vpush v8, $0xF  }
0x62: {  	_ =	sdelay $0xc  }
0x63: {  	s1 =	spop (v2sf)  }
0x64: {  	s11 =	sadd.s32 $0xFFFFFFFF, s1;
	s13 =	spop (v2sf)  }
0x65: {  	s11 =	smul.u32 s16, s11;
	s26 =	sadd.s32 $0xFFFFFFFF, s13  }
0x66: {  	s16 =	smul.u32 s18, s26  }
0x67: {  	s17 =	sshra.s32 s11, $0x1F  }
0x68: {  	s17 =	sshrl.u32 s17, $0x1C;
	s28 =	sshra.s32 s16, $0x1F  }
0x69: {  	s11 =	sadd.s32 s17, s11;
	s17 =	sshrl.u32 s28, $0x1C  }
0x6a: {  	s11 =	sshra.s32 s11, $0x4;
	s16 =	sadd.s32 s17, s16  }
0x6b: {  	s11 =	sadd.s32 s11, s20;
	s29 =	sshra.s32 s16, $0x4  }
0x6c: {  	p0 =	seq.s32 s1, $0x0;
	s11 =	sadd.s32 $0x1, s11;
	s1 =	sadd.s32 s29, s0  }
0x6d: {  	s11 =	smov.u32 @p0 s20;
	p0 =	seq.s32 s13, $0x0;
	s1 =	sadd.s32 $0x1, s1  }
0x6e: {  	s11 =	sadd.s32 $0xFFFFFFFF, s11;
	s1 =	smov.u32 @p0 s0  }
0x6f: {  	p0 =	sgt.s32 s11, $0x0;
	s1 =	sadd.s32 $0xFFFFFFFF, s1  }
0x70: {  	s11 =	simm.s32 @!p0 $0x0;
	p0 =	sgt.s32 s1, $0x0  }
0x71: {  	s0 =	sshll.u32 s11, $0x4;
	s1 =	simm.s32 @!p0 $0x0  }
0x72: {  	s11 =	sshrl.u32 s0, $0x3;
	s1 =	sshll.u32 s1, $0x4  }
0x73: {  	s30 =	simm.s32 $0x0;
	s11 =	sadd.s32 s3, s11;
	s31 =	sshrl.u32 s1, $0x3  }
0x74: {  	[tilespmem:s7], [sflag:$0x7] =	stream.linear.gather [hbm4b:s11+s30], $0x10, $0x38;
	[tilespmem:$0x1A3B0] =	vst v63  }
0x75: {  	s11 =	sadd.s32 s3, s31  }
0x76: {  	[tilespmem:s8], [sflag:$0x8] =	stream.linear.gather [hbm4b:s11+s30], $0x10, $0x38;
	[tilespmem:$0x1A3B0] =	vst v63  }
0x77: {  	_ =	swait.ge [sflag:s9], $0x10  }
0x78: {  	[sflag:s9] =	ssyncset.done $0x0  }
0x79: {  	[sflag:s9] =	ssyncadd.s32 $0xFFFFFFF0  }
0x7a: {  	_ =	swait.ge [sflag:s10], $0x10  }
0x7b: {  	[sflag:s10] =	ssyncset.done $0x0  }
0x7c: {  	[sflag:s10] =	ssyncadd.s32 $0xFFFFFFF0  }
0x7d: {  	v9 =	vld [tilespmem:$0x18360]  }
0x7e: {  	s13 =	simm.s32 $0x400;
	s11 =	simm.s32 $0x0;
	v8 =	vld [tilespmem:$0x18370]  }
.LBB2_4:
0x7f: {  	p0 =	sne.s32 s13, $0x7C00;
	[tilespmem:s11+$0x184A0] =	vst v5  }
0x80: {  	[tilespmem:s11+$0x183B0] =	vst v4  }
0x81: {  	[tilespmem:s11+$0x18430] =	vst v5  }
0x82: {  	[tilespmem:s11+$0x183C0] =	vst v4  }
0x83: {  	[tilespmem:s11+$0x18440] =	vst v5  }
0x84: {  	[tilespmem:s11+$0x183D0] =	vst v4  }
0x85: {  	[tilespmem:s11+$0x18450] =	vst v5  }
0x86: {  	[tilespmem:s11+$0x183E0] =	vst v4  }
0x87: {  	[tilespmem:s11+$0x18460] =	vst v5  }
0x88: {  	[tilespmem:s11+$0x183F0] =	vst v4  }
0x89: {  	[tilespmem:s11+$0x18470] =	vst v5  }
.Ltmp3:
0x8a: {  	[tilespmem:s11+$0x18400] =	vst v4;
	(pc) =	sbr.rel @p0 .LBB2_4-.Ltmp3, $4  }
0x8b: {  	[tilespmem:s11+$0x18480] =	vst v5  }
0x8c: {  	[tilespmem:s11+$0x18410] =	vst v4  }
0x8d: {  	[tilespmem:s11+$0x18490] =	vst v5  }
0x8e: {  	[tilespmem:s11+$0x18420] =	vst v4;
	s11 =	sshra.s32 s13, $0x2;
	s13 =	sadd.s32 $0x400, s13  }
0x8f: {  	vm4 =	vlt.s32 v9, v0  }
0x90: {  	v9 =	vsel vm4, $0x1, v3;
	vm4 =	vlt.s32 v8, v1  }
0x91: {  	(xrf0) =	vadd.scan.msk.s32 $0xffff, v9;
	v8 =	vsel vm4, $0x1, v3  }
0x92: {  	(xrf0) =	vadd.scan.msk.s32 $0xffff, v8;
	_ =	sdelay $0x4  }
0x93: {  	v8, _, _ =	vpop (xrf0)  }
0x94: {  	(v2sf) =	vpush v8, $0xF;
	v8, _, _ =	vpop (xrf0)  }
0x95: {  	(v2sf) =	vpush v8, $0xF;
	_ =	sdelay $0x5  }
0x96: {  	[tilespmem:s11+$0x184A0] =	vst v5  }
0x97: {  	[tilespmem:s11+$0x183B0] =	vst v4  }
0x98: {  	[tilespmem:s11+$0x18430] =	vst v5  }
0x99: {  	[tilespmem:s11+$0x183C0] =	vst v4  }
0x9a: {  	[tilespmem:s11+$0x18440] =	vst v5  }
0x9b: {  	[tilespmem:s11+$0x183D0] =	vst v4  }
0x9c: {  	[tilespmem:s11+$0x18450] =	vst v5  }
0x9d: {  	[tilespmem:s11+$0x183E0] =	vst v4  }
0x9e: {  	[tilespmem:s11+$0x18460] =	vst v5;
	s13 =	spop (v2sf)  }
0x9f: {  	[tilespmem:s11+$0x183F0] =	vst v4;
	s17 =	spop (v2sf)  }
0xa0: {  	[tilespmem:s11+$0x18470] =	vst v5;
	s16 =	sadd.s32 s0, s13;
	s17 =	sadd.s32 s1, s17  }
0xa1: {  	[tilespmem:s11+$0x18400] =	vst v4;
	s0 =	ssub.s32 s17, s16  }
0xa2: {  	[tilespmem:s11+$0x18480] =	vst v5;
	s0 =	sadd.s32 $0xFF, s0  }
0xa3: {  	[tilespmem:s11+$0x18410] =	vst v4;
	p0 =	slt.s32 s0, $0x100  }
.Ltmp4:
0xa4: {  	[tilespmem:s11+$0x18490] =	vst v5;
	(pc) =	sbr.rel @p0 .LBB2_18-.Ltmp4, $4  }
0xa5: {  	[tilespmem:s11+$0x18420] =	vst v4  }
0xa6: {  	[tilespmem:$0x18380] =	vst v6;
	v8 =	vmov s17  }
0xa7: {  	[tilespmem:$0x18390] =	vst v6;
	v8 =	vnsel vm1, $0x4E201, v8  }
0xa8: {  	[tilespmem:$0x183A0] =	vst v8  }
0xa9: {  	p0 =	slt.s32 s16, $0x4E100;
	s1 =	smov.u32 s16  }
0xaa: {  	s1 =	simm.s32 @!p0 $0x4E100  }
0xab: {  	s11 =	sshra.s32 s1, $0x1F  }
0xac: {  	s11 =	sshrl.u32 s11, $0x1C  }
0xad: {  	s11 =	sadd.s32 s11, s1  }
0xae: {  	s1 =	sshll.u32 s1, $0x4;
	s11 =	sand.u32 $0xFFFFFFF0, s11  }
0xaf: {  	s1 =	sand.u32 $0x1FFFFFF0, s1;
	s11 =	sadd.s32 $0xFFFFFFF0, s11  }
0xb0: {  	s1 =	sadd.s32 s2, s1;
	p0 =	sgt.s32 s11, $0x0  }
0xb1: {  	[tilespmem:s4], [sflag:$0x1] =	stream.linear.gather [hbm4b:s1+s4], $0x8000, $0x38;
	[tilespmem:$0x1A3B0] =	vst v63  }
0xb2: {  	s11 =	simm.s32 @!p0 $0x0  }
0xb3: {  	s11 =	smin.u32 s11, $0x4E0E0  }
0xb4: {  	s28 =	sshrl.u32 s11, $0x3  }
0xb5: {  	s29 =	simm.s32 $0x18000;
	p0 =	slt.u32 s0, $0x200;
	s1 =	sadd.s32 s3, s28  }
0xb6: {  	[tilespmem:s29], [sflag:$0x4] =	stream.linear.gather [hbm4b:s1+s4], $0x120, $0x38;
	[tilespmem:$0x1A3B0] =	vst v63  }
0xb7: {  	s1 =	sadd.s32 @!p0 $0x100, s16  }
0xb8: {  	p1 =	slt.s32 @!p0 s1, $0x4E100  }
0xb9: {  	p1 =	por !p1, p0  }
0xba: {  	s1 =	simm.s32 @p1 $0x4E100  }
0xbb: {  	s11 =	sshra.s32 @!p0 s1, $0x1F  }
0xbc: {  	s11 =	sshrl.u32 @!p0 s11, $0x1C  }
0xbd: {  	s11 =	sadd.s32 @!p0 s11, s1  }
0xbe: {  	s1 =	sshll.u32 @!p0 s1, $0x4;
	s11 =	sand.u32 @!p0 $0xFFFFFFF0, s11  }
0xbf: {  	s18 =	simm.s32 @!p0 $0x0;
	s1 =	sand.u32 @!p0 $0x1FFFFFF0, s1;
	s11 =	sadd.s32 @!p0 $0xFFFFFFF0, s11  }
0xc0: {  	s19 =	simm.s32 @!p0 $0x8000;
	s1 =	sadd.s32 @!p0 s2, s1;
	p1 =	sgt.s32 @!p0 s11, $0x0  }
0xc1: {  	[tilespmem:s19], [sflag:$0x2] =	stream.linear.gather @!p0 [hbm4b:s1+s18], $0x8000, $0x38;
	[tilespmem:$0x1A3B0] =	vst v63  }
0xc2: {  	p1 =	por !p1, p0  }
0xc3: {  	s13 =	sshra.s32 s0, $0x1F;
	v8 =	vmov s16;
	v9 =	vimm.f32 $0.0e+00;
	s20 =	smov.u32 s16;
	s11 =	simm.s32 @p1 $0x0  }
.Ltmp5:
0xc4: {  	v10 =	vimm.f32 $-Inf;
	v11 =	vimm.f32 $-Inf;
	v12 =	vimm.f32 $-Inf;
	s22 =	simm.s32 $0x0;
	s11 =	smin.u32 @!p0 s11, $0x4E0E0;
	(pc) =	sbr.rel .LBB2_7-.Ltmp5, $4  }
0xc5: {  	v13 =	vimm.f32 $-Inf;
	v14 =	vimm.f32 $-Inf;
	v15 =	vimm.f32 $-Inf;
	s23 =	simm.s32 $0x0;
	s30 =	sshrl.u32 s13, $0x18;
	s11 =	sshrl.u32 @!p0 s11, $0x3  }
0xc6: {  	v16 =	vimm.f32 $-Inf;
	v17 =	vimm.f32 $-Inf;
	v18 =	vimm.f32 $0.0e+00;
	s31 =	sadd.s32 s30, s0;
	s1 =	sadd.s32 @!p0 s3, s11;
	s11 =	simm.s32 @!p0 $0x18120  }
0xc7: {  	v19 =	vimm.f32 $0.0e+00;
	v20 =	vimm.f32 $0.0e+00;
	v21 =	vimm.f32 $0.0e+00;
	[tilespmem:s11], [sflag:$0x5] =	stream.linear.gather @!p0 [hbm4b:s1+s18], $0x120, $0x38;
	[tilespmem:$0x1A3B0] =	vst v63  }
0xc8: {  	v22 =	vimm.f32 $0.0e+00;
	v23 =	vimm.f32 $0.0e+00;
	v24 =	vimm.f32 $0.0e+00;
	s21 =	simm.s32 $0x0;
	s19 =	simm.s32 $0x0;
	s18 =	sshra.s32 s31, $0x8  }
.LBB2_10:
0xc9: {  	s30 =	smov.u32 s23  }
.LBB2_17:
0xca: {  	p0 =	seq.s32 s22, $0x2;
	s21 =	sadd.s32 $0x1, s21  }
0xcb: {  	s28 =	simm.s32 @p0 $0x0;
	p0 =	sne.s32 s21, s18  }
.Ltmp6:
0xcc: {  	_ = 	snop;
	(pc) =	sbr.rel @!p0 .LBB2_18-.Ltmp6, $2  }
0xcd: {  	_ =	sdelay $0x2  }
0xce: {  	s20 =	sadd.s32 $0x100, s20;
	s23 =	smov.u32 s30;
	s22 =	smov.u32 s28  }
.LBB2_7:
0xcf: {  	s0 =	sshll.u32 s21, $0x8  }
0xd0: {  	s1 =	sadd.s32 s16, s0  }
0xd1: {  	p0 =	slt.s32 s1, $0x4E100;
	s24 =	smov.u32 s1  }
0xd2: {  	s24 =	simm.s32 @!p0 $0x4E100  }
0xd3: {  	s25 =	sshra.s32 s24, $0x1F  }
0xd4: {  	s0 =	sshrl.u32 s25, $0x1C  }
0xd5: {  	s0 =	sadd.s32 s0, s24  }
0xd6: {  	s0 =	sand.u32 $0xFFFFFFF0, s0  }
0xd7: {  	s0 =	sadd.s32 $0xFFFFFFF0, s0  }
0xd8: {  	s11 =	smul.u32 $0x480, s22;
	p0 =	sgt.s32 s0, $0x0  }
0xd9: {  	p1 =	slt.s32 s20, $0x4E100;
	s13 =	smov.u32 s20;
	s0 =	simm.s32 @!p0 $0x0  }
0xda: {  	s13 =	simm.s32 @!p1 $0x4E100;
	s26 =	sshra.s32 s11, $0x2;
	s25 =	smin.u32 s0, $0x4E0E0  }
0xdb: {  	s29 =	sand.u32 $0x7, s24;
	s0 =	sadd.s32 $0x18000, s26;
	s26 =	ssub.s32 s13, s25  }
0xdc: {  	s11 =	sor.u32 s29, s0;
	s13 =	sadd.s32 $0x0, s26  }
0xdd: {  	s30 =	sadd.s32 $0x4, s22;
	v25 =	vmov s11;
	s11 =	sadd.s32 $0xFFFFFFFF, s13  }
0xde: {  	_ =	swait.ge [sflag:s30], $0x120;
	p0 =	sgt.s32 s11, $0x0  }
0xdf: {  	[sflag:s30] =	ssyncset.done $0x0;
	s11 =	simm.s32 @!p0 $0x0  }
0xe0: {  	[sflag:s30] =	ssyncadd.s32 $0xFFFFFEE0;
	s31 =	sand.u32 $0x7FFFFFF8, s11  }
0xe1: {  	s13 =	sand.u32 $0xFFFFFFF8, s13;
	s11 =	sand.u32 $0x7, s11;
	s25 =	sadd.s32 s31, s0  }
0xe2: {  	v30 =	vld.idx.msk [tilespmem:v25+s13+$0x0 ss:$0x1], $0xffff;
	s11 =	sadd.s32 s11, s25  }
0xe3: {  	v28 =	vld [tilespmem:s11+$0x0];
	_ =	sdelay $0x1  }
0xe4: {  	s11 =	sadd.s32 $0x100, s1  }
0xe5: {  	v31 =	vor.u32 s19, v2;
	v26 =	vmov s24;
	s25 =	smov.u32 s17;
	p0 =	slt.s32 s11, s17  }
0xe6: {  	v29 =	vadd.s32 v26, v31;
	s1 =	ssub.s32 s1, s24;
	s25 =	smov.u32 @p0 s11  }
0xe7: {  	vm5 =	veq.s32 v29, v8;
	v27 =	vmov s1;
	s11 =	ssub.s32 s25, s24;
	vm4 =	vne.s32 v30, v28  }
0xe8: {  	v28 =	vmov s11;
	vm4 =	vmor vm5, vm4;
	vm5 =	vge.s32 v31, v27  }
0xe9: {  	v32 =	vsub.s32 v30, v0;
	vm4 =	vmand vm5, vm4;
	vm5 =	vlt.s32 v31, v28  }
0xea: {  	v30 =	vand.u32 $0x7, v30;
	v31 =	vand.u32 $0xFFFFFFF8, v32;
	vm4 =	vmand vm5, vm4  }
0xeb: {  	s28 =	simm.s32 $0x20;
	s13 =	sadd.s32 $0x10, s26;
	s11 =	simm.s32 $0x10;
	v30 =	vor.u32 v30, v31  }
.LBB2_8:
0xec: {  	p1 =	sne.s32 s28, $0xF0;
	s29 =	sadd.s32 $0xFFFFFFFF, s13  }
0xed: {  	p2 =	sgt.s32 s29, $0x0  }
0xee: {  	s29 =	simm.s32 @!p2 $0x0  }
0xef: {  	s30 =	sand.u32 $0x7FFFFFF8, s29  }
0xf0: {  	s13 =	sand.u32 $0xFFFFFFF8, s13;
	s29 =	sand.u32 $0x7, s29;
	s30 =	sadd.s32 s30, s0;
	[tilespmem:v30+s12+$0x0] =	vst.idx.msk vm4, v29  }
0xf1: {  	v30 =	vld.idx.msk [tilespmem:v25+s13+$0x0 ss:$0x1], $0xffff;
	s13 =	sadd.s32 s29, s30  }
0xf2: {  	v31 =	vld [tilespmem:s13+$0x0];
	_ =	sdelay $0x2  }
0xf3: {  	v32 =	vor.u32 s11, v2;
	s11 =	smov.u32 s28  }
0xf4: {  	v29 =	vadd.s32 v26, v32  }
.Ltmp7:
0xf5: {  	vm5 =	veq.s32 v29, v8;
	vm4 =	vne.s32 v30, v31;
	(pc) =	sbr.rel @p1 .LBB2_8-.Ltmp7, $4  }
0xf6: {  	vm4 =	vmor vm5, vm4;
	vm5 =	vge.s32 v32, v27  }
0xf7: {  	v31 =	vsub.s32 v30, v0;
	vm4 =	vmand vm5, vm4;
	vm5 =	vlt.s32 v32, v28  }
0xf8: {  	v30 =	vand.u32 $0x7, v30;
	v31 =	vand.u32 $0xFFFFFFF8, v31;
	vm4 =	vmand vm5, vm4  }
0xf9: {  	s28 =	sadd.s32 $0x10, s28;
	s13 =	sadd.s32 s11, s26;
	v30 =	vor.u32 v30, v31  }
0xfa: {  	_ = 	snop  }
0xfb: {  	s26 =	sadd.s32 $0xFFFFFFFF, s13  }
0xfc: {  	p1 =	sgt.s32 s26, $0x0  }
0xfd: {  	s26 =	simm.s32 @!p1 $0x0  }
0xfe: {  	s28 =	sand.u32 $0x7FFFFFF8, s26  }
0xff: {  	s31 =	sand.u32 $0xFFFFFFF8, s13;
	[tilespmem:v30+s12+$0x0] =	vst.idx.msk vm4, v29;
	s26 =	sand.u32 $0x7, s26;
	s0 =	sadd.s32 s28, s0  }
0x100: {  	v25 =	vld.idx.msk [tilespmem:v25+s31+$0x0 ss:$0x1], $0xffff;
	s0 =	sadd.s32 s26, s0  }
0x101: {  	v29 =	vld [tilespmem:s0+$0x0];
	_ =	sdelay $0x2  }
0x102: {  	v58 =	vor.u32 s11, v2  }
0x103: {  	v26 =	vadd.s32 v26, v58  }
0x104: {  	vm5 =	veq.s32 v26, v8;
	vm4 =	vne.s32 v25, v29  }
0x105: {  	vm4 =	vmor vm5, vm4;
	vm5 =	vge.s32 v58, v27  }
0x106: {  	v27 =	vsub.s32 v25, v0;
	vm4 =	vmand vm5, vm4;
	vm5 =	vlt.s32 v58, v28  }
0x107: {  	v25 =	vand.u32 $0x7, v25;
	v27 =	vand.u32 $0xFFFFFFF8, v27;
	vm4 =	vmand vm5, vm4  }
0x108: {  	v25 =	vor.u32 v25, v27;
	_ =	sdelay $0x4  }
0x109: {  	[tilespmem:v25+s12+$0x0] =	vst.idx.msk vm4, v26  }
0x10a: {  	v25 =	vld [tilespmem:$0x183A0];
	_ =	sdelay $0x1  }
0x10b: {  	v26 =	vld [tilespmem:$0x18390];
	_ =	sdelay $0x2  }
0x10c: {  	v25 =	vperm.xlane v25, v7  }
0x10d: {  	v27 =	vld [tilespmem:$0x18380]  }
0x10e: {  	v26 =	vperm.xlane v26, v7;
	v25 =	vsub.s32 $0x80000000, v25  }
0x10f: {  	(xrf0) =	vmax.scan.msk.u32 $0xffff, v25  }
0x110: {  	v25 =	vsub.s32 $0x80000000, v26  }
0x111: {  	(xrf0) =	vmax.scan.msk.u32 $0xffff, v25  }
0x112: {  	v25 =	vperm.xlane v27, v7;
	_ =	sdelay $0x1  }
0x113: {  	v25 =	vsub.s32 $0x80000000, v25  }
0x114: {  	v26, _, _ =	vpop (xrf0);
	(xrf0) =	vmax.scan.msk.u32 $0xffff, v25  }
0x115: {  	v25 =	vxor.u32 $0x7FFFFFFF, v26  }
0x116: {  	v26, _, _ =	vpop (xrf0);
	v25 =	vadd.s32 $0x1, v25  }
0x117: {  	v26 =	vxor.u32 $0x7FFFFFFF, v26;
	v25 =	vperm.xlane v25, v7  }
0x118: {  	v26 =	vadd.s32 $0x1, v26  }
0x119: {  	v26 =	vperm.xlane v26, v7;
	v27 =	vbroadcast v25, $0x0  }
0x11a: {  	v59, _, _ =	vpop (xrf0)  }
0x11b: {  	vm4 =	vlt.s32 v26, v27;
	v28 =	vxor.u32 $0x7FFFFFFF, v59  }
0x11c: {  	v26 =	vsel vm4, v26, v27;
	v27 =	vadd.s32 $0x1, v28  }
0x11d: {  	v27 =	vperm.xlane v27, v7;
	v60 =	vbroadcast v26, $0x0;
	_ =	sdelay $0x1  }
0x11e: {  	vm4 =	vlt.s32 v27, v60  }
0x11f: {  	v27 =	vsel vm4, v27, v60;
	vm4 =	vle.s32 v25, s25  }
0x120: {  	vm6 =	vle.s32 v26, s25;
	vm5 =	vle.s32 v27, s25;
	vm4 =	vmand vm4, vm3  }
0x121: {  	v61 =	vsel vm6, $0x1, v3;
	vm5 =	vmand vm5, vm2;
	v62 =	vsel vm4, $0x1, v3  }
0x122: {  	v63 =	vsel vm5, $0x1, v3;
	v28 =	vadd.s32 v62, v61  }
0x123: {  	v28 =	vadd.s32 v63, v28  }
0x124: {  	(xrf0) =	vadd.scan.msk.s32 $0xffff, v28;
	_ =	sdelay $0x5  }
0x125: {  	v28, _, _ =	vpop (xrf0)  }
0x126: {  	(v2sf) =	vpush v28, $0xF;
	_ =	sdelay $0x5  }
0x127: {  	s0 =	sadd.s32 $0x2, s21  }
0x128: {  	p1 =	sge.s32 s0, s18  }
0x129: {  	s0 =	sshll.u32 @!p1 s0, $0x8  }
0x12a: {  	s0 =	sadd.s32 @!p1 s16, s0  }
0x12b: {  	p2 =	slt.s32 @!p1 s0, $0x4E100  }
0x12c: {  	p2 =	por !p2, p1  }
0x12d: {  	s28 =	sadd.s32 $0x1, s22;
	s0 =	simm.s32 @p2 $0x4E100  }
0x12e: {  	s26 =	sadd.s32 @!p1 $0xFFFFFFFF, s22;
	p2 =	seq.s32 @!p1 s22, $0x0;
	s13 =	sshra.s32 @!p1 s0, $0x1F;
	[tilespmem:$0x183A0] =	vst v25  }
0x12f: {  	s31 =	simm.s32 @!p1 $0x0;
	p2 =	por !p2, p1;
	s13 =	sshrl.u32 @!p1 s13, $0x1C;
	[tilespmem:$0x18390] =	vst v26  }
0x130: {  	s26 =	simm.s32 @!p2 $0x2;
	s13 =	sadd.s32 @!p1 s13, s0;
	[tilespmem:$0x18380] =	vst v27;
	s11 =	spop (v2sf)  }
0x131: {  	s29 =	sshll.u32 @!p1 s26, $0x11;
	s0 =	sshll.u32 @!p1 s0, $0x4;
	_ =	swait.ge [sflag:s28], $0x8000  }
0x132: {  	s30 =	sadd.s32 @!p1 $0x1, s26;
	s0 =	sand.u32 @!p1 $0x1FFFFFF0, s0;
	[sflag:s28] =	ssyncset.done $0x0  }
0x133: {  	s29 =	sshra.s32 @!p1 s29, $0x2;
	s0 =	sadd.s32 @!p1 s2, s0;
	[sflag:s28] =	ssyncadd.s32 $0xFFFF8000  }
0x134: {  	[tilespmem:s29], [sflag:s30] =	stream.linear.gather @!p1 [hbm4b:s0+s31], $0x8000, $0x38;
	[tilespmem:$0x1A3B0] =	vst v63  }
0x135: {  	s13 =	sand.u32 @!p1 $0xFFFFFFF0, s13;
	s0 =	simm.s32 $0x1  }
0x136: {  	s13 =	sadd.s32 @!p1 $0xFFFFFFF0, s13;
	s0 =	simm.s32 @!p0 $0x0  }
0x137: {  	p2 =	sgt.s32 @!p1 s13, $0x0;
	s0 =	ssub.s32 s0, s23  }
0x138: {  	p0 =	por !p2, p1;
	s29 =	sadd.s32 s11, s0  }
0x139: {  	s30 =	smul.u32 @!p1 $0x480, s26;
	s13 =	simm.s32 @p0 $0x0;
	p0 =	slt.s32 s29, $0x1  }
.Ltmp8:
0x13a: {  	_ = 	snop;
	(pc) =	sbr.rel @p0 .LBB2_10-.Ltmp8, $4  }
0x13b: {  	s13 =	smin.u32 @!p1 s13, $0x4E0E0  }
0x13c: {  	s0 =	sshra.s32 @!p1 s30, $0x2;
	s11 =	sshrl.u32 @!p1 s13, $0x3  }
0x13d: {  	s0 =	sadd.s32 @!p1 $0x18000, s0;
	s13 =	sadd.s32 @!p1 $0x4, s26;
	s11 =	sadd.s32 @!p1 s3, s11  }
0x13e: {  	[tilespmem:s0], [sflag:s13] =	stream.linear.gather @!p1 [hbm4b:s11+s31], $0x120, $0x38;
	[tilespmem:$0x1A3B0] =	vst v63  }
.Ltmp9:
0x13f: {  	(pc) =	sbr.rel .LBB2_12-.Ltmp9, $4  }
0x140: {  	_ = 	snop  }
0x141: {  	s0 =	sshll.u32 s22, $0x11  }
0x142: {  	s0 =	sshra.s32 s0, $0x2  }
0x143: {  	s31 =	sor.u32 $0x40, s0;
	s0 =	simm.s32 $0x0  }
.LBB2_15:
0x144: {  	v21 =	vadd.f32 v27, v21  }
0x145: {  	v14 =	vmax.f32 v14, v27;
	v20 =	vadd.f32 v25, v20;
	v13 =	vmax.f32 v13, v25  }
0x146: {  	v19 =	vadd.f32 v26, v19;
	v12 =	vmax.f32 v12, v26;
	v18 =	vadd.f32 v29, v18  }
0x147: {  	v11 =	vmax.f32 v11, v29;
	v24 =	vadd.f32 v28, v24;
	v17 =	vmax.f32 v17, v28  }
.LBB2_16:
0x148: {  	p0 =	sgt.s32 s11, s25  }
0x149: {  	s1 =	sshll.u32 @!p0 s23, $0xA  }
0x14a: {  	s1 =	sshra.s32 @!p0 s1, $0x2  }
0x14b: {  	[tilespmem:s1+$0x183B0] =	vst @!p0 v24  }
0x14c: {  	[tilespmem:s1+$0x18430] =	vst @!p0 v17  }
0x14d: {  	[tilespmem:s1+$0x183C0] =	vst @!p0 v23  }
0x14e: {  	[tilespmem:s1+$0x18440] =	vst @!p0 v16  }
0x14f: {  	[tilespmem:s1+$0x18450] =	vst @!p0 v15  }
0x150: {  	[tilespmem:s1+$0x183E0] =	vst @!p0 v21  }
0x151: {  	[tilespmem:s1+$0x18460] =	vst @!p0 v14  }
0x152: {  	[tilespmem:s1+$0x183F0] =	vst @!p0 v20  }
0x153: {  	[tilespmem:s1+$0x18470] =	vst @!p0 v13  }
0x154: {  	s0 =	sadd.s32 $0x1, s0;
	[tilespmem:s1+$0x18480] =	vst @!p0 v12  }
0x155: {  	p1 =	sne.s32 s0, s29;
	[tilespmem:s1+$0x184A0] =	vst @!p0 v10;
	v10 =	vpsel !p0, $0xFF800000, v10  }
.Ltmp10:
0x156: {  	[tilespmem:s1+$0x18490] =	vst @!p0 v11;
	v11 =	vpsel !p0, $0xFF800000, v11;
	v12 =	vpsel !p0, $0xFF800000, v12;
	v13 =	vpsel !p0, $0xFF800000, v13;
	(pc) =	sbr.rel @!p1 .LBB2_17-.Ltmp10, $4  }
0x157: {  	[tilespmem:s1+$0x18410] =	vst @!p0 v18;
	v14 =	vpsel !p0, $0xFF800000, v14;
	v15 =	vpsel !p0, $0xFF800000, v15;
	v16 =	vpsel !p0, $0xFF800000, v16  }
0x158: {  	[tilespmem:s1+$0x18420] =	vst @!p0 v9;
	v17 =	vpsel !p0, $0xFF800000, v17;
	v9 =	vpsel !p0, $0x0, v9;
	v18 =	vpsel !p0, $0x0, v18  }
0x159: {  	s30 =	smov.u32 @p0 s23;
	[tilespmem:s1+$0x18400] =	vst @!p0 v19;
	v19 =	vpsel !p0, $0x0, v19;
	v20 =	vpsel !p0, $0x0, v20;
	v21 =	vpsel !p0, $0x0, v21  }
0x15a: {  	s23 =	smov.u32 s30;
	[tilespmem:s1+$0x183D0] =	vst @!p0 v22;
	v22 =	vpsel !p0, $0x0, v22;
	v23 =	vpsel !p0, $0x0, v23;
	v24 =	vpsel !p0, $0x0, v24;
	s1 =	smov.u32 s26  }
.LBB2_12:
0x15b: {  	s30 =	sadd.s32 $0x1, s23  }
0x15c: {  	v25 =	vmov s30;
	_ =	sdelay $0x4  }
0x15d: {  	v25 =	vld.idx.msk [tilespmem:v25+s12+$0x0], $0xffff;
	_ =	sdelay $0x4  }
0x15e: {  	(v2sf) =	vpush v25, $0x0;
	_ =	sdelay $0xe  }
0x15f: {  	s11 =	spop (v2sf)  }
0x160: {  	s13 =	smov.u32 s25;
	p0 =	slt.s32 s11, s25  }
0x161: {  	s13 =	smov.u32 @p0 s11  }
0x162: {  	s26 =	ssub.s32 s13, s24  }
0x163: {  	p0 =	sge.s32 s1, s26  }
.Ltmp11:
0x164: {  	_ = 	snop;
	(pc) =	sbr.rel @p0 .LBB2_16-.Ltmp11, $1  }
0x165: {  	_ =	sdelay $0x3  }
0x166: {  	s13 =	sshll.u32 s1, $0x9  }
0x167: {  	s13 =	sshra.s32 s13, $0x2  }
0x168: {  	s13 =	sadd.s32 s13, s31  }
0x169: {  	v28 =	vld [tilespmem:s13+$0x30]  }
0x16a: {  	v30 =	vld [tilespmem:s13+$0xFFFFFFD0]  }
0x16b: {  	s1 =	sadd.s32 $0x1, s1;
	v31 =	vld [tilespmem:s13+$0xFFFFFFE0]  }
0x16c: {  	p0 =	slt.s32 s1, s26;
	v27 =	vld [tilespmem:s13+$0xFFFFFFF0]  }
.Ltmp12:
0x16d: {  	v25 =	vld [tilespmem:s13+$0x0];
	(pc) =	sbr.rel @!p0 .LBB2_15-.Ltmp12, $4  }
0x16e: {  	v26 =	vld [tilespmem:s13+$0x10]  }
0x16f: {  	v29 =	vld [tilespmem:s13+$0x20]  }
0x170: {  	v9 =	vadd.f32 v28, v9;
	v10 =	vmax.f32 v10, v28;
	v23 =	vadd.f32 v30, v23;
	v28 =	vld [tilespmem:s13+$0xFFFFFFC0]  }
0x171: {  	v16 =	vmax.f32 v16, v30;
	v22 =	vadd.f32 v31, v22;
	v15 =	vmax.f32 v15, v31;
	s13 =	sadd.s32 $0x80, s13  }
.LBB2_14:
0x172: {  	v30 =	vld [tilespmem:s13+$0x30];
	s1 =	sadd.s32 $0x1, s1;
	v21 =	vadd.f32 v27, v21;
	v14 =	vmax.f32 v14, v27  }
0x173: {  	v20 =	vadd.f32 v25, v20;
	v13 =	vmax.f32 v13, v25;
	v31 =	vld [tilespmem:s13+$0xFFFFFFD0];
	p0 =	slt.s32 s1, s26  }
0x174: {  	v19 =	vadd.f32 v26, v19;
	v12 =	vmax.f32 v12, v26;
	v32 =	vld [tilespmem:s13+$0xFFFFFFE0]  }
.Ltmp13:
0x175: {  	v18 =	vadd.f32 v29, v18;
	v11 =	vmax.f32 v11, v29;
	v27 =	vld [tilespmem:s13+$0xFFFFFFF0];
	(pc) =	sbr.rel @p0 .LBB2_14-.Ltmp13, $4  }
0x176: {  	v24 =	vadd.f32 v28, v24;
	v17 =	vmax.f32 v17, v28;
	v25 =	vld [tilespmem:s13+$0x0]  }
0x177: {  	v26 =	vld [tilespmem:s13+$0x10];
	v9 =	vadd.f32 v30, v9;
	v10 =	vmax.f32 v10, v30  }
0x178: {  	v23 =	vadd.f32 v31, v23;
	v29 =	vld [tilespmem:s13+$0x20];
	v16 =	vmax.f32 v16, v31  }
0x179: {  	v28 =	vld [tilespmem:s13+$0xFFFFFFC0];
	v22 =	vadd.f32 v32, v22;
	v15 =	vmax.f32 v15, v32;
	s13 =	sadd.s32 $0x80, s13  }
.Ltmp14:
0x17a: {  	_ = 	snop;
	(pc) =	sbr.rel .LBB2_15-.Ltmp14, $1  }
0x17b: {  	_ =	sdelay $0x3  }
.LBB2_19:
0x17c: {  	_ =	sfence.sel $0x180000  }
0x17d: {  	[bflag:$0x0] =	sbarrier.arrive $0xFFFF  }
0x17e: {  	_ =	strace $0x90000047  }
0x17f: {  	s0 =	stileid.u32;
	[bflag:$0x2] =	sbarrier.arrive $0xFFFF  }
0x180: {  	p0 =	sne.s32 s0, $0x0;
	s0 =	rddreg [dreg:$0x3]  }
0x181: {  	s0 =	sadd.s32 @!p0 $0x100000, s0  }
0x182: {  	[sflag:s0] =	ssyncadd.tile.s32 @!p0 $0x1;
	_ =	shalt  }
.Lfunc_end2:
_tile_overlayer_lowered:
.L_overlay_start_2:
0x183: {  	(tag) =	ssettag $0x2  }
0x184: {  	s0 =	rddreg [dreg:$0x0];
	s2 =	stileid.u32  }
0x185: {  	s1 =	rddreg [dreg:$0x1];
	p0 =	sne.s32 s2, $0x0  }
0x186: {  	s3 =	rddreg [dreg:$0x2];
	[bflag:$0x3] =	sbarrier.arrive $0xFFFF;
	s2 =	simm.s32 @!p0 $0x1C09  }
0x187: {  	[timem:s3], [sflag:s2] =	dma.local @!p0 [hbm:s0], s1  }
0x188: {  	s0 =	simm.s32 @!p0 $0x9  }
0x189: {  	_ =	swait.ge @!p0 [sflag:s0], s1  }
0x18a: {  	s1 =	ssub.s32 @!p0 $0x0, s1;
	[sflag:s0] =	ssyncset.done @!p0 $0x0  }
0x18b: {  	[sflag:s0] =	ssyncadd.s32 @!p0 s1  }
0x18c: {  	[bflag:$0x3] =	sbarrier.arrive $0xFFFF  }
0x18d: {  	_ =	shalt  }

</sc_bundles>
